<compile_context>
chip_gen: v7x
topology: tpu7x:2x2x1
jax: 0.10.2.dev20260603
libtpu: 0.0.44.dev20260713+nightly
codegen_flags: <defaults>
</compile_context>

<pallas_src>
import functools

import jax
import jax.numpy as jnp
from jax import lax
from jax.experimental import pallas as pl
from jax.experimental.pallas import tpu as pltpu
from jax.experimental.pallas import tpu_sc as plsc

N_NODES = 10000
NPAD = 10240
PAD_ROW = 10000
N_EDGES = 320000
WIN = 128
NC, NS = 2, 16
NW = NC * NS
WPS = 80
EPAD = NW * WPS * WIN
RPS = NPAD // NS
NBUF = 4
BLK = 1000
GRID = N_NODES // BLK

_mesh = plsc.VectorSubcoreMesh(core_axis_name="core", subcore_axis_name="subcore")
_sc_params = pltpu.CompilerParams(
    use_tc_tiling_on_sc=False, needs_layout_passes=False
)


def _ring_msg_pass(ytab, acc, srcs, dsts, rows, gsem, ssem):

    def g_start(j, b):
        pltpu.async_copy(ytab.at[srcs.at[j]], rows.at[b], gsem[b])

    def g_wait(b):
        pltpu.make_async_copy(ytab.at[srcs.at[0]], rows.at[b], gsem[b]).wait()

    def s_start(j, b):
        pltpu.async_copy(rows.at[b], acc.at[dsts.at[j]], ssem[b], add=True)

    def s_wait(b):
        pltpu.make_async_copy(rows.at[b], acc.at[dsts.at[0]], ssem[b]).wait()

    for b in range(NBUF):
        g_start(b, b)

    @pl.loop(0, WPS - NBUF, step=NBUF)
    def _(j):
        for b in range(NBUF):
            g_wait(b)
            s_start(j + b, b)
        for b in range(NBUF):
            s_wait(b)
            g_start(j + NBUF + b, b)

    for b in range(NBUF):
        g_wait(b)
        s_start(WPS - NBUF + b, b)
    for b in range(NBUF):
        s_wait(b)


def _sc_layer1(u, src_w, dst_w, zeros_hbm):

    @functools.partial(
        pl.kernel,
        out_type=[
            jax.ShapeDtypeStruct((NC, NPAD, 16), jnp.float32),
            jax.ShapeDtypeStruct((NPAD, 16), jnp.float32),
        ],
        mesh=_mesh,
        compiler_params=_sc_params,
        scratch_types=[
            pltpu.VMEM_SHARED((NPAD,), jnp.float32),
            pltpu.VMEM_SHARED((NPAD, 16), jnp.float32),
            pltpu.VMEM_SHARED((NPAD, 16), jnp.float32),
            pltpu.VMEM((2, WPS, WIN), jnp.int32),
            pltpu.VMEM((WPS, WIN), jnp.int32),
            pltpu.VMEM((WPS, WIN), jnp.int32),
            pltpu.VMEM((RPS,), jnp.float32),
            pltpu.VMEM((RPS,), jnp.float32),
            pltpu.VMEM((RPS, 16), jnp.float32),
            pltpu.VMEM((RPS, 16), jnp.float32),
            pltpu.VMEM((WIN,), jnp.float32),
            pltpu.VMEM((NBUF, WIN, 16), jnp.float32),
            pltpu.SemaphoreType.DMA,
        ] + [pltpu.SemaphoreType.DMA] * (2 * NBUF),
    )
    def k(u_hbm, src_hbm, dst_hbm, z_hbm, out_hbm, dinv_hbm,
          degtab, ytab, acc, degd, srcs, dsts, deg_v, dinv_v, uy_v, drep_v,
          ones_v, rows, dsem, *sems):
        gsem, ssem = sems[:NBUF], sems[NBUF:]
        cid = lax.axis_index("core")
        sid = lax.axis_index("subcore")
        w = cid * NS + sid
        st = pl.ds(sid * RPS, RPS)
        pltpu.sync_copy(dst_hbm.at[pl.ds(sid * 2, 2)], degd)
        pltpu.sync_copy(src_hbm.at[w], srcs)
        pltpu.sync_copy(dst_hbm.at[w], dsts)

        @pl.loop(0, RPS // 16)
        def _(i):
            deg_v[pl.ds(i * 16, 16)] = jnp.zeros((16,), jnp.float32)

        pltpu.sync_copy(deg_v, degtab.at[st])

        @pl.loop(0, WIN // 16)
        def _(i):
            ones_v[pl.ds(i * 16, 16)] = jnp.ones((16,), jnp.float32)

        plsc.subcore_barrier()

        for q in range(2):
            @pl.loop(0, WPS)
            def _(j):
                pltpu.async_copy(ones_v, degtab.at[degd.at[q, j]], dsem, add=True)

        @pl.loop(0, 2 * WPS)
        def _(j):
            pltpu.make_async_copy(ones_v, degtab.at[degd.at[0, 0]], dsem).wait()

        plsc.subcore_barrier()

        pltpu.sync_copy(degtab.at[st], deg_v)

        @pl.loop(0, RPS // 16)
        def _(i):
            c = pl.ds(i * 16, 16)
            xv = deg_v[c] + 1.0
            sv = 0.5 * (xv + 1.0)
            for _it in range(15):
                sv = 0.5 * (sv + xv / sv)
            dinv_v[c] = 1.0 / sv

        pltpu.sync_copy(u_hbm.at[st], uy_v)

        lane = lax.iota(jnp.int32, 16)

        @pl.loop(0, RPS // 16)
        def _(i):
            chunk = dinv_v[pl.ds(i * 16, 16)]
            for j in range(16):
                d_s = jnp.sum(jnp.where(lane == j, chunk, 0.0))
                r = i * 16 + j
                uy_v[r] = uy_v[r] * d_s
                drep_v[r] = jnp.zeros((16,), jnp.float32) + d_s

        pltpu.sync_copy(uy_v, ytab.at[st])

        @pl.when(cid == 0)
        def _():
            pltpu.sync_copy(uy_v, acc.at[st])
            pltpu.sync_copy(drep_v, dinv_hbm.at[st])

        @pl.when(cid == 1)
        def _():
            pltpu.sync_copy(z_hbm.at[st], acc.at[st])

        plsc.subcore_barrier()
        _ring_msg_pass(ytab, acc, srcs, dsts, rows, gsem, ssem)
        plsc.subcore_barrier()
        pltpu.sync_copy(acc.at[st], out_hbm.at[cid, st])

    return k(u, src_w, dst_w, zeros_hbm)


def _sc_layer2(y, src_w, dst_w, zeros_hbm):

    @functools.partial(
        pl.kernel,
        out_type=jax.ShapeDtypeStruct((NC, NPAD, 16), jnp.float32),
        mesh=_mesh,
        compiler_params=_sc_params,
        scratch_types=[
            pltpu.VMEM_SHARED((NPAD, 16), jnp.float32),
            pltpu.VMEM_SHARED((NPAD, 16), jnp.float32),
            pltpu.VMEM((WPS, WIN), jnp.int32),
            pltpu.VMEM((WPS, WIN), jnp.int32),
            pltpu.VMEM((RPS, 16), jnp.float32),
            pltpu.VMEM((NBUF, WIN, 16), jnp.float32),
        ] + [pltpu.SemaphoreType.DMA] * (2 * NBUF),
    )
    def k(y_hbm, src_hbm, dst_hbm, z_hbm, out_hbm, ytab, acc, srcs, dsts,
          yv, rows, *sems):
        gsem, ssem = sems[:NBUF], sems[NBUF:]
        cid = lax.axis_index("core")
        sid = lax.axis_index("subcore")
        w = cid * NS + sid
        st = pl.ds(sid * RPS, RPS)
        pltpu.sync_copy(src_hbm.at[w], srcs)
        pltpu.sync_copy(dst_hbm.at[w], dsts)
        pltpu.sync_copy(y_hbm.at[st], yv)
        pltpu.sync_copy(yv, ytab.at[st])

        @pl.when(cid == 0)
        def _():
            pltpu.sync_copy(yv, acc.at[st])

        @pl.when(cid == 1)
        def _():
            pltpu.sync_copy(z_hbm.at[st], acc.at[st])

        plsc.subcore_barrier()
        _ring_msg_pass(ytab, acc, srcs, dsts, rows, gsem, ssem)
        plsc.subcore_barrier()
        pltpu.sync_copy(acc.at[st], out_hbm.at[cid, st])

    return k(y, src_w, dst_w, zeros_hbm)


def _mm_kernel(x_ref, w_ref, u_ref):
    u_ref[...] = jnp.dot(
        x_ref[...], w_ref[...], preferred_element_type=jnp.float32,
        precision=lax.Precision.HIGHEST,
    )


def _tc_matmul(x, W1):
    return pl.pallas_call(
        _mm_kernel,
        grid=(GRID,),
        in_specs=[
            pl.BlockSpec((BLK, 128), lambda i: (i, 0)),
            pl.BlockSpec((128, 16), lambda i: (0, 0)),
        ],
        out_specs=pl.BlockSpec((BLK, 16), lambda i: (i, 0)),
        out_shape=jax.ShapeDtypeStruct((NPAD, 16), jnp.float32),
    )(x, W1)


def _mid_kernel(s0_ref, s1_ref, dinv_ref, b1_ref, y2_ref):
    dinv = dinv_ref[...]
    h = dinv * (s0_ref[0] + s1_ref[0]) + b1_ref[...]
    h = jnp.maximum(h, 0.0)
    y2_ref[...] = h * dinv


def _tc_mid(s1p, dinv16, b1):
    return pl.pallas_call(
        _mid_kernel,
        grid=(GRID,),
        in_specs=[
            pl.BlockSpec((1, BLK, 16), lambda i: (0, i, 0)),
            pl.BlockSpec((1, BLK, 16), lambda i: (1, i, 0)),
            pl.BlockSpec((BLK, 16), lambda i: (i, 0)),
            pl.BlockSpec((1, 16), lambda i: (0, 0)),
        ],
        out_specs=pl.BlockSpec((BLK, 16), lambda i: (i, 0)),
        out_shape=jax.ShapeDtypeStruct((NPAD, 16), jnp.float32),
    )(s1p, s1p, dinv16, b1)


def _post_kernel(s0_ref, s1_ref, dinv_ref, b2_ref, w2_ref, o_ref):
    agg = dinv_ref[...] * (s0_ref[0] + s1_ref[0])
    z = jnp.dot(
        agg, w2_ref[...], preferred_element_type=jnp.float32,
        precision=lax.Precision.HIGHEST,
    ) + b2_ref[...]
    m = jnp.max(z, axis=1, keepdims=True)
    zs = z - m
    lse = jnp.log(jnp.sum(jnp.exp(zs), axis=1, keepdims=True))
    o_ref[...] = zs - lse


def _tc_post(s2p, dinv16, b2, W2):
    return pl.pallas_call(
        _post_kernel,
        grid=(GRID,),
        in_specs=[
            pl.BlockSpec((1, BLK, 16), lambda i: (0, i, 0)),
            pl.BlockSpec((1, BLK, 16), lambda i: (1, i, 0)),
            pl.BlockSpec((BLK, 16), lambda i: (i, 0)),
            pl.BlockSpec((1, 40), lambda i: (0, 0)),
            pl.BlockSpec((16, 40), lambda i: (0, 0)),
        ],
        out_specs=pl.BlockSpec((BLK, 40), lambda i: (i, 0)),
        out_shape=jax.ShapeDtypeStruct((N_NODES, 40), jnp.float32),
    )(s2p, s2p, dinv16, b2, W2)


def kernel(x, edge_index, W1, b1, W2, b2):
    src = edge_index[0].astype(jnp.int32)
    dst = edge_index[1].astype(jnp.int32)
    src_w = jnp.pad(src, (0, EPAD - N_EDGES)).reshape(NW, WPS, WIN)
    dst_p = jnp.pad(dst, (0, EPAD - N_EDGES), constant_values=PAD_ROW)
    dst_w = dst_p.reshape(NW, WPS, WIN)
    z16 = jnp.zeros((NPAD, 16), jnp.float32)

    u = _tc_matmul(x, W1)
    s1p, dinv16 = _sc_layer1(u, src_w, dst_w, z16)
    y2 = _tc_mid(s1p, dinv16, b1.reshape(1, 16))
    s2p = _sc_layer2(y2, src_w, dst_w, z16)
    return _tc_post(s2p, dinv16, b2.reshape(1, 40), W2)

# --- scband reference (transcript-rebuilt; emitter-appended) ---
"""Pipeline reference for scband-gcn-87076166959724 (READ-ONLY COPY).

The authoritative reference and input builder live on the scoring server;
editing this copy changes nothing except your own understanding.
"""

import jax, jax.numpy as jnp
import numpy as np

N_NODES = 10000
IN_DIM = 128
HIDDEN = 16
NUM_CLASSES = 40
N_EDGES = 320000


def gcn_conv(x, edge_index, W, b, num_nodes):
    # PyG GCNConv: add self-loops, symmetric normalization, then scatter-add
    src = edge_index[0]
    dst = edge_index[1]
    loop = jnp.arange(num_nodes, dtype=edge_index.dtype)
    src = jnp.concatenate([src, loop])
    dst = jnp.concatenate([dst, loop])
    xw = x @ W  # linear transform first (out_dim small -> cheap messages)
    deg = jnp.zeros((num_nodes,), dtype=xw.dtype).at[dst].add(1.0)
    dinv = 1.0 / jnp.sqrt(jnp.clip(deg, 1.0))
    norm = dinv[src] * dinv[dst]
    msg = xw[src] * norm[:, None]  # gather
    out = jnp.zeros((num_nodes, xw.shape[1]), dtype=xw.dtype).at[dst].add(msg)  # scatter-add
    return out + b


def setup_inputs(seed: int = 0) -> dict:
    key = jax.random.key(seed)
    k1, k2, k3, k4, k5, k6 = jax.random.split(key, 6)
    x = jax.random.normal(k1, (N_NODES, IN_DIM), dtype=jnp.float32)
    edge_index = jax.random.randint(k2, (2, N_EDGES), 0, N_NODES, dtype=jnp.int64)
    # Glorot-style init for GCNConv weights
    W1 = jax.random.normal(k3, (IN_DIM, HIDDEN), dtype=jnp.float32) * (1.0 / np.sqrt(IN_DIM))
    b1 = jnp.zeros((HIDDEN,), dtype=jnp.float32)
    W2 = jax.random.normal(k4, (HIDDEN, NUM_CLASSES), dtype=jnp.float32) * (1.0 / np.sqrt(HIDDEN))
    b2 = jnp.zeros((NUM_CLASSES,), dtype=jnp.float32)
    return {"x": x, "edge_index": edge_index, "W1": W1, "b1": b1, "W2": W2, "b2": b2}


def reference(x, edge_index, W1, b1, W2, b2):
    h = gcn_conv(x, edge_index, W1, b1, N_NODES)
    h = jax.nn.relu(h)
    # F.dropout with training=self.training: identity in eval mode
    h = gcn_conv(h, edge_index, W2, b2, N_NODES)
    return jax.nn.log_softmax(h, axis=1)

if __name__ == "__main__":
    import jax
    _d = setup_inputs()
    print(jax.jit(kernel)(*tuple(_d.values())))

</pallas_src>

<mosaic_0001>
#map = affine_map<(d0, d1) -> (0, 0)>
#map1 = affine_map<(d0, d1) -> (0, 0, 0)>
module attributes {stable_mosaic.version = 14 : i64} {
  func.func @k(%arg0: i32, %arg1: i32, %arg2: memref<10240x16xf32, #tpu.memory_space<hbm>>, %arg3: memref<32x80x128xi32, #tpu.memory_space<hbm>>, %arg4: memref<32x80x128xi32, #tpu.memory_space<hbm>>, %arg5: memref<10240x16xf32, #tpu.memory_space<hbm>>, %arg6: memref<2x10240x16xf32, #tpu.memory_space<hbm>>, %arg7: memref<10240x16xf32, #tpu.memory_space<hbm>>, %arg8: memref<10240xf32, #tpu.memory_space<vmem_shared>>, %arg9: memref<10240x16xf32, #tpu.memory_space<vmem_shared>>, %arg10: memref<10240x16xf32, #tpu.memory_space<vmem_shared>>, %arg11: memref<2x80x128xi32, #tpu.memory_space<vmem>>, %arg12: memref<80x128xi32, #tpu.memory_space<vmem>>, %arg13: memref<80x128xi32, #tpu.memory_space<vmem>>, %arg14: memref<640xf32, #tpu.memory_space<vmem>>, %arg15: memref<640xf32, #tpu.memory_space<vmem>>, %arg16: memref<640x16xf32, #tpu.memory_space<vmem>>, %arg17: memref<640x16xf32, #tpu.memory_space<vmem>>, %arg18: memref<128xf32, #tpu.memory_space<vmem>>, %arg19: memref<4x128x16xf32, #tpu.memory_space<vmem>>, %arg20: memref<!tpu.dma_semaphore, #tpu.memory_space<semaphore_mem>>, %arg21: memref<!tpu.dma_semaphore, #tpu.memory_space<semaphore_mem>>, %arg22: memref<!tpu.dma_semaphore, #tpu.memory_space<semaphore_mem>>, %arg23: memref<!tpu.dma_semaphore, #tpu.memory_space<semaphore_mem>>, %arg24: memref<!tpu.dma_semaphore, #tpu.memory_space<semaphore_mem>>, %arg25: memref<!tpu.dma_semaphore, #tpu.memory_space<semaphore_mem>>, %arg26: memref<!tpu.dma_semaphore, #tpu.memory_space<semaphore_mem>>, %arg27: memref<!tpu.dma_semaphore, #tpu.memory_space<semaphore_mem>>, %arg28: memref<!tpu.dma_semaphore, #tpu.memory_space<semaphore_mem>>) attributes {dimension_semantics = [#tpu.dimension_semantics<core_parallel>, #tpu.dimension_semantics<subcore_parallel>], iteration_bounds = array<i64: 2, 16>, scalar_prefetch = 0 : i64, scratch_operands = 21 : i64, tpu.core_type = #tpu.core_type<sc_vector_subcore>, window_params = [{transform_indices = #map}, {transform_indices = #map1}, {transform_indices = #map1}, {transform_indices = #map}, {transform_indices = #map1}, {transform_indices = #map}]} {
    %mul3A = arith.constant 16 : i32
    %mul3A_0 = arith.muli %arg0, %mul3A : i32
    %add3A = arith.addi %mul3A_0, %arg1 : i32
    %mul3A_1 = arith.constant 640 : i32
    %mul3A_2 = arith.muli %arg1, %mul3A_1 : i32
    %mul3A_3 = arith.constant 2 : i32
    %mul3A_4 = arith.muli %arg1, %mul3A_3 : i32
    "tpu.region"() ({
      %run_scoped3A = tpu.sem_alloc : memref<!tpu.dma_semaphore, #tpu.memory_space<semaphore_mem>>
      %dma_start3A_244 = arith.constant 0 : i32
      %dma_start3A_245 = arith.constant 0 : i32
      %dma_start3A_246 = tpu.memref_slice %arg4[%mul3A_4, %dma_start3A_244, %dma_start3A_245] : memref<32x80x128xi32, #tpu.memory_space<hbm>> -> memref<2x80x128xi32, #tpu.memory_space<hbm>>
      %dma_start3A_247 = arith.constant 0 : i32
      %dma_start3A_248 = arith.constant 0 : i32
      %dma_start3A_249 = tpu.memref_slice %arg4[%mul3A_4, %dma_start3A_247, %dma_start3A_248] : memref<32x80x128xi32, #tpu.memory_space<hbm>> -> memref<2x80x128xi32, #tpu.memory_space<hbm>>
      tpu.enqueue_dma source(%dma_start3A_249 : memref<2x80x128xi32, #tpu.memory_space<hbm>>) target(%arg11 : memref<2x80x128xi32, #tpu.memory_space<vmem>>) target_semaphore(%run_scoped3A : memref<!tpu.dma_semaphore, #tpu.memory_space<semaphore_mem>>)
      %dma_wait3A_250 = arith.constant 0 : i32
      %dma_wait3A_251 = arith.constant 0 : i32
      %dma_wait3A_252 = tpu.memref_slice %arg4[%mul3A_4, %dma_wait3A_250, %dma_wait3A_251] : memref<32x80x128xi32, #tpu.memory_space<hbm>> -> memref<2x80x128xi32, #tpu.memory_space<hbm>>
      %dma_wait3A_253 = arith.constant 0 : i32
      %dma_wait3A_254 = arith.constant 0 : i32
      %dma_wait3A_255 = tpu.memref_slice %arg4[%mul3A_4, %dma_wait3A_253, %dma_wait3A_254] : memref<32x80x128xi32, #tpu.memory_space<hbm>> -> memref<2x80x128xi32, #tpu.memory_space<hbm>>
      tpu.wait_dma2 semaphore(%run_scoped3A : memref<!tpu.dma_semaphore, #tpu.memory_space<semaphore_mem>>) src(%dma_wait3A_255 : memref<2x80x128xi32, #tpu.memory_space<hbm>>) dst(%arg11 : memref<2x80x128xi32, #tpu.memory_space<vmem>>)
      tpu.yield
    }) : () -> ()
    "tpu.region"() ({
      %run_scoped3A = tpu.sem_alloc : memref<!tpu.dma_semaphore, #tpu.memory_space<semaphore_mem>>
      %dma_start3A_244 = arith.constant 0 : i32
      %dma_start3A_245 = arith.constant 0 : i32
      %dma_start3A_246 = tpu.memref_slice %arg3[%add3A, %dma_start3A_244, %dma_start3A_245] : memref<32x80x128xi32, #tpu.memory_space<hbm>> -> memref<1x80x128xi32, #tpu.memory_space<hbm>>
      %dma_start3A_247 = tpu.memref_squeeze %dma_start3A_246 : memref<1x80x128xi32, #tpu.memory_space<hbm>> -> memref<80x128xi32, #tpu.memory_space<hbm>>
      %dma_start3A_248 = arith.constant 0 : i32
      %dma_start3A_249 = arith.constant 0 : i32
      %dma_start3A_250 = tpu.memref_slice %arg3[%add3A, %dma_start3A_248, %dma_start3A_249] : memref<32x80x128xi32, #tpu.memory_space<hbm>> -> memref<1x80x128xi32, #tpu.memory_space<hbm>>
      %dma_start3A_251 = tpu.memref_squeeze %dma_start3A_250 : memref<1x80x128xi32, #tpu.memory_space<hbm>> -> memref<80x128xi32, #tpu.memory_space<hbm>>
      tpu.enqueue_dma source(%dma_start3A_251 : memref<80x128xi32, #tpu.memory_space<hbm>>) target(%arg12 : memref<80x128xi32, #tpu.memory_space<vmem>>) target_semaphore(%run_scoped3A : memref<!tpu.dma_semaphore, #tpu.memory_space<semaphore_mem>>)
      %dma_wait3A_252 = arith.constant 0 : i32
      %dma_wait3A_253 = arith.constant 0 : i32
      %dma_wait3A_254 = tpu.memref_slice %arg3[%add3A, %dma_wait3A_252, %dma_wait3A_253] : memref<32x80x128xi32, #tpu.memory_space<hbm>> -> memref<1x80x128xi32, #tpu.memory_space<hbm>>
      %dma_wait3A_255 = tpu.memref_squeeze %dma_wait3A_254 : memref<1x80x128xi32, #tpu.memory_space<hbm>> -> memref<80x128xi32, #tpu.memory_space<hbm>>
      %dma_wait3A_256 = arith.constant 0 : i32
      %dma_wait3A_257 = arith.constant 0 : i32
      %dma_wait3A_258 = tpu.memref_slice %arg3[%add3A, %dma_wait3A_256, %dma_wait3A_257] : memref<32x80x128xi32, #tpu.memory_space<hbm>> -> memref<1x80x128xi32, #tpu.memory_space<hbm>>
      %dma_wait3A_259 = tpu.memref_squeeze %dma_wait3A_258 : memref<1x80x128xi32, #tpu.memory_space<hbm>> -> memref<80x128xi32, #tpu.memory_space<hbm>>
      tpu.wait_dma2 semaphore(%run_scoped3A : memref<!tpu.dma_semaphore, #tpu.memory_space<semaphore_mem>>) src(%dma_wait3A_259 : memref<80x128xi32, #tpu.memory_space<hbm>>) dst(%arg12 : memref<80x128xi32, #tpu.memory_space<vmem>>)
      tpu.yield
    }) : () -> ()
    "tpu.region"() ({
      %run_scoped3A = tpu.sem_alloc : memref<!tpu.dma_semaphore, #tpu.memory_space<semaphore_mem>>
      %dma_start3A_244 = arith.constant 0 : i32
      %dma_start3A_245 = arith.constant 0 : i32
      %dma_start3A_246 = tpu.memref_slice %arg4[%add3A, %dma_start3A_244, %dma_start3A_245] : memref<32x80x128xi32, #tpu.memory_space<hbm>> -> memref<1x80x128xi32, #tpu.memory_space<hbm>>
      %dma_start3A_247 = tpu.memref_squeeze %dma_start3A_246 : memref<1x80x128xi32, #tpu.memory_space<hbm>> -> memref<80x128xi32, #tpu.memory_space<hbm>>
      %dma_start3A_248 = arith.constant 0 : i32
      %dma_start3A_249 = arith.constant 0 : i32
      %dma_start3A_250 = tpu.memref_slice %arg4[%add3A, %dma_start3A_248, %dma_start3A_249] : memref<32x80x128xi32, #tpu.memory_space<hbm>> -> memref<1x80x128xi32, #tpu.memory_space<hbm>>
      %dma_start3A_251 = tpu.memref_squeeze %dma_start3A_250 : memref<1x80x128xi32, #tpu.memory_space<hbm>> -> memref<80x128xi32, #tpu.memory_space<hbm>>
      tpu.enqueue_dma source(%dma_start3A_251 : memref<80x128xi32, #tpu.memory_space<hbm>>) target(%arg13 : memref<80x128xi32, #tpu.memory_space<vmem>>) target_semaphore(%run_scoped3A : memref<!tpu.dma_semaphore, #tpu.memory_space<semaphore_mem>>)
      %dma_wait3A_252 = arith.constant 0 : i32
      %dma_wait3A_253 = arith.constant 0 : i32
      %dma_wait3A_254 = tpu.memref_slice %arg4[%add3A, %dma_wait3A_252, %dma_wait3A_253] : memref<32x80x128xi32, #tpu.memory_space<hbm>> -> memref<1x80x128xi32, #tpu.memory_space<hbm>>
      %dma_wait3A_255 = tpu.memref_squeeze %dma_wait3A_254 : memref<1x80x128xi32, #tpu.memory_space<hbm>> -> memref<80x128xi32, #tpu.memory_space<hbm>>
      %dma_wait3A_256 = arith.constant 0 : i32
      %dma_wait3A_257 = arith.constant 0 : i32
      %dma_wait3A_258 = tpu.memref_slice %arg4[%add3A, %dma_wait3A_256, %dma_wait3A_257] : memref<32x80x128xi32, #tpu.memory_space<hbm>> -> memref<1x80x128xi32, #tpu.memory_space<hbm>>
      %dma_wait3A_259 = tpu.memref_squeeze %dma_wait3A_258 : memref<1x80x128xi32, #tpu.memory_space<hbm>> -> memref<80x128xi32, #tpu.memory_space<hbm>>
      tpu.wait_dma2 semaphore(%run_scoped3A : memref<!tpu.dma_semaphore, #tpu.memory_space<semaphore_mem>>) src(%dma_wait3A_259 : memref<80x128xi32, #tpu.memory_space<hbm>>) dst(%arg13 : memref<80x128xi32, #tpu.memory_space<vmem>>)
      tpu.yield
    }) : () -> ()
    %scan3A = arith.constant 0 : i32
    %scan3A_5 = arith.constant 40 : i32
    %scan3A_6 = arith.addi %scan3A, %scan3A_5 : i32
    %scan3A_7 = arith.constant 1 : i32
    scf.for %scan3A_244 = %scan3A to %scan3A_6 step %scan3A_7  : i32 {
      %mul3A_245 = arith.constant 1 : i32
      %mul3A_246 = arith.muli %scan3A_244, %mul3A_245 : i32
      %add3A_247 = arith.constant 0 : i32
      %add3A_248 = arith.addi %add3A_247, %mul3A_246 : i32
      %broadcast_in_dim3A = arith.constant 0.000000e+00 : f32
      %broadcast_in_dim3A_249 = vector.broadcast %broadcast_in_dim3A : f32 to vector<16xf32>
      %mul3A_250 = arith.constant 16 : i32
      %mul3A_251 = arith.muli %add3A_248, %mul3A_250 : i32
      %swap3A = arith.index_cast %mul3A_251 : i32 to index
      %swap3A_252 = tpu.vector_load %arg14[%swap3A] {strides = array<i32>} : memref<640xf32, #tpu.memory_space<vmem>>, vector<16xf32>,
      tpu.vector_store %arg14[%swap3A], %broadcast_in_dim3A_249 {strides = array<i32>} : memref<640xf32, #tpu.memory_space<vmem>>, vector<16xf32>,
    }
    %scan3A_8 = arith.constant 40 : i32
    "tpu.region"() ({
      %run_scoped3A = tpu.sem_alloc : memref<!tpu.dma_semaphore, #tpu.memory_space<semaphore_mem>>
      %dma_start3A_244 = tpu.memref_slice %arg8[%mul3A_2] : memref<10240xf32, #tpu.memory_space<vmem_shared>> -> memref<640xf32, #tpu.memory_space<vmem_shared>>
      %dma_start3A_245 = tpu.memref_slice %arg8[%mul3A_2] : memref<10240xf32, #tpu.memory_space<vmem_shared>> -> memref<640xf32, #tpu.memory_space<vmem_shared>>
      tpu.enqueue_dma source(%arg14 : memref<640xf32, #tpu.memory_space<vmem>>) target(%dma_start3A_245 : memref<640xf32, #tpu.memory_space<vmem_shared>>) target_semaphore(%run_scoped3A : memref<!tpu.dma_semaphore, #tpu.memory_space<semaphore_mem>>)
      %dma_wait3A_246 = tpu.memref_slice %arg8[%mul3A_2] : memref<10240xf32, #tpu.memory_space<vmem_shared>> -> memref<640xf32, #tpu.memory_space<vmem_shared>>
      %dma_wait3A_247 = tpu.memref_slice %arg8[%mul3A_2] : memref<10240xf32, #tpu.memory_space<vmem_shared>> -> memref<640xf32, #tpu.memory_space<vmem_shared>>
      tpu.wait_dma2 semaphore(%run_scoped3A : memref<!tpu.dma_semaphore, #tpu.memory_space<semaphore_mem>>) src(%arg14 : memref<640xf32, #tpu.memory_space<vmem>>) dst(%dma_wait3A_247 : memref<640xf32, #tpu.memory_space<vmem_shared>>)
      tpu.yield
    }) : () -> ()
    %scan3A_9 = arith.constant 0 : i32
    %scan3A_10 = arith.constant 8 : i32
    %scan3A_11 = arith.addi %scan3A_9, %scan3A_10 : i32
    %scan3A_12 = arith.constant 1 : i32
    scf.for %scan3A_244 = %scan3A_9 to %scan3A_11 step %scan3A_12  : i32 {
      %mul3A_245 = arith.constant 1 : i32
      %mul3A_246 = arith.muli %scan3A_244, %mul3A_245 : i32
      %add3A_247 = arith.constant 0 : i32
      %add3A_248 = arith.addi %add3A_247, %mul3A_246 : i32
      %broadcast_in_dim3A = arith.constant 1.000000e+00 : f32
      %broadcast_in_dim3A_249 = vector.broadcast %broadcast_in_dim3A : f32 to vector<16xf32>
      %mul3A_250 = arith.constant 16 : i32
      %mul3A_251 = arith.muli %add3A_248, %mul3A_250 : i32
      %swap3A = arith.index_cast %mul3A_251 : i32 to index
      %swap3A_252 = tpu.vector_load %arg18[%swap3A] {strides = array<i32>} : memref<128xf32, #tpu.memory_space<vmem>>, vector<16xf32>,
      tpu.vector_store %arg18[%swap3A], %broadcast_in_dim3A_249 {strides = array<i32>} : memref<128xf32, #tpu.memory_space<vmem>>, vector<16xf32>,
    }
    %scan3A_13 = arith.constant 8 : i32
    %barrier3A = arith.constant 0 : index
    tpu.barrier barrier_id(%barrier3A)
    %scan3A_14 = arith.constant 0 : i32
    %scan3A_15 = arith.constant 80 : i32
    %scan3A_16 = arith.addi %scan3A_14, %scan3A_15 : i32
    %scan3A_17 = arith.constant 1 : i32
    scf.for %scan3A_244 = %scan3A_14 to %scan3A_16 step %scan3A_17  : i32 {
      %mul3A_245 = arith.constant 1 : i32
      %mul3A_246 = arith.muli %scan3A_244, %mul3A_245 : i32
      %add3A_247 = arith.constant 0 : i32
      %add3A_248 = arith.addi %add3A_247, %mul3A_246 : i32
      %dma_start3A_249 = arith.constant 0 : i32
      %dma_start3A_250 = arith.constant 0 : i32
      %dma_start3A_251 = tpu.memref_slice %arg11[%dma_start3A_249, %add3A_248, %dma_start3A_250] : memref<2x80x128xi32, #tpu.memory_space<vmem>> -> memref<1x1x128xi32, #tpu.memory_space<vmem>>
      %dma_start3A_252 = tpu.memref_squeeze %dma_start3A_251 : memref<1x1x128xi32, #tpu.memory_space<vmem>> -> memref<128xi32, #tpu.memory_space<vmem>>
      %dma_start3A_253 = arith.constant 0 : i32
      %dma_start3A_254 = tpu.memref_slice %arg8[%dma_start3A_253] : memref<10240xf32, #tpu.memory_space<vmem_shared>> -> memref<10240xf32, #tpu.memory_space<vmem_shared>>
      tpu.enqueue_indirect_dma source(%arg18 : memref<128xf32, #tpu.memory_space<vmem>>) target(%dma_start3A_254 : memref<10240xf32, #tpu.memory_space<vmem_shared>>) offsets(%dma_start3A_252 : memref<128xi32, #tpu.memory_space<vmem>>) semaphore(%arg20 : memref<!tpu.dma_semaphore, #tpu.memory_space<semaphore_mem>>) {add = true}
    }
    %scan3A_18 = arith.constant 80 : i32
    %scan3A_19 = arith.constant 0 : i32
    %scan3A_20 = arith.constant 80 : i32
    %scan3A_21 = arith.addi %scan3A_19, %scan3A_20 : i32
    %scan3A_22 = arith.constant 1 : i32
    scf.for %scan3A_244 = %scan3A_19 to %scan3A_21 step %scan3A_22  : i32 {
      %mul3A_245 = arith.constant 1 : i32
      %mul3A_246 = arith.muli %scan3A_244, %mul3A_245 : i32
      %add3A_247 = arith.constant 0 : i32
      %add3A_248 = arith.addi %add3A_247, %mul3A_246 : i32
      %dma_start3A_249 = arith.constant 1 : i32
      %dma_start3A_250 = arith.constant 0 : i32
      %dma_start3A_251 = tpu.memref_slice %arg11[%dma_start3A_249, %add3A_248, %dma_start3A_250] : memref<2x80x128xi32, #tpu.memory_space<vmem>> -> memref<1x1x128xi32, #tpu.memory_space<vmem>>
      %dma_start3A_252 = tpu.memref_squeeze %dma_start3A_251 : memref<1x1x128xi32, #tpu.memory_space<vmem>> -> memref<128xi32, #tpu.memory_space<vmem>>
      %dma_start3A_253 = arith.constant 0 : i32
      %dma_start3A_254 = tpu.memref_slice %arg8[%dma_start3A_253] : memref<10240xf32, #tpu.memory_space<vmem_shared>> -> memref<10240xf32, #tpu.memory_space<vmem_shared>>
      tpu.enqueue_indirect_dma source(%arg18 : memref<128xf32, #tpu.memory_space<vmem>>) target(%dma_start3A_254 : memref<10240xf32, #tpu.memory_space<vmem_shared>>) offsets(%dma_start3A_252 : memref<128xi32, #tpu.memory_space<vmem>>) semaphore(%arg20 : memref<!tpu.dma_semaphore, #tpu.memory_space<semaphore_mem>>) {add = true}
    }
    %scan3A_23 = arith.constant 80 : i32
    %scan3A_24 = arith.constant 0 : i32
    %scan3A_25 = arith.constant 160 : i32
    %scan3A_26 = arith.addi %scan3A_24, %scan3A_25 : i32
    %scan3A_27 = arith.constant 1 : i32
    scf.for %scan3A_244 = %scan3A_24 to %scan3A_26 step %scan3A_27  : i32 {
      %mul3A_245 = arith.constant 1 : i32
      %mul3A_246 = arith.muli %scan3A_244, %mul3A_245 : i32
      %add3A_247 = arith.constant 0 : i32
      %add3A_248 = arith.addi %add3A_247, %mul3A_246 : i32
      %dma_wait3A_249 = arith.constant 0 : i32
      %dma_wait3A_250 = arith.constant 0 : i32
      %dma_wait3A_251 = arith.constant 0 : i32
      %dma_wait3A_252 = tpu.memref_slice %arg11[%dma_wait3A_249, %dma_wait3A_250, %dma_wait3A_251] : memref<2x80x128xi32, #tpu.memory_space<vmem>> -> memref<1x1x128xi32, #tpu.memory_space<vmem>>
      %dma_wait3A_253 = tpu.memref_squeeze %dma_wait3A_252 : memref<1x1x128xi32, #tpu.memory_space<vmem>> -> memref<128xi32, #tpu.memory_space<vmem>>
      %dma_wait3A_254 = arith.constant 0 : i32
      %dma_wait3A_255 = tpu.memref_slice %arg8[%dma_wait3A_254] : memref<10240xf32, #tpu.memory_space<vmem_shared>> -> memref<10240xf32, #tpu.memory_space<vmem_shared>>
      tpu.wait_indirect_dma semaphore(%arg20 : memref<!tpu.dma_semaphore, #tpu.memory_space<semaphore_mem>>) src(%arg18 : memref<128xf32, #tpu.memory_space<vmem>>) dst(%dma_wait3A_255 : memref<10240xf32, #tpu.memory_space<vmem_shared>>)
    }
    %scan3A_28 = arith.constant 160 : i32
    %barrier3A_29 = arith.constant 0 : index
    tpu.barrier barrier_id(%barrier3A_29)
    "tpu.region"() ({
      %run_scoped3A = tpu.sem_alloc : memref<!tpu.dma_semaphore, #tpu.memory_space<semaphore_mem>>
      %dma_start3A_244 = tpu.memref_slice %arg8[%mul3A_2] : memref<10240xf32, #tpu.memory_space<vmem_shared>> -> memref<640xf32, #tpu.memory_space<vmem_shared>>
      %dma_start3A_245 = tpu.memref_slice %arg8[%mul3A_2] : memref<10240xf32, #tpu.memory_space<vmem_shared>> -> memref<640xf32, #tpu.memory_space<vmem_shared>>
      tpu.enqueue_dma source(%dma_start3A_245 : memref<640xf32, #tpu.memory_space<vmem_shared>>) target(%arg14 : memref<640xf32, #tpu.memory_space<vmem>>) target_semaphore(%run_scoped3A : memref<!tpu.dma_semaphore, #tpu.memory_space<semaphore_mem>>)
      %dma_wait3A_246 = tpu.memref_slice %arg8[%mul3A_2] : memref<10240xf32, #tpu.memory_space<vmem_shared>> -> memref<640xf32, #tpu.memory_space<vmem_shared>>
      %dma_wait3A_247 = tpu.memref_slice %arg8[%mul3A_2] : memref<10240xf32, #tpu.memory_space<vmem_shared>> -> memref<640xf32, #tpu.memory_space<vmem_shared>>
      tpu.wait_dma2 semaphore(%run_scoped3A : memref<!tpu.dma_semaphore, #tpu.memory_space<semaphore_mem>>) src(%dma_wait3A_247 : memref<640xf32, #tpu.memory_space<vmem_shared>>) dst(%arg14 : memref<640xf32, #tpu.memory_space<vmem>>)
      tpu.yield
    }) : () -> ()
    %scan3A_30 = arith.constant 0 : i32
    %scan3A_31 = arith.constant 40 : i32
    %scan3A_32 = arith.addi %scan3A_30, %scan3A_31 : i32
    %scan3A_33 = arith.constant 1 : i32
    scf.for %scan3A_244 = %scan3A_30 to %scan3A_32 step %scan3A_33  : i32 {
      %mul3A_245 = arith.constant 1 : i32
      %mul3A_246 = arith.muli %scan3A_244, %mul3A_245 : i32
      %add3A_247 = arith.constant 0 : i32
      %add3A_248 = arith.addi %add3A_247, %mul3A_246 : i32
      %mul3A_249 = arith.constant 16 : i32
      %mul3A_250 = arith.muli %add3A_248, %mul3A_249 : i32
      %get3A = arith.index_cast %mul3A_250 : i32 to index
      %get3A_251 = tpu.vector_load %arg14[%get3A] {strides = array<i32>} : memref<640xf32, #tpu.memory_space<vmem>>, vector<16xf32>,
      %add3A_252 = arith.constant 1.000000e+00 : f32
      %add3A_253 = vector.broadcast %add3A_252 : f32 to vector<16xf32>
      %add3A_254 = arith.addf %get3A_251, %add3A_253 : vector<16xf32>
      %add3A_255 = arith.constant 1.000000e+00 : f32
      %add3A_256 = vector.broadcast %add3A_255 : f32 to vector<16xf32>
      %add3A_257 = arith.addf %add3A_254, %add3A_256 : vector<16xf32>
      %mul3A_258 = arith.constant 5.000000e-01 : f32
      %mul3A_259 = vector.broadcast %mul3A_258 : f32 to vector<16xf32>
      %mul3A_260 = arith.mulf %mul3A_259, %add3A_257 : vector<16xf32>
      %div3A = arith.divf %add3A_254, %mul3A_260 : vector<16xf32>
      %add3A_261 = arith.addf %mul3A_260, %div3A : vector<16xf32>
      %mul3A_262 = arith.constant 5.000000e-01 : f32
      %mul3A_263 = vector.broadcast %mul3A_262 : f32 to vector<16xf32>
      %mul3A_264 = arith.mulf %mul3A_263, %add3A_261 : vector<16xf32>
      %div3A_265 = arith.divf %add3A_254, %mul3A_264 : vector<16xf32>
      %add3A_266 = arith.addf %mul3A_264, %div3A_265 : vector<16xf32>
      %mul3A_267 = arith.constant 5.000000e-01 : f32
      %mul3A_268 = vector.broadcast %mul3A_267 : f32 to vector<16xf32>
      %mul3A_269 = arith.mulf %mul3A_268, %add3A_266 : vector<16xf32>
      %div3A_270 = arith.divf %add3A_254, %mul3A_269 : vector<16xf32>
      %add3A_271 = arith.addf %mul3A_269, %div3A_270 : vector<16xf32>
      %mul3A_272 = arith.constant 5.000000e-01 : f32
      %mul3A_273 = vector.broadcast %mul3A_272 : f32 to vector<16xf32>
      %mul3A_274 = arith.mulf %mul3A_273, %add3A_271 : vector<16xf32>
      %div3A_275 = arith.divf %add3A_254, %mul3A_274 : vector<16xf32>
      %add3A_276 = arith.addf %mul3A_274, %div3A_275 : vector<16xf32>
      %mul3A_277 = arith.constant 5.000000e-01 : f32
      %mul3A_278 = vector.broadcast %mul3A_277 : f32 to vector<16xf32>
      %mul3A_279 = arith.mulf %mul3A_278, %add3A_276 : vector<16xf32>
      %div3A_280 = arith.divf %add3A_254, %mul3A_279 : vector<16xf32>
      %add3A_281 = arith.addf %mul3A_279, %div3A_280 : vector<16xf32>
      %mul3A_282 = arith.constant 5.000000e-01 : f32
      %mul3A_283 = vector.broadcast %mul3A_282 : f32 to vector<16xf32>
      %mul3A_284 = arith.mulf %mul3A_283, %add3A_281 : vector<16xf32>
      %div3A_285 = arith.divf %add3A_254, %mul3A_284 : vector<16xf32>
      %add3A_286 = arith.addf %mul3A_284, %div3A_285 : vector<16xf32>
      %mul3A_287 = arith.constant 5.000000e-01 : f32
      %mul3A_288 = vector.broadcast %mul3A_287 : f32 to vector<16xf32>
      %mul3A_289 = arith.mulf %mul3A_288, %add3A_286 : vector<16xf32>
      %div3A_290 = arith.divf %add3A_254, %mul3A_289 : vector<16xf32>
      %add3A_291 = arith.addf %mul3A_289, %div3A_290 : vector<16xf32>
      %mul3A_292 = arith.constant 5.000000e-01 : f32
      %mul3A_293 = vector.broadcast %mul3A_292 : f32 to vector<16xf32>
      %mul3A_294 = arith.mulf %mul3A_293, %add3A_291 : vector<16xf32>
      %div3A_295 = arith.divf %add3A_254, %mul3A_294 : vector<16xf32>
      %add3A_296 = arith.addf %mul3A_294, %div3A_295 : vector<16xf32>
      %mul3A_297 = arith.constant 5.000000e-01 : f32
      %mul3A_298 = vector.broadcast %mul3A_297 : f32 to vector<16xf32>
      %mul3A_299 = arith.mulf %mul3A_298, %add3A_296 : vector<16xf32>
      %div3A_300 = arith.divf %add3A_254, %mul3A_299 : vector<16xf32>
      %add3A_301 = arith.addf %mul3A_299, %div3A_300 : vector<16xf32>
      %mul3A_302 = arith.constant 5.000000e-01 : f32
      %mul3A_303 = vector.broadcast %mul3A_302 : f32 to vector<16xf32>
      %mul3A_304 = arith.mulf %mul3A_303, %add3A_301 : vector<16xf32>
      %div3A_305 = arith.divf %add3A_254, %mul3A_304 : vector<16xf32>
      %add3A_306 = arith.addf %mul3A_304, %div3A_305 : vector<16xf32>
      %mul3A_307 = arith.constant 5.000000e-01 : f32
      %mul3A_308 = vector.broadcast %mul3A_307 : f32 to vector<16xf32>
      %mul3A_309 = arith.mulf %mul3A_308, %add3A_306 : vector<16xf32>
      %div3A_310 = arith.divf %add3A_254, %mul3A_309 : vector<16xf32>
      %add3A_311 = arith.addf %mul3A_309, %div3A_310 : vector<16xf32>
      %mul3A_312 = arith.constant 5.000000e-01 : f32
      %mul3A_313 = vector.broadcast %mul3A_312 : f32 to vector<16xf32>
      %mul3A_314 = arith.mulf %mul3A_313, %add3A_311 : vector<16xf32>
      %div3A_315 = arith.divf %add3A_254, %mul3A_314 : vector<16xf32>
      %add3A_316 = arith.addf %mul3A_314, %div3A_315 : vector<16xf32>
      %mul3A_317 = arith.constant 5.000000e-01 : f32
      %mul3A_318 = vector.broadcast %mul3A_317 : f32 to vector<16xf32>
      %mul3A_319 = arith.mulf %mul3A_318, %add3A_316 : vector<16xf32>
      %div3A_320 = arith.divf %add3A_254, %mul3A_319 : vector<16xf32>
      %add3A_321 = arith.addf %mul3A_319, %div3A_320 : vector<16xf32>
      %mul3A_322 = arith.constant 5.000000e-01 : f32
      %mul3A_323 = vector.broadcast %mul3A_322 : f32 to vector<16xf32>
      %mul3A_324 = arith.mulf %mul3A_323, %add3A_321 : vector<16xf32>
      %div3A_325 = arith.divf %add3A_254, %mul3A_324 : vector<16xf32>
      %add3A_326 = arith.addf %mul3A_324, %div3A_325 : vector<16xf32>
      %mul3A_327 = arith.constant 5.000000e-01 : f32
      %mul3A_328 = vector.broadcast %mul3A_327 : f32 to vector<16xf32>
      %mul3A_329 = arith.mulf %mul3A_328, %add3A_326 : vector<16xf32>
      %div3A_330 = arith.divf %add3A_254, %mul3A_329 : vector<16xf32>
      %add3A_331 = arith.addf %mul3A_329, %div3A_330 : vector<16xf32>
      %mul3A_332 = arith.constant 5.000000e-01 : f32
      %mul3A_333 = vector.broadcast %mul3A_332 : f32 to vector<16xf32>
      %mul3A_334 = arith.mulf %mul3A_333, %add3A_331 : vector<16xf32>
      %div3A_335 = arith.constant 1.000000e+00 : f32
      %div3A_336 = vector.broadcast %div3A_335 : f32 to vector<16xf32>
      %div3A_337 = arith.divf %div3A_336, %mul3A_334 : vector<16xf32>
      %swap3A = arith.index_cast %mul3A_250 : i32 to index
      %swap3A_338 = tpu.vector_load %arg15[%swap3A] {strides = array<i32>} : memref<640xf32, #tpu.memory_space<vmem>>, vector<16xf32>,
      tpu.vector_store %arg15[%swap3A], %div3A_337 {strides = array<i32>} : memref<640xf32, #tpu.memory_space<vmem>>, vector<16xf32>,
    }
    %scan3A_34 = arith.constant 40 : i32
    "tpu.region"() ({
      %run_scoped3A = tpu.sem_alloc : memref<!tpu.dma_semaphore, #tpu.memory_space<semaphore_mem>>
      %dma_start3A_244 = arith.constant 0 : i32
      %dma_start3A_245 = tpu.memref_slice %arg2[%mul3A_2, %dma_start3A_244] : memref<10240x16xf32, #tpu.memory_space<hbm>> -> memref<640x16xf32, #tpu.memory_space<hbm>>
      %dma_start3A_246 = arith.constant 0 : i32
      %dma_start3A_247 = tpu.memref_slice %arg2[%mul3A_2, %dma_start3A_246] : memref<10240x16xf32, #tpu.memory_space<hbm>> -> memref<640x16xf32, #tpu.memory_space<hbm>>
      tpu.enqueue_dma source(%dma_start3A_247 : memref<640x16xf32, #tpu.memory_space<hbm>>) target(%arg16 : memref<640x16xf32, #tpu.memory_space<vmem>>) target_semaphore(%run_scoped3A : memref<!tpu.dma_semaphore, #tpu.memory_space<semaphore_mem>>)
      %dma_wait3A_248 = arith.constant 0 : i32
      %dma_wait3A_249 = tpu.memref_slice %arg2[%mul3A_2, %dma_wait3A_248] : memref<10240x16xf32, #tpu.memory_space<hbm>> -> memref<640x16xf32, #tpu.memory_space<hbm>>
      %dma_wait3A_250 = arith.constant 0 : i32
      %dma_wait3A_251 = tpu.memref_slice %arg2[%mul3A_2, %dma_wait3A_250] : memref<10240x16xf32, #tpu.memory_space<hbm>> -> memref<640x16xf32, #tpu.memory_space<hbm>>
      tpu.wait_dma2 semaphore(%run_scoped3A : memref<!tpu.dma_semaphore, #tpu.memory_space<semaphore_mem>>) src(%dma_wait3A_251 : memref<640x16xf32, #tpu.memory_space<hbm>>) dst(%arg16 : memref<640x16xf32, #tpu.memory_space<vmem>>)
      tpu.yield
    }) : () -> ()
    %iota3A = tpu.iota {dimensions = array<i32: 0>} : vector<16xi32>
    %scan3A_35 = arith.constant 0 : i32
    %scan3A_36 = arith.constant 40 : i32
    %scan3A_37 = arith.addi %scan3A_35, %scan3A_36 : i32
    %scan3A_38 = arith.constant 1 : i32
    scf.for %scan3A_244 = %scan3A_35 to %scan3A_37 step %scan3A_38  : i32 {
      %mul3A_245 = arith.constant 1 : i32
      %mul3A_246 = arith.muli %scan3A_244, %mul3A_245 : i32
      %add3A_247 = arith.constant 0 : i32
      %add3A_248 = arith.addi %add3A_247, %mul3A_246 : i32
      %mul3A_249 = arith.constant 16 : i32
      %mul3A_250 = arith.muli %add3A_248, %mul3A_249 : i32
      %get3A = arith.index_cast %mul3A_250 : i32 to index
      %get3A_251 = tpu.vector_load %arg15[%get3A] {strides = array<i32>} : memref<640xf32, #tpu.memory_space<vmem>>, vector<16xf32>,
      %eq3A_252 = arith.constant 0 : i32
      %eq3A_253 = vector.broadcast %eq3A_252 : i32 to vector<16xi32>
      %eq3A_254 = arith.cmpi eq, %iota3A, %eq3A_253 : vector<16xi32>
      %jit3A = arith.constant 0.000000e+00 : f32
      %broadcast_in_dim3A = vector.broadcast %jit3A : f32 to vector<16xf32>
      %select_n3A = arith.select %eq3A_254, %get3A_251, %broadcast_in_dim3A : vector<16xi1>, vector<16xf32>
      %reduce_sum3A = arith.constant true
      %reduce_sum3A_255 = vector.broadcast %reduce_sum3A : i1 to vector<16xi1>
      %reduce_sum3A_256 = tpu.scan <sum>, %select_n3A masked %reduce_sum3A_255 : vector<16xf32>, vector<16xi1> -> vector<16xf32>
      %reduce_sum3A_257 = vector.extract %reduce_sum3A_256[15] : f32 from vector<16xf32>
      %mul3A_258 = arith.constant 16 : i32
      %mul3A_259 = arith.muli %add3A_248, %mul3A_258 : i32
      %add3A_260 = arith.constant 0 : i32
      %add3A_261 = arith.addi %mul3A_259, %add3A_260 : i32
      %get3A_262 = arith.index_cast %add3A_261 : i32 to index
      %get3A_263 = arith.constant 0 : index
      %get3A_264 = tpu.vector_load %arg16[%get3A_262, %get3A_263] {strides = array<i32>} : memref<640x16xf32, #tpu.memory_space<vmem>>, vector<16xf32>,
      %mul3A_265 = vector.broadcast %reduce_sum3A_257 : f32 to vector<16xf32>
      %mul3A_266 = arith.mulf %get3A_264, %mul3A_265 : vector<16xf32>
      %swap3A = arith.index_cast %add3A_261 : i32 to index
      %swap3A_267 = arith.constant 0 : index
      %swap3A_268 = tpu.vector_load %arg16[%swap3A, %swap3A_267] {strides = array<i32>} : memref<640x16xf32, #tpu.memory_space<vmem>>, vector<16xf32>,
      tpu.vector_store %arg16[%swap3A, %swap3A_267], %mul3A_266 {strides = array<i32>} : memref<640x16xf32, #tpu.memory_space<vmem>>, vector<16xf32>,
      %broadcast_in_dim3A_269 = arith.constant 0.000000e+00 : f32
      %broadcast_in_dim3A_270 = vector.broadcast %broadcast_in_dim3A_269 : f32 to vector<16xf32>
      %add3A_271 = vector.broadcast %reduce_sum3A_257 : f32 to vector<16xf32>
      %add3A_272 = arith.addf %broadcast_in_dim3A_270, %add3A_271 : vector<16xf32>
      %swap3A_273 = arith.index_cast %add3A_261 : i32 to index
      %swap3A_274 = arith.constant 0 : index
      %swap3A_275 = tpu.vector_load %arg17[%swap3A_273, %swap3A_274] {strides = array<i32>} : memref<640x16xf32, #tpu.memory_space<vmem>>, vector<16xf32>,
      tpu.vector_store %arg17[%swap3A_273, %swap3A_274], %add3A_272 {strides = array<i32>} : memref<640x16xf32, #tpu.memory_space<vmem>>, vector<16xf32>,
      %eq3A_276 = arith.constant 1 : i32
      %eq3A_277 = vector.broadcast %eq3A_276 : i32 to vector<16xi32>
      %eq3A_278 = arith.cmpi eq, %iota3A, %eq3A_277 : vector<16xi32>
      %jit3A_279 = arith.constant 0.000000e+00 : f32
      %broadcast_in_dim3A_280 = vector.broadcast %jit3A_279 : f32 to vector<16xf32>
      %select_n3A_281 = arith.select %eq3A_278, %get3A_251, %broadcast_in_dim3A_280 : vector<16xi1>, vector<16xf32>
      %reduce_sum3A_282 = arith.constant true
      %reduce_sum3A_283 = vector.broadcast %reduce_sum3A_282 : i1 to vector<16xi1>
      %reduce_sum3A_284 = tpu.scan <sum>, %select_n3A_281 masked %reduce_sum3A_283 : vector<16xf32>, vector<16xi1> -> vector<16xf32>
      %reduce_sum3A_285 = vector.extract %reduce_sum3A_284[15] : f32 from vector<16xf32>
      %mul3A_286 = arith.constant 16 : i32
      %mul3A_287 = arith.muli %add3A_248, %mul3A_286 : i32
      %add3A_288 = arith.constant 1 : i32
      %add3A_289 = arith.addi %mul3A_287, %add3A_288 : i32
      %get3A_290 = arith.index_cast %add3A_289 : i32 to index
      %get3A_291 = arith.constant 0 : index
      %get3A_292 = tpu.vector_load %arg16[%get3A_290, %get3A_291] {strides = array<i32>} : memref<640x16xf32, #tpu.memory_space<vmem>>, vector<16xf32>,
      %mul3A_293 = vector.broadcast %reduce_sum3A_285 : f32 to vector<16xf32>
      %mul3A_294 = arith.mulf %get3A_292, %mul3A_293 : vector<16xf32>
      %swap3A_295 = arith.index_cast %add3A_289 : i32 to index
      %swap3A_296 = arith.constant 0 : index
      %swap3A_297 = tpu.vector_load %arg16[%swap3A_295, %swap3A_296] {strides = array<i32>} : memref<640x16xf32, #tpu.memory_space<vmem>>, vector<16xf32>,
      tpu.vector_store %arg16[%swap3A_295, %swap3A_296], %mul3A_294 {strides = array<i32>} : memref<640x16xf32, #tpu.memory_space<vmem>>, vector<16xf32>,
      %broadcast_in_dim3A_298 = arith.constant 0.000000e+00 : f32
      %broadcast_in_dim3A_299 = vector.broadcast %broadcast_in_dim3A_298 : f32 to vector<16xf32>
      %add3A_300 = vector.broadcast %reduce_sum3A_285 : f32 to vector<16xf32>
      %add3A_301 = arith.addf %broadcast_in_dim3A_299, %add3A_300 : vector<16xf32>
      %swap3A_302 = arith.index_cast %add3A_289 : i32 to index
      %swap3A_303 = arith.constant 0 : index
      %swap3A_304 = tpu.vector_load %arg17[%swap3A_302, %swap3A_303] {strides = array<i32>} : memref<640x16xf32, #tpu.memory_space<vmem>>, vector<16xf32>,
      tpu.vector_store %arg17[%swap3A_302, %swap3A_303], %add3A_301 {strides = array<i32>} : memref<640x16xf32, #tpu.memory_space<vmem>>, vector<16xf32>,
      %eq3A_305 = arith.constant 2 : i32
      %eq3A_306 = vector.broadcast %eq3A_305 : i32 to vector<16xi32>
      %eq3A_307 = arith.cmpi eq, %iota3A, %eq3A_306 : vector<16xi32>
      %jit3A_308 = arith.constant 0.000000e+00 : f32
      %broadcast_in_dim3A_309 = vector.broadcast %jit3A_308 : f32 to vector<16xf32>
      %select_n3A_310 = arith.select %eq3A_307, %get3A_251, %broadcast_in_dim3A_309 : vector<16xi1>, vector<16xf32>
      %reduce_sum3A_311 = arith.constant true
      %reduce_sum3A_312 = vector.broadcast %reduce_sum3A_311 : i1 to vector<16xi1>
      %reduce_sum3A_313 = tpu.scan <sum>, %select_n3A_310 masked %reduce_sum3A_312 : vector<16xf32>, vector<16xi1> -> vector<16xf32>
      %reduce_sum3A_314 = vector.extract %reduce_sum3A_313[15] : f32 from vector<16xf32>
      %mul3A_315 = arith.constant 16 : i32
      %mul3A_316 = arith.muli %add3A_248, %mul3A_315 : i32
      %add3A_317 = arith.constant 2 : i32
      %add3A_318 = arith.addi %mul3A_316, %add3A_317 : i32
      %get3A_319 = arith.index_cast %add3A_318 : i32 to index
      %get3A_320 = arith.constant 0 : index
      %get3A_321 = tpu.vector_load %arg16[%get3A_319, %get3A_320] {strides = array<i32>} : memref<640x16xf32, #tpu.memory_space<vmem>>, vector<16xf32>,
      %mul3A_322 = vector.broadcast %reduce_sum3A_314 : f32 to vector<16xf32>
      %mul3A_323 = arith.mulf %get3A_321, %mul3A_322 : vector<16xf32>
      %swap3A_324 = arith.index_cast %add3A_318 : i32 to index
      %swap3A_325 = arith.constant 0 : index
      %swap3A_326 = tpu.vector_load %arg16[%swap3A_324, %swap3A_325] {strides = array<i32>} : memref<640x16xf32, #tpu.memory_space<vmem>>, vector<16xf32>,
      tpu.vector_store %arg16[%swap3A_324, %swap3A_325], %mul3A_323 {strides = array<i32>} : memref<640x16xf32, #tpu.memory_space<vmem>>, vector<16xf32>,
      %broadcast_in_dim3A_327 = arith.constant 0.000000e+00 : f32
      %broadcast_in_dim3A_328 = vector.broadcast %broadcast_in_dim3A_327 : f32 to vector<16xf32>
      %add3A_329 = vector.broadcast %reduce_sum3A_314 : f32 to vector<16xf32>
      %add3A_330 = arith.addf %broadcast_in_dim3A_328, %add3A_329 : vector<16xf32>
      %swap3A_331 = arith.index_cast %add3A_318 : i32 to index
      %swap3A_332 = arith.constant 0 : index
      %swap3A_333 = tpu.vector_load %arg17[%swap3A_331, %swap3A_332] {strides = array<i32>} : memref<640x16xf32, #tpu.memory_space<vmem>>, vector<16xf32>,
      tpu.vector_store %arg17[%swap3A_331, %swap3A_332], %add3A_330 {strides = array<i32>} : memref<640x16xf32, #tpu.memory_space<vmem>>, vector<16xf32>,
      %eq3A_334 = arith.constant 3 : i32
      %eq3A_335 = vector.broadcast %eq3A_334 : i32 to vector<16xi32>
      %eq3A_336 = arith.cmpi eq, %iota3A, %eq3A_335 : vector<16xi32>
      %jit3A_337 = arith.constant 0.000000e+00 : f32
      %broadcast_in_dim3A_338 = vector.broadcast %jit3A_337 : f32 to vector<16xf32>
      %select_n3A_339 = arith.select %eq3A_336, %get3A_251, %broadcast_in_dim3A_338 : vector<16xi1>, vector<16xf32>
      %reduce_sum3A_340 = arith.constant true
      %reduce_sum3A_341 = vector.broadcast %reduce_sum3A_340 : i1 to vector<16xi1>
      %reduce_sum3A_342 = tpu.scan <sum>, %select_n3A_339 masked %reduce_sum3A_341 : vector<16xf32>, vector<16xi1> -> vector<16xf32>
      %reduce_sum3A_343 = vector.extract %reduce_sum3A_342[15] : f32 from vector<16xf32>
      %mul3A_344 = arith.constant 16 : i32
      %mul3A_345 = arith.muli %add3A_248, %mul3A_344 : i32
      %add3A_346 = arith.constant 3 : i32
      %add3A_347 = arith.addi %mul3A_345, %add3A_346 : i32
      %get3A_348 = arith.index_cast %add3A_347 : i32 to index
      %get3A_349 = arith.constant 0 : index
      %get3A_350 = tpu.vector_load %arg16[%get3A_348, %get3A_349] {strides = array<i32>} : memref<640x16xf32, #tpu.memory_space<vmem>>, vector<16xf32>,
      %mul3A_351 = vector.broadcast %reduce_sum3A_343 : f32 to vector<16xf32>
      %mul3A_352 = arith.mulf %get3A_350, %mul3A_351 : vector<16xf32>
      %swap3A_353 = arith.index_cast %add3A_347 : i32 to index
      %swap3A_354 = arith.constant 0 : index
      %swap3A_355 = tpu.vector_load %arg16[%swap3A_353, %swap3A_354] {strides = array<i32>} : memref<640x16xf32, #tpu.memory_space<vmem>>, vector<16xf32>,
      tpu.vector_store %arg16[%swap3A_353, %swap3A_354], %mul3A_352 {strides = array<i32>} : memref<640x16xf32, #tpu.memory_space<vmem>>, vector<16xf32>,
      %broadcast_in_dim3A_356 = arith.constant 0.000000e+00 : f32
      %broadcast_in_dim3A_357 = vector.broadcast %broadcast_in_dim3A_356 : f32 to vector<16xf32>
      %add3A_358 = vector.broadcast %reduce_sum3A_343 : f32 to vector<16xf32>
      %add3A_359 = arith.addf %broadcast_in_dim3A_357, %add3A_358 : vector<16xf32>
      %swap3A_360 = arith.index_cast %add3A_347 : i32 to index
      %swap3A_361 = arith.constant 0 : index
      %swap3A_362 = tpu.vector_load %arg17[%swap3A_360, %swap3A_361] {strides = array<i32>} : memref<640x16xf32, #tpu.memory_space<vmem>>, vector<16xf32>,
      tpu.vector_store %arg17[%swap3A_360, %swap3A_361], %add3A_359 {strides = array<i32>} : memref<640x16xf32, #tpu.memory_space<vmem>>, vector<16xf32>,
      %eq3A_363 = arith.constant 4 : i32
      %eq3A_364 = vector.broadcast %eq3A_363 : i32 to vector<16xi32>
      %eq3A_365 = arith.cmpi eq, %iota3A, %eq3A_364 : vector<16xi32>
      %jit3A_366 = arith.constant 0.000000e+00 : f32
      %broadcast_in_dim3A_367 = vector.broadcast %jit3A_366 : f32 to vector<16xf32>
      %select_n3A_368 = arith.select %eq3A_365, %get3A_251, %broadcast_in_dim3A_367 : vector<16xi1>, vector<16xf32>
      %reduce_sum3A_369 = arith.constant true
      %reduce_sum3A_370 = vector.broadcast %reduce_sum3A_369 : i1 to vector<16xi1>
      %reduce_sum3A_371 = tpu.scan <sum>, %select_n3A_368 masked %reduce_sum3A_370 : vector<16xf32>, vector<16xi1> -> vector<16xf32>
      %reduce_sum3A_372 = vector.extract %reduce_sum3A_371[15] : f32 from vector<16xf32>
      %mul3A_373 = arith.constant 16 : i32
      %mul3A_374 = arith.muli %add3A_248, %mul3A_373 : i32
      %add3A_375 = arith.constant 4 : i32
      %add3A_376 = arith.addi %mul3A_374, %add3A_375 : i32
      %get3A_377 = arith.index_cast %add3A_376 : i32 to index
      %get3A_378 = arith.constant 0 : index
      %get3A_379 = tpu.vector_load %arg16[%get3A_377, %get3A_378] {strides = array<i32>} : memref<640x16xf32, #tpu.memory_space<vmem>>, vector<16xf32>,
      %mul3A_380 = vector.broadcast %reduce_sum3A_372 : f32 to vector<16xf32>
      %mul3A_381 = arith.mulf %get3A_379, %mul3A_380 : vector<16xf32>
      %swap3A_382 = arith.index_cast %add3A_376 : i32 to index
      %swap3A_383 = arith.constant 0 : index
      %swap3A_384 = tpu.vector_load %arg16[%swap3A_382, %swap3A_383] {strides = array<i32>} : memref<640x16xf32, #tpu.memory_space<vmem>>, vector<16xf32>,
      tpu.vector_store %arg16[%swap3A_382, %swap3A_383], %mul3A_381 {strides = array<i32>} : memref<640x16xf32, #tpu.memory_space<vmem>>, vector<16xf32>,
      %broadcast_in_dim3A_385 = arith.constant 0.000000e+00 : f32
      %broadcast_in_dim3A_386 = vector.broadcast %broadcast_in_dim3A_385 : f32 to vector<16xf32>
      %add3A_387 = vector.broadcast %reduce_sum3A_372 : f32 to vector<16xf32>
      %add3A_388 = arith.addf %broadcast_in_dim3A_386, %add3A_387 : vector<16xf32>
      %swap3A_389 = arith.index_cast %add3A_376 : i32 to index
      %swap3A_390 = arith.constant 0 : index
      %swap3A_391 = tpu.vector_load %arg17[%swap3A_389, %swap3A_390] {strides = array<i32>} : memref<640x16xf32, #tpu.memory_space<vmem>>, vector<16xf32>,
      tpu.vector_store %arg17[%swap3A_389, %swap3A_390], %add3A_388 {strides = array<i32>} : memref<640x16xf32, #tpu.memory_space<vmem>>, vector<16xf32>,
      %eq3A_392 = arith.constant 5 : i32
      %eq3A_393 = vector.broadcast %eq3A_392 : i32 to vector<16xi32>
      %eq3A_394 = arith.cmpi eq, %iota3A, %eq3A_393 : vector<16xi32>
      %jit3A_395 = arith.constant 0.000000e+00 : f32
      %broadcast_in_dim3A_396 = vector.broadcast %jit3A_395 : f32 to vector<16xf32>
      %select_n3A_397 = arith.select %eq3A_394, %get3A_251, %broadcast_in_dim3A_396 : vector<16xi1>, vector<16xf32>
      %reduce_sum3A_398 = arith.constant true
      %reduce_sum3A_399 = vector.broadcast %reduce_sum3A_398 : i1 to vector<16xi1>
      %reduce_sum3A_400 = tpu.scan <sum>, %select_n3A_397 masked %reduce_sum3A_399 : vector<16xf32>, vector<16xi1> -> vector<16xf32>
      %reduce_sum3A_401 = vector.extract %reduce_sum3A_400[15] : f32 from vector<16xf32>
      %mul3A_402 = arith.constant 16 : i32
      %mul3A_403 = arith.muli %add3A_248, %mul3A_402 : i32
      %add3A_404 = arith.constant 5 : i32
      %add3A_405 = arith.addi %mul3A_403, %add3A_404 : i32
      %get3A_406 = arith.index_cast %add3A_405 : i32 to index
      %get3A_407 = arith.constant 0 : index
      %get3A_408 = tpu.vector_load %arg16[%get3A_406, %get3A_407] {strides = array<i32>} : memref<640x16xf32, #tpu.memory_space<vmem>>, vector<16xf32>,
      %mul3A_409 = vector.broadcast %reduce_sum3A_401 : f32 to vector<16xf32>
      %mul3A_410 = arith.mulf %get3A_408, %mul3A_409 : vector<16xf32>
      %swap3A_411 = arith.index_cast %add3A_405 : i32 to index
      %swap3A_412 = arith.constant 0 : index
      %swap3A_413 = tpu.vector_load %arg16[%swap3A_411, %swap3A_412] {strides = array<i32>} : memref<640x16xf32, #tpu.memory_space<vmem>>, vector<16xf32>,
      tpu.vector_store %arg16[%swap3A_411, %swap3A_412], %mul3A_410 {strides = array<i32>} : memref<640x16xf32, #tpu.memory_space<vmem>>, vector<16xf32>,
      %broadcast_in_dim3A_414 = arith.constant 0.000000e+00 : f32
      %broadcast_in_dim3A_415 = vector.broadcast %broadcast_in_dim3A_414 : f32 to vector<16xf32>
      %add3A_416 = vector.broadcast %reduce_sum3A_401 : f32 to vector<16xf32>
      %add3A_417 = arith.addf %broadcast_in_dim3A_415, %add3A_416 : vector<16xf32>
      %swap3A_418 = arith.index_cast %add3A_405 : i32 to index
      %swap3A_419 = arith.constant 0 : index
      %swap3A_420 = tpu.vector_load %arg17[%swap3A_418, %swap3A_419] {strides = array<i32>} : memref<640x16xf32, #tpu.memory_space<vmem>>, vector<16xf32>,
      tpu.vector_store %arg17[%swap3A_418, %swap3A_419], %add3A_417 {strides = array<i32>} : memref<640x16xf32, #tpu.memory_space<vmem>>, vector<16xf32>,
      %eq3A_421 = arith.constant 6 : i32
      %eq3A_422 = vector.broadcast %eq3A_421 : i32 to vector<16xi32>
      %eq3A_423 = arith.cmpi eq, %iota3A, %eq3A_422 : vector<16xi32>
      %jit3A_424 = arith.constant 0.000000e+00 : f32
      %broadcast_in_dim3A_425 = vector.broadcast %jit3A_424 : f32 to vector<16xf32>
      %select_n3A_426 = arith.select %eq3A_423, %get3A_251, %broadcast_in_dim3A_425 : vector<16xi1>, vector<16xf32>
      %reduce_sum3A_427 = arith.constant true
      %reduce_sum3A_428 = vector.broadcast %reduce_sum3A_427 : i1 to vector<16xi1>
      %reduce_sum3A_429 = tpu.scan <sum>, %select_n3A_426 masked %reduce_sum3A_428 : vector<16xf32>, vector<16xi1> -> vector<16xf32>
      %reduce_sum3A_430 = vector.extract %reduce_sum3A_429[15] : f32 from vector<16xf32>
      %mul3A_431 = arith.constant 16 : i32
      %mul3A_432 = arith.muli %add3A_248, %mul3A_431 : i32
      %add3A_433 = arith.constant 6 : i32
      %add3A_434 = arith.addi %mul3A_432, %add3A_433 : i32
      %get3A_435 = arith.index_cast %add3A_434 : i32 to index
      %get3A_436 = arith.constant 0 : index
      %get3A_437 = tpu.vector_load %arg16[%get3A_435, %get3A_436] {strides = array<i32>} : memref<640x16xf32, #tpu.memory_space<vmem>>, vector<16xf32>,
      %mul3A_438 = vector.broadcast %reduce_sum3A_430 : f32 to vector<16xf32>
      %mul3A_439 = arith.mulf %get3A_437, %mul3A_438 : vector<16xf32>
      %swap3A_440 = arith.index_cast %add3A_434 : i32 to index
      %swap3A_441 = arith.constant 0 : index
      %swap3A_442 = tpu.vector_load %arg16[%swap3A_440, %swap3A_441] {strides = array<i32>} : memref<640x16xf32, #tpu.memory_space<vmem>>, vector<16xf32>,
      tpu.vector_store %arg16[%swap3A_440, %swap3A_441], %mul3A_439 {strides = array<i32>} : memref<640x16xf32, #tpu.memory_space<vmem>>, vector<16xf32>,
      %broadcast_in_dim3A_443 = arith.constant 0.000000e+00 : f32
      %broadcast_in_dim3A_444 = vector.broadcast %broadcast_in_dim3A_443 : f32 to vector<16xf32>
      %add3A_445 = vector.broadcast %reduce_sum3A_430 : f32 to vector<16xf32>
      %add3A_446 = arith.addf %broadcast_in_dim3A_444, %add3A_445 : vector<16xf32>
      %swap3A_447 = arith.index_cast %add3A_434 : i32 to index
      %swap3A_448 = arith.constant 0 : index
      %swap3A_449 = tpu.vector_load %arg17[%swap3A_447, %swap3A_448] {strides = array<i32>} : memref<640x16xf32, #tpu.memory_space<vmem>>, vector<16xf32>,
      tpu.vector_store %arg17[%swap3A_447, %swap3A_448], %add3A_446 {strides = array<i32>} : memref<640x16xf32, #tpu.memory_space<vmem>>, vector<16xf32>,
      %eq3A_450 = arith.constant 7 : i32
      %eq3A_451 = vector.broadcast %eq3A_450 : i32 to vector<16xi32>
      %eq3A_452 = arith.cmpi eq, %iota3A, %eq3A_451 : vector<16xi32>
      %jit3A_453 = arith.constant 0.000000e+00 : f32
      %broadcast_in_dim3A_454 = vector.broadcast %jit3A_453 : f32 to vector<16xf32>
      %select_n3A_455 = arith.select %eq3A_452, %get3A_251, %broadcast_in_dim3A_454 : vector<16xi1>, vector<16xf32>
      %reduce_sum3A_456 = arith.constant true
      %reduce_sum3A_457 = vector.broadcast %reduce_sum3A_456 : i1 to vector<16xi1>
      %reduce_sum3A_458 = tpu.scan <sum>, %select_n3A_455 masked %reduce_sum3A_457 : vector<16xf32>, vector<16xi1> -> vector<16xf32>
      %reduce_sum3A_459 = vector.extract %reduce_sum3A_458[15] : f32 from vector<16xf32>
      %mul3A_460 = arith.constant 16 : i32
      %mul3A_461 = arith.muli %add3A_248, %mul3A_460 : i32
      %add3A_462 = arith.constant 7 : i32
      %add3A_463 = arith.addi %mul3A_461, %add3A_462 : i32
      %get3A_464 = arith.index_cast %add3A_463 : i32 to index
      %get3A_465 = arith.constant 0 : index
      %get3A_466 = tpu.vector_load %arg16[%get3A_464, %get3A_465] {strides = array<i32>} : memref<640x16xf32, #tpu.memory_space<vmem>>, vector<16xf32>,
      %mul3A_467 = vector.broadcast %reduce_sum3A_459 : f32 to vector<16xf32>
      %mul3A_468 = arith.mulf %get3A_466, %mul3A_467 : vector<16xf32>
      %swap3A_469 = arith.index_cast %add3A_463 : i32 to index
      %swap3A_470 = arith.constant 0 : index
      %swap3A_471 = tpu.vector_load %arg16[%swap3A_469, %swap3A_470] {strides = array<i32>} : memref<640x16xf32, #tpu.memory_space<vmem>>, vector<16xf32>,
      tpu.vector_store %arg16[%swap3A_469, %swap3A_470], %mul3A_468 {strides = array<i32>} : memref<640x16xf32, #tpu.memory_space<vmem>>, vector<16xf32>,
      %broadcast_in_dim3A_472 = arith.constant 0.000000e+00 : f32
      %broadcast_in_dim3A_473 = vector.broadcast %broadcast_in_dim3A_472 : f32 to vector<16xf32>
      %add3A_474 = vector.broadcast %reduce_sum3A_459 : f32 to vector<16xf32>
      %add3A_475 = arith.addf %broadcast_in_dim3A_473, %add3A_474 : vector<16xf32>
      %swap3A_476 = arith.index_cast %add3A_463 : i32 to index
      %swap3A_477 = arith.constant 0 : index
      %swap3A_478 = tpu.vector_load %arg17[%swap3A_476, %swap3A_477] {strides = array<i32>} : memref<640x16xf32, #tpu.memory_space<vmem>>, vector<16xf32>,
      tpu.vector_store %arg17[%swap3A_476, %swap3A_477], %add3A_475 {strides = array<i32>} : memref<640x16xf32, #tpu.memory_space<vmem>>, vector<16xf32>,
      %eq3A_479 = arith.constant 8 : i32
      %eq3A_480 = vector.broadcast %eq3A_479 : i32 to vector<16xi32>
      %eq3A_481 = arith.cmpi eq, %iota3A, %eq3A_480 : vector<16xi32>
      %jit3A_482 = arith.constant 0.000000e+00 : f32
      %broadcast_in_dim3A_483 = vector.broadcast %jit3A_482 : f32 to vector<16xf32>
      %select_n3A_484 = arith.select %eq3A_481, %get3A_251, %broadcast_in_dim3A_483 : vector<16xi1>, vector<16xf32>
      %reduce_sum3A_485 = arith.constant true
      %reduce_sum3A_486 = vector.broadcast %reduce_sum3A_485 : i1 to vector<16xi1>
      %reduce_sum3A_487 = tpu.scan <sum>, %select_n3A_484 masked %reduce_sum3A_486 : vector<16xf32>, vector<16xi1> -> vector<16xf32>
      %reduce_sum3A_488 = vector.extract %reduce_sum3A_487[15] : f32 from vector<16xf32>
      %mul3A_489 = arith.constant 16 : i32
      %mul3A_490 = arith.muli %add3A_248, %mul3A_489 : i32
      %add3A_491 = arith.constant 8 : i32
      %add3A_492 = arith.addi %mul3A_490, %add3A_491 : i32
      %get3A_493 = arith.index_cast %add3A_492 : i32 to index
      %get3A_494 = arith.constant 0 : index
      %get3A_495 = tpu.vector_load %arg16[%get3A_493, %get3A_494] {strides = array<i32>} : memref<640x16xf32, #tpu.memory_space<vmem>>, vector<16xf32>,
      %mul3A_496 = vector.broadcast %reduce_sum3A_488 : f32 to vector<16xf32>
      %mul3A_497 = arith.mulf %get3A_495, %mul3A_496 : vector<16xf32>
      %swap3A_498 = arith.index_cast %add3A_492 : i32 to index
      %swap3A_499 = arith.constant 0 : index
      %swap3A_500 = tpu.vector_load %arg16[%swap3A_498, %swap3A_499] {strides = array<i32>} : memref<640x16xf32, #tpu.memory_space<vmem>>, vector<16xf32>,
      tpu.vector_store %arg16[%swap3A_498, %swap3A_499], %mul3A_497 {strides = array<i32>} : memref<640x16xf32, #tpu.memory_space<vmem>>, vector<16xf32>,
      %broadcast_in_dim3A_501 = arith.constant 0.000000e+00 : f32
      %broadcast_in_dim3A_502 = vector.broadcast %broadcast_in_dim3A_501 : f32 to vector<16xf32>
      %add3A_503 = vector.broadcast %reduce_sum3A_488 : f32 to vector<16xf32>
      %add3A_504 = arith.addf %broadcast_in_dim3A_502, %add3A_503 : vector<16xf32>
      %swap3A_505 = arith.index_cast %add3A_492 : i32 to index
      %swap3A_506 = arith.constant 0 : index
      %swap3A_507 = tpu.vector_load %arg17[%swap3A_505, %swap3A_506] {strides = array<i32>} : memref<640x16xf32, #tpu.memory_space<vmem>>, vector<16xf32>,
      tpu.vector_store %arg17[%swap3A_505, %swap3A_506], %add3A_504 {strides = array<i32>} : memref<640x16xf32, #tpu.memory_space<vmem>>, vector<16xf32>,
      %eq3A_508 = arith.constant 9 : i32
      %eq3A_509 = vector.broadcast %eq3A_508 : i32 to vector<16xi32>
      %eq3A_510 = arith.cmpi eq, %iota3A, %eq3A_509 : vector<16xi32>
      %jit3A_511 = arith.constant 0.000000e+00 : f32
      %broadcast_in_dim3A_512 = vector.broadcast %jit3A_511 : f32 to vector<16xf32>
      %select_n3A_513 = arith.select %eq3A_510, %get3A_251, %broadcast_in_dim3A_512 : vector<16xi1>, vector<16xf32>
      %reduce_sum3A_514 = arith.constant true
      %reduce_sum3A_515 = vector.broadcast %reduce_sum3A_514 : i1 to vector<16xi1>
      %reduce_sum3A_516 = tpu.scan <sum>, %select_n3A_513 masked %reduce_sum3A_515 : vector<16xf32>, vector<16xi1> -> vector<16xf32>
      %reduce_sum3A_517 = vector.extract %reduce_sum3A_516[15] : f32 from vector<16xf32>
      %mul3A_518 = arith.constant 16 : i32
      %mul3A_519 = arith.muli %add3A_248, %mul3A_518 : i32
      %add3A_520 = arith.constant 9 : i32
      %add3A_521 = arith.addi %mul3A_519, %add3A_520 : i32
      %get3A_522 = arith.index_cast %add3A_521 : i32 to index
      %get3A_523 = arith.constant 0 : index
      %get3A_524 = tpu.vector_load %arg16[%get3A_522, %get3A_523] {strides = array<i32>} : memref<640x16xf32, #tpu.memory_space<vmem>>, vector<16xf32>,
      %mul3A_525 = vector.broadcast %reduce_sum3A_517 : f32 to vector<16xf32>
      %mul3A_526 = arith.mulf %get3A_524, %mul3A_525 : vector<16xf32>
      %swap3A_527 = arith.index_cast %add3A_521 : i32 to index
      %swap3A_528 = arith.constant 0 : index
      %swap3A_529 = tpu.vector_load %arg16[%swap3A_527, %swap3A_528] {strides = array<i32>} : memref<640x16xf32, #tpu.memory_space<vmem>>, vector<16xf32>,
      tpu.vector_store %arg16[%swap3A_527, %swap3A_528], %mul3A_526 {strides = array<i32>} : memref<640x16xf32, #tpu.memory_space<vmem>>, vector<16xf32>,
      %broadcast_in_dim3A_530 = arith.constant 0.000000e+00 : f32
      %broadcast_in_dim3A_531 = vector.broadcast %broadcast_in_dim3A_530 : f32 to vector<16xf32>
      %add3A_532 = vector.broadcast %reduce_sum3A_517 : f32 to vector<16xf32>
      %add3A_533 = arith.addf %broadcast_in_dim3A_531, %add3A_532 : vector<16xf32>
      %swap3A_534 = arith.index_cast %add3A_521 : i32 to index
      %swap3A_535 = arith.constant 0 : index
      %swap3A_536 = tpu.vector_load %arg17[%swap3A_534, %swap3A_535] {strides = array<i32>} : memref<640x16xf32, #tpu.memory_space<vmem>>, vector<16xf32>,
      tpu.vector_store %arg17[%swap3A_534, %swap3A_535], %add3A_533 {strides = array<i32>} : memref<640x16xf32, #tpu.memory_space<vmem>>, vector<16xf32>,
      %eq3A_537 = arith.constant 10 : i32
      %eq3A_538 = vector.broadcast %eq3A_537 : i32 to vector<16xi32>
      %eq3A_539 = arith.cmpi eq, %iota3A, %eq3A_538 : vector<16xi32>
      %jit3A_540 = arith.constant 0.000000e+00 : f32
      %broadcast_in_dim3A_541 = vector.broadcast %jit3A_540 : f32 to vector<16xf32>
      %select_n3A_542 = arith.select %eq3A_539, %get3A_251, %broadcast_in_dim3A_541 : vector<16xi1>, vector<16xf32>
      %reduce_sum3A_543 = arith.constant true
      %reduce_sum3A_544 = vector.broadcast %reduce_sum3A_543 : i1 to vector<16xi1>
      %reduce_sum3A_545 = tpu.scan <sum>, %select_n3A_542 masked %reduce_sum3A_544 : vector<16xf32>, vector<16xi1> -> vector<16xf32>
      %reduce_sum3A_546 = vector.extract %reduce_sum3A_545[15] : f32 from vector<16xf32>
      %mul3A_547 = arith.constant 16 : i32
      %mul3A_548 = arith.muli %add3A_248, %mul3A_547 : i32
      %add3A_549 = arith.constant 10 : i32
      %add3A_550 = arith.addi %mul3A_548, %add3A_549 : i32
      %get3A_551 = arith.index_cast %add3A_550 : i32 to index
      %get3A_552 = arith.constant 0 : index
      %get3A_553 = tpu.vector_load %arg16[%get3A_551, %get3A_552] {strides = array<i32>} : memref<640x16xf32, #tpu.memory_space<vmem>>, vector<16xf32>,
      %mul3A_554 = vector.broadcast %reduce_sum3A_546 : f32 to vector<16xf32>
      %mul3A_555 = arith.mulf %get3A_553, %mul3A_554 : vector<16xf32>
      %swap3A_556 = arith.index_cast %add3A_550 : i32 to index
      %swap3A_557 = arith.constant 0 : index
      %swap3A_558 = tpu.vector_load %arg16[%swap3A_556, %swap3A_557] {strides = array<i32>} : memref<640x16xf32, #tpu.memory_space<vmem>>, vector<16xf32>,
      tpu.vector_store %arg16[%swap3A_556, %swap3A_557], %mul3A_555 {strides = array<i32>} : memref<640x16xf32, #tpu.memory_space<vmem>>, vector<16xf32>,
      %broadcast_in_dim3A_559 = arith.constant 0.000000e+00 : f32
      %broadcast_in_dim3A_560 = vector.broadcast %broadcast_in_dim3A_559 : f32 to vector<16xf32>
      %add3A_561 = vector.broadcast %reduce_sum3A_546 : f32 to vector<16xf32>
      %add3A_562 = arith.addf %broadcast_in_dim3A_560, %add3A_561 : vector<16xf32>
      %swap3A_563 = arith.index_cast %add3A_550 : i32 to index
      %swap3A_564 = arith.constant 0 : index
      %swap3A_565 = tpu.vector_load %arg17[%swap3A_563, %swap3A_564] {strides = array<i32>} : memref<640x16xf32, #tpu.memory_space<vmem>>, vector<16xf32>,
      tpu.vector_store %arg17[%swap3A_563, %swap3A_564], %add3A_562 {strides = array<i32>} : memref<640x16xf32, #tpu.memory_space<vmem>>, vector<16xf32>,
      %eq3A_566 = arith.constant 11 : i32
      %eq3A_567 = vector.broadcast %eq3A_566 : i32 to vector<16xi32>
      %eq3A_568 = arith.cmpi eq, %iota3A, %eq3A_567 : vector<16xi32>
      %jit3A_569 = arith.constant 0.000000e+00 : f32
      %broadcast_in_dim3A_570 = vector.broadcast %jit3A_569 : f32 to vector<16xf32>
      %select_n3A_571 = arith.select %eq3A_568, %get3A_251, %broadcast_in_dim3A_570 : vector<16xi1>, vector<16xf32>
      %reduce_sum3A_572 = arith.constant true
      %reduce_sum3A_573 = vector.broadcast %reduce_sum3A_572 : i1 to vector<16xi1>
      %reduce_sum3A_574 = tpu.scan <sum>, %select_n3A_571 masked %reduce_sum3A_573 : vector<16xf32>, vector<16xi1> -> vector<16xf32>
      %reduce_sum3A_575 = vector.extract %reduce_sum3A_574[15] : f32 from vector<16xf32>
      %mul3A_576 = arith.constant 16 : i32
      %mul3A_577 = arith.muli %add3A_248, %mul3A_576 : i32
      %add3A_578 = arith.constant 11 : i32
      %add3A_579 = arith.addi %mul3A_577, %add3A_578 : i32
      %get3A_580 = arith.index_cast %add3A_579 : i32 to index
      %get3A_581 = arith.constant 0 : index
      %get3A_582 = tpu.vector_load %arg16[%get3A_580, %get3A_581] {strides = array<i32>} : memref<640x16xf32, #tpu.memory_space<vmem>>, vector<16xf32>,
      %mul3A_583 = vector.broadcast %reduce_sum3A_575 : f32 to vector<16xf32>
      %mul3A_584 = arith.mulf %get3A_582, %mul3A_583 : vector<16xf32>
      %swap3A_585 = arith.index_cast %add3A_579 : i32 to index
      %swap3A_586 = arith.constant 0 : index
      %swap3A_587 = tpu.vector_load %arg16[%swap3A_585, %swap3A_586] {strides = array<i32>} : memref<640x16xf32, #tpu.memory_space<vmem>>, vector<16xf32>,
      tpu.vector_store %arg16[%swap3A_585, %swap3A_586], %mul3A_584 {strides = array<i32>} : memref<640x16xf32, #tpu.memory_space<vmem>>, vector<16xf32>,
      %broadcast_in_dim3A_588 = arith.constant 0.000000e+00 : f32
      %broadcast_in_dim3A_589 = vector.broadcast %broadcast_in_dim3A_588 : f32 to vector<16xf32>
      %add3A_590 = vector.broadcast %reduce_sum3A_575 : f32 to vector<16xf32>
      %add3A_591 = arith.addf %broadcast_in_dim3A_589, %add3A_590 : vector<16xf32>
      %swap3A_592 = arith.index_cast %add3A_579 : i32 to index
      %swap3A_593 = arith.constant 0 : index
      %swap3A_594 = tpu.vector_load %arg17[%swap3A_592, %swap3A_593] {strides = array<i32>} : memref<640x16xf32, #tpu.memory_space<vmem>>, vector<16xf32>,
      tpu.vector_store %arg17[%swap3A_592, %swap3A_593], %add3A_591 {strides = array<i32>} : memref<640x16xf32, #tpu.memory_space<vmem>>, vector<16xf32>,
      %eq3A_595 = arith.constant 12 : i32
      %eq3A_596 = vector.broadcast %eq3A_595 : i32 to vector<16xi32>
      %eq3A_597 = arith.cmpi eq, %iota3A, %eq3A_596 : vector<16xi32>
      %jit3A_598 = arith.constant 0.000000e+00 : f32
      %broadcast_in_dim3A_599 = vector.broadcast %jit3A_598 : f32 to vector<16xf32>
      %select_n3A_600 = arith.select %eq3A_597, %get3A_251, %broadcast_in_dim3A_599 : vector<16xi1>, vector<16xf32>
      %reduce_sum3A_601 = arith.constant true
      %reduce_sum3A_602 = vector.broadcast %reduce_sum3A_601 : i1 to vector<16xi1>
      %reduce_sum3A_603 = tpu.scan <sum>, %select_n3A_600 masked %reduce_sum3A_602 : vector<16xf32>, vector<16xi1> -> vector<16xf32>
      %reduce_sum3A_604 = vector.extract %reduce_sum3A_603[15] : f32 from vector<16xf32>
      %mul3A_605 = arith.constant 16 : i32
      %mul3A_606 = arith.muli %add3A_248, %mul3A_605 : i32
      %add3A_607 = arith.constant 12 : i32
      %add3A_608 = arith.addi %mul3A_606, %add3A_607 : i32
      %get3A_609 = arith.index_cast %add3A_608 : i32 to index
      %get3A_610 = arith.constant 0 : index
      %get3A_611 = tpu.vector_load %arg16[%get3A_609, %get3A_610] {strides = array<i32>} : memref<640x16xf32, #tpu.memory_space<vmem>>, vector<16xf32>,
      %mul3A_612 = vector.broadcast %reduce_sum3A_604 : f32 to vector<16xf32>
      %mul3A_613 = arith.mulf %get3A_611, %mul3A_612 : vector<16xf32>
      %swap3A_614 = arith.index_cast %add3A_608 : i32 to index
      %swap3A_615 = arith.constant 0 : index
      %swap3A_616 = tpu.vector_load %arg16[%swap3A_614, %swap3A_615] {strides = array<i32>} : memref<640x16xf32, #tpu.memory_space<vmem>>, vector<16xf32>,
      tpu.vector_store %arg16[%swap3A_614, %swap3A_615], %mul3A_613 {strides = array<i32>} : memref<640x16xf32, #tpu.memory_space<vmem>>, vector<16xf32>,
      %broadcast_in_dim3A_617 = arith.constant 0.000000e+00 : f32
      %broadcast_in_dim3A_618 = vector.broadcast %broadcast_in_dim3A_617 : f32 to vector<16xf32>
      %add3A_619 = vector.broadcast %reduce_sum3A_604 : f32 to vector<16xf32>
      %add3A_620 = arith.addf %broadcast_in_dim3A_618, %add3A_619 : vector<16xf32>
      %swap3A_621 = arith.index_cast %add3A_608 : i32 to index
      %swap3A_622 = arith.constant 0 : index
      %swap3A_623 = tpu.vector_load %arg17[%swap3A_621, %swap3A_622] {strides = array<i32>} : memref<640x16xf32, #tpu.memory_space<vmem>>, vector<16xf32>,
      tpu.vector_store %arg17[%swap3A_621, %swap3A_622], %add3A_620 {strides = array<i32>} : memref<640x16xf32, #tpu.memory_space<vmem>>, vector<16xf32>,
      %eq3A_624 = arith.constant 13 : i32
      %eq3A_625 = vector.broadcast %eq3A_624 : i32 to vector<16xi32>
      %eq3A_626 = arith.cmpi eq, %iota3A, %eq3A_625 : vector<16xi32>
      %jit3A_627 = arith.constant 0.000000e+00 : f32
      %broadcast_in_dim3A_628 = vector.broadcast %jit3A_627 : f32 to vector<16xf32>
      %select_n3A_629 = arith.select %eq3A_626, %get3A_251, %broadcast_in_dim3A_628 : vector<16xi1>, vector<16xf32>
      %reduce_sum3A_630 = arith.constant true
      %reduce_sum3A_631 = vector.broadcast %reduce_sum3A_630 : i1 to vector<16xi1>
      %reduce_sum3A_632 = tpu.scan <sum>, %select_n3A_629 masked %reduce_sum3A_631 : vector<16xf32>, vector<16xi1> -> vector<16xf32>
      %reduce_sum3A_633 = vector.extract %reduce_sum3A_632[15] : f32 from vector<16xf32>
      %mul3A_634 = arith.constant 16 : i32
      %mul3A_635 = arith.muli %add3A_248, %mul3A_634 : i32
      %add3A_636 = arith.constant 13 : i32
      %add3A_637 = arith.addi %mul3A_635, %add3A_636 : i32
      %get3A_638 = arith.index_cast %add3A_637 : i32 to index
      %get3A_639 = arith.constant 0 : index
      %get3A_640 = tpu.vector_load %arg16[%get3A_638, %get3A_639] {strides = array<i32>} : memref<640x16xf32, #tpu.memory_space<vmem>>, vector<16xf32>,
      %mul3A_641 = vector.broadcast %reduce_sum3A_633 : f32 to vector<16xf32>
      %mul3A_642 = arith.mulf %get3A_640, %mul3A_641 : vector<16xf32>
      %swap3A_643 = arith.index_cast %add3A_637 : i32 to index
      %swap3A_644 = arith.constant 0 : index
      %swap3A_645 = tpu.vector_load %arg16[%swap3A_643, %swap3A_644] {strides = array<i32>} : memref<640x16xf32, #tpu.memory_space<vmem>>, vector<16xf32>,
      tpu.vector_store %arg16[%swap3A_643, %swap3A_644], %mul3A_642 {strides = array<i32>} : memref<640x16xf32, #tpu.memory_space<vmem>>, vector<16xf32>,
      %broadcast_in_dim3A_646 = arith.constant 0.000000e+00 : f32
      %broadcast_in_dim3A_647 = vector.broadcast %broadcast_in_dim3A_646 : f32 to vector<16xf32>
      %add3A_648 = vector.broadcast %reduce_sum3A_633 : f32 to vector<16xf32>
      %add3A_649 = arith.addf %broadcast_in_dim3A_647, %add3A_648 : vector<16xf32>
      %swap3A_650 = arith.index_cast %add3A_637 : i32 to index
      %swap3A_651 = arith.constant 0 : index
      %swap3A_652 = tpu.vector_load %arg17[%swap3A_650, %swap3A_651] {strides = array<i32>} : memref<640x16xf32, #tpu.memory_space<vmem>>, vector<16xf32>,
      tpu.vector_store %arg17[%swap3A_650, %swap3A_651], %add3A_649 {strides = array<i32>} : memref<640x16xf32, #tpu.memory_space<vmem>>, vector<16xf32>,
      %eq3A_653 = arith.constant 14 : i32
      %eq3A_654 = vector.broadcast %eq3A_653 : i32 to vector<16xi32>
      %eq3A_655 = arith.cmpi eq, %iota3A, %eq3A_654 : vector<16xi32>
      %jit3A_656 = arith.constant 0.000000e+00 : f32
      %broadcast_in_dim3A_657 = vector.broadcast %jit3A_656 : f32 to vector<16xf32>
      %select_n3A_658 = arith.select %eq3A_655, %get3A_251, %broadcast_in_dim3A_657 : vector<16xi1>, vector<16xf32>
      %reduce_sum3A_659 = arith.constant true
      %reduce_sum3A_660 = vector.broadcast %reduce_sum3A_659 : i1 to vector<16xi1>
      %reduce_sum3A_661 = tpu.scan <sum>, %select_n3A_658 masked %reduce_sum3A_660 : vector<16xf32>, vector<16xi1> -> vector<16xf32>
      %reduce_sum3A_662 = vector.extract %reduce_sum3A_661[15] : f32 from vector<16xf32>
      %mul3A_663 = arith.constant 16 : i32
      %mul3A_664 = arith.muli %add3A_248, %mul3A_663 : i32
      %add3A_665 = arith.constant 14 : i32
      %add3A_666 = arith.addi %mul3A_664, %add3A_665 : i32
      %get3A_667 = arith.index_cast %add3A_666 : i32 to index
      %get3A_668 = arith.constant 0 : index
      %get3A_669 = tpu.vector_load %arg16[%get3A_667, %get3A_668] {strides = array<i32>} : memref<640x16xf32, #tpu.memory_space<vmem>>, vector<16xf32>,
      %mul3A_670 = vector.broadcast %reduce_sum3A_662 : f32 to vector<16xf32>
      %mul3A_671 = arith.mulf %get3A_669, %mul3A_670 : vector<16xf32>
      %swap3A_672 = arith.index_cast %add3A_666 : i32 to index
      %swap3A_673 = arith.constant 0 : index
      %swap3A_674 = tpu.vector_load %arg16[%swap3A_672, %swap3A_673] {strides = array<i32>} : memref<640x16xf32, #tpu.memory_space<vmem>>, vector<16xf32>,
      tpu.vector_store %arg16[%swap3A_672, %swap3A_673], %mul3A_671 {strides = array<i32>} : memref<640x16xf32, #tpu.memory_space<vmem>>, vector<16xf32>,
      %broadcast_in_dim3A_675 = arith.constant 0.000000e+00 : f32
      %broadcast_in_dim3A_676 = vector.broadcast %broadcast_in_dim3A_675 : f32 to vector<16xf32>
      %add3A_677 = vector.broadcast %reduce_sum3A_662 : f32 to vector<16xf32>
      %add3A_678 = arith.addf %broadcast_in_dim3A_676, %add3A_677 : vector<16xf32>
      %swap3A_679 = arith.index_cast %add3A_666 : i32 to index
      %swap3A_680 = arith.constant 0 : index
      %swap3A_681 = tpu.vector_load %arg17[%swap3A_679, %swap3A_680] {strides = array<i32>} : memref<640x16xf32, #tpu.memory_space<vmem>>, vector<16xf32>,
      tpu.vector_store %arg17[%swap3A_679, %swap3A_680], %add3A_678 {strides = array<i32>} : memref<640x16xf32, #tpu.memory_space<vmem>>, vector<16xf32>,
      %eq3A_682 = arith.constant 15 : i32
      %eq3A_683 = vector.broadcast %eq3A_682 : i32 to vector<16xi32>
      %eq3A_684 = arith.cmpi eq, %iota3A, %eq3A_683 : vector<16xi32>
      %jit3A_685 = arith.constant 0.000000e+00 : f32
      %broadcast_in_dim3A_686 = vector.broadcast %jit3A_685 : f32 to vector<16xf32>
      %select_n3A_687 = arith.select %eq3A_684, %get3A_251, %broadcast_in_dim3A_686 : vector<16xi1>, vector<16xf32>
      %reduce_sum3A_688 = arith.constant true
      %reduce_sum3A_689 = vector.broadcast %reduce_sum3A_688 : i1 to vector<16xi1>
      %reduce_sum3A_690 = tpu.scan <sum>, %select_n3A_687 masked %reduce_sum3A_689 : vector<16xf32>, vector<16xi1> -> vector<16xf32>
      %reduce_sum3A_691 = vector.extract %reduce_sum3A_690[15] : f32 from vector<16xf32>
      %mul3A_692 = arith.constant 16 : i32
      %mul3A_693 = arith.muli %add3A_248, %mul3A_692 : i32
      %add3A_694 = arith.constant 15 : i32
      %add3A_695 = arith.addi %mul3A_693, %add3A_694 : i32
      %get3A_696 = arith.index_cast %add3A_695 : i32 to index
      %get3A_697 = arith.constant 0 : index
      %get3A_698 = tpu.vector_load %arg16[%get3A_696, %get3A_697] {strides = array<i32>} : memref<640x16xf32, #tpu.memory_space<vmem>>, vector<16xf32>,
      %mul3A_699 = vector.broadcast %reduce_sum3A_691 : f32 to vector<16xf32>
      %mul3A_700 = arith.mulf %get3A_698, %mul3A_699 : vector<16xf32>
      %swap3A_701 = arith.index_cast %add3A_695 : i32 to index
      %swap3A_702 = arith.constant 0 : index
      %swap3A_703 = tpu.vector_load %arg16[%swap3A_701, %swap3A_702] {strides = array<i32>} : memref<640x16xf32, #tpu.memory_space<vmem>>, vector<16xf32>,
      tpu.vector_store %arg16[%swap3A_701, %swap3A_702], %mul3A_700 {strides = array<i32>} : memref<640x16xf32, #tpu.memory_space<vmem>>, vector<16xf32>,
      %broadcast_in_dim3A_704 = arith.constant 0.000000e+00 : f32
      %broadcast_in_dim3A_705 = vector.broadcast %broadcast_in_dim3A_704 : f32 to vector<16xf32>
      %add3A_706 = vector.broadcast %reduce_sum3A_691 : f32 to vector<16xf32>
      %add3A_707 = arith.addf %broadcast_in_dim3A_705, %add3A_706 : vector<16xf32>
      %swap3A_708 = arith.index_cast %add3A_695 : i32 to index
      %swap3A_709 = arith.constant 0 : index
      %swap3A_710 = tpu.vector_load %arg17[%swap3A_708, %swap3A_709] {strides = array<i32>} : memref<640x16xf32, #tpu.memory_space<vmem>>, vector<16xf32>,
      tpu.vector_store %arg17[%swap3A_708, %swap3A_709], %add3A_707 {strides = array<i32>} : memref<640x16xf32, #tpu.memory_space<vmem>>, vector<16xf32>,
    }
    %scan3A_39 = arith.constant 40 : i32
    "tpu.region"() ({
      %run_scoped3A = tpu.sem_alloc : memref<!tpu.dma_semaphore, #tpu.memory_space<semaphore_mem>>
      %dma_start3A_244 = arith.constant 0 : i32
      %dma_start3A_245 = tpu.memref_slice %arg9[%mul3A_2, %dma_start3A_244] : memref<10240x16xf32, #tpu.memory_space<vmem_shared>> -> memref<640x16xf32, #tpu.memory_space<vmem_shared>>
      %dma_start3A_246 = arith.constant 0 : i32
      %dma_start3A_247 = tpu.memref_slice %arg9[%mul3A_2, %dma_start3A_246] : memref<10240x16xf32, #tpu.memory_space<vmem_shared>> -> memref<640x16xf32, #tpu.memory_space<vmem_shared>>
      tpu.enqueue_dma source(%arg16 : memref<640x16xf32, #tpu.memory_space<vmem>>) target(%dma_start3A_247 : memref<640x16xf32, #tpu.memory_space<vmem_shared>>) target_semaphore(%run_scoped3A : memref<!tpu.dma_semaphore, #tpu.memory_space<semaphore_mem>>)
      %dma_wait3A_248 = arith.constant 0 : i32
      %dma_wait3A_249 = tpu.memref_slice %arg9[%mul3A_2, %dma_wait3A_248] : memref<10240x16xf32, #tpu.memory_space<vmem_shared>> -> memref<640x16xf32, #tpu.memory_space<vmem_shared>>
      %dma_wait3A_250 = arith.constant 0 : i32
      %dma_wait3A_251 = tpu.memref_slice %arg9[%mul3A_2, %dma_wait3A_250] : memref<10240x16xf32, #tpu.memory_space<vmem_shared>> -> memref<640x16xf32, #tpu.memory_space<vmem_shared>>
      tpu.wait_dma2 semaphore(%run_scoped3A : memref<!tpu.dma_semaphore, #tpu.memory_space<semaphore_mem>>) src(%arg16 : memref<640x16xf32, #tpu.memory_space<vmem>>) dst(%dma_wait3A_251 : memref<640x16xf32, #tpu.memory_space<vmem_shared>>)
      tpu.yield
    }) : () -> ()
    %eq3A = arith.constant 0 : i32
    %eq3A_40 = arith.cmpi eq, %arg0, %eq3A : i32
    %convert_element_type3A = arith.extui %eq3A_40 : i1 to i32
    %cond3A = arith.constant 0 : i32
    %cond3A_41 = arith.cmpi ne, %convert_element_type3A, %cond3A : i32
    scf.if %cond3A_41 {
      "tpu.region"() ({
        %run_scoped3A = tpu.sem_alloc : memref<!tpu.dma_semaphore, #tpu.memory_space<semaphore_mem>>
        %dma_start3A_244 = arith.constant 0 : i32
        %dma_start3A_245 = tpu.memref_slice %arg10[%mul3A_2, %dma_start3A_244] : memref<10240x16xf32, #tpu.memory_space<vmem_shared>> -> memref<640x16xf32, #tpu.memory_space<vmem_shared>>
        %dma_start3A_246 = arith.constant 0 : i32
        %dma_start3A_247 = tpu.memref_slice %arg10[%mul3A_2, %dma_start3A_246] : memref<10240x16xf32, #tpu.memory_space<vmem_shared>> -> memref<640x16xf32, #tpu.memory_space<vmem_shared>>
        tpu.enqueue_dma source(%arg16 : memref<640x16xf32, #tpu.memory_space<vmem>>) target(%dma_start3A_247 : memref<640x16xf32, #tpu.memory_space<vmem_shared>>) target_semaphore(%run_scoped3A : memref<!tpu.dma_semaphore, #tpu.memory_space<semaphore_mem>>)
        %dma_wait3A_248 = arith.constant 0 : i32
        %dma_wait3A_249 = tpu.memref_slice %arg10[%mul3A_2, %dma_wait3A_248] : memref<10240x16xf32, #tpu.memory_space<vmem_shared>> -> memref<640x16xf32, #tpu.memory_space<vmem_shared>>
        %dma_wait3A_250 = arith.constant 0 : i32
        %dma_wait3A_251 = tpu.memref_slice %arg10[%mul3A_2, %dma_wait3A_250] : memref<10240x16xf32, #tpu.memory_space<vmem_shared>> -> memref<640x16xf32, #tpu.memory_space<vmem_shared>>
        tpu.wait_dma2 semaphore(%run_scoped3A : memref<!tpu.dma_semaphore, #tpu.memory_space<semaphore_mem>>) src(%arg16 : memref<640x16xf32, #tpu.memory_space<vmem>>) dst(%dma_wait3A_251 : memref<640x16xf32, #tpu.memory_space<vmem_shared>>)
        tpu.yield
      }) : () -> ()
      "tpu.region"() ({
        %run_scoped3A = tpu.sem_alloc : memref<!tpu.dma_semaphore, #tpu.memory_space<semaphore_mem>>
        %dma_start3A_244 = arith.constant 0 : i32
        %dma_start3A_245 = tpu.memref_slice %arg7[%mul3A_2, %dma_start3A_244] : memref<10240x16xf32, #tpu.memory_space<hbm>> -> memref<640x16xf32, #tpu.memory_space<hbm>>
        %dma_start3A_246 = arith.constant 0 : i32
        %dma_start3A_247 = tpu.memref_slice %arg7[%mul3A_2, %dma_start3A_246] : memref<10240x16xf32, #tpu.memory_space<hbm>> -> memref<640x16xf32, #tpu.memory_space<hbm>>
        tpu.enqueue_dma source(%arg17 : memref<640x16xf32, #tpu.memory_space<vmem>>) target(%dma_start3A_247 : memref<640x16xf32, #tpu.memory_space<hbm>>) target_semaphore(%run_scoped3A : memref<!tpu.dma_semaphore, #tpu.memory_space<semaphore_mem>>)
        %dma_wait3A_248 = arith.constant 0 : i32
        %dma_wait3A_249 = tpu.memref_slice %arg7[%mul3A_2, %dma_wait3A_248] : memref<10240x16xf32, #tpu.memory_space<hbm>> -> memref<640x16xf32, #tpu.memory_space<hbm>>
        %dma_wait3A_250 = arith.constant 0 : i32
        %dma_wait3A_251 = tpu.memref_slice %arg7[%mul3A_2, %dma_wait3A_250] : memref<10240x16xf32, #tpu.memory_space<hbm>> -> memref<640x16xf32, #tpu.memory_space<hbm>>
        tpu.wait_dma2 semaphore(%run_scoped3A : memref<!tpu.dma_semaphore, #tpu.memory_space<semaphore_mem>>) src(%arg17 : memref<640x16xf32, #tpu.memory_space<vmem>>) dst(%dma_wait3A_251 : memref<640x16xf32, #tpu.memory_space<hbm>>)
        tpu.yield
      }) : () -> ()
    } else {
    }
    %eq3A_42 = arith.constant 1 : i32
    %eq3A_43 = arith.cmpi eq, %arg0, %eq3A_42 : i32
    %convert_element_type3A_44 = arith.extui %eq3A_43 : i1 to i32
    %cond3A_45 = arith.constant 0 : i32
    %cond3A_46 = arith.cmpi ne, %convert_element_type3A_44, %cond3A_45 : i32
    scf.if %cond3A_46 {
      "tpu.region"() ({
        %run_scoped3A = tpu.sem_alloc : memref<!tpu.dma_semaphore, #tpu.memory_space<semaphore_mem>>
        %dma_start3A_244 = arith.constant 0 : i32
        %dma_start3A_245 = tpu.memref_slice %arg10[%mul3A_2, %dma_start3A_244] : memref<10240x16xf32, #tpu.memory_space<vmem_shared>> -> memref<640x16xf32, #tpu.memory_space<vmem_shared>>
        %dma_start3A_246 = arith.constant 0 : i32
        %dma_start3A_247 = tpu.memref_slice %arg5[%mul3A_2, %dma_start3A_246] : memref<10240x16xf32, #tpu.memory_space<hbm>> -> memref<640x16xf32, #tpu.memory_space<hbm>>
        tpu.enqueue_dma source(%dma_start3A_247 : memref<640x16xf32, #tpu.memory_space<hbm>>) target(%dma_start3A_245 : memref<640x16xf32, #tpu.memory_space<vmem_shared>>) target_semaphore(%run_scoped3A : memref<!tpu.dma_semaphore, #tpu.memory_space<semaphore_mem>>)
        %dma_wait3A_248 = arith.constant 0 : i32
        %dma_wait3A_249 = tpu.memref_slice %arg10[%mul3A_2, %dma_wait3A_248] : memref<10240x16xf32, #tpu.memory_space<vmem_shared>> -> memref<640x16xf32, #tpu.memory_space<vmem_shared>>
        %dma_wait3A_250 = arith.constant 0 : i32
        %dma_wait3A_251 = tpu.memref_slice %arg5[%mul3A_2, %dma_wait3A_250] : memref<10240x16xf32, #tpu.memory_space<hbm>> -> memref<640x16xf32, #tpu.memory_space<hbm>>
        tpu.wait_dma2 semaphore(%run_scoped3A : memref<!tpu.dma_semaphore, #tpu.memory_space<semaphore_mem>>) src(%dma_wait3A_251 : memref<640x16xf32, #tpu.memory_space<hbm>>) dst(%dma_wait3A_249 : memref<640x16xf32, #tpu.memory_space<vmem_shared>>)
        tpu.yield
      }) : () -> ()
    } else {
    }
    %barrier3A_47 = arith.constant 0 : index
    tpu.barrier barrier_id(%barrier3A_47)
    %dma_start3A = arith.constant 0 : i32
    %dma_start3A_48 = arith.constant 0 : i32
    %dma_start3A_49 = arith.constant 0 : i32
    %dma_start3A_50 = arith.constant 0 : i32
    %dma_start3A_51 = tpu.memref_slice %arg19[%dma_start3A_48, %dma_start3A_49, %dma_start3A_50] : memref<4x128x16xf32, #tpu.memory_space<vmem>> -> memref<1x128x16xf32, #tpu.memory_space<vmem>>
    %dma_start3A_52 = tpu.memref_squeeze %dma_start3A_51 : memref<1x128x16xf32, #tpu.memory_space<vmem>> -> memref<128x16xf32, #tpu.memory_space<vmem>>
    %dma_start3A_53 = arith.constant 0 : i32
    %dma_start3A_54 = tpu.memref_slice %arg12[%dma_start3A, %dma_start3A_53] : memref<80x128xi32, #tpu.memory_space<vmem>> -> memref<1x128xi32, #tpu.memory_space<vmem>>
    %dma_start3A_55 = tpu.memref_squeeze %dma_start3A_54 : memref<1x128xi32, #tpu.memory_space<vmem>> -> memref<128xi32, #tpu.memory_space<vmem>>
    %dma_start3A_56 = arith.constant 0 : i32
    %dma_start3A_57 = arith.constant 0 : i32
    %dma_start3A_58 = tpu.memref_slice %arg9[%dma_start3A_56, %dma_start3A_57] : memref<10240x16xf32, #tpu.memory_space<vmem_shared>> -> memref<10240x16xf32, #tpu.memory_space<vmem_shared>>
    tpu.enqueue_indirect_dma source(%dma_start3A_58 : memref<10240x16xf32, #tpu.memory_space<vmem_shared>>) target(%dma_start3A_52 : memref<128x16xf32, #tpu.memory_space<vmem>>) offsets(%dma_start3A_55 : memref<128xi32, #tpu.memory_space<vmem>>) semaphore(%arg21 : memref<!tpu.dma_semaphore, #tpu.memory_space<semaphore_mem>>)
    %dma_start3A_59 = arith.constant 1 : i32
    %dma_start3A_60 = arith.constant 1 : i32
    %dma_start3A_61 = arith.constant 0 : i32
    %dma_start3A_62 = arith.constant 0 : i32
    %dma_start3A_63 = tpu.memref_slice %arg19[%dma_start3A_60, %dma_start3A_61, %dma_start3A_62] : memref<4x128x16xf32, #tpu.memory_space<vmem>> -> memref<1x128x16xf32, #tpu.memory_space<vmem>>
    %dma_start3A_64 = tpu.memref_squeeze %dma_start3A_63 : memref<1x128x16xf32, #tpu.memory_space<vmem>> -> memref<128x16xf32, #tpu.memory_space<vmem>>
    %dma_start3A_65 = arith.constant 0 : i32
    %dma_start3A_66 = tpu.memref_slice %arg12[%dma_start3A_59, %dma_start3A_65] : memref<80x128xi32, #tpu.memory_space<vmem>> -> memref<1x128xi32, #tpu.memory_space<vmem>>
    %dma_start3A_67 = tpu.memref_squeeze %dma_start3A_66 : memref<1x128xi32, #tpu.memory_space<vmem>> -> memref<128xi32, #tpu.memory_space<vmem>>
    %dma_start3A_68 = arith.constant 0 : i32
    %dma_start3A_69 = arith.constant 0 : i32
    %dma_start3A_70 = tpu.memref_slice %arg9[%dma_start3A_68, %dma_start3A_69] : memref<10240x16xf32, #tpu.memory_space<vmem_shared>> -> memref<10240x16xf32, #tpu.memory_space<vmem_shared>>
    tpu.enqueue_indirect_dma source(%dma_start3A_70 : memref<10240x16xf32, #tpu.memory_space<vmem_shared>>) target(%dma_start3A_64 : memref<128x16xf32, #tpu.memory_space<vmem>>) offsets(%dma_start3A_67 : memref<128xi32, #tpu.memory_space<vmem>>) semaphore(%arg22 : memref<!tpu.dma_semaphore, #tpu.memory_space<semaphore_mem>>)
    %dma_start3A_71 = arith.constant 2 : i32
    %dma_start3A_72 = arith.constant 2 : i32
    %dma_start3A_73 = arith.constant 0 : i32
    %dma_start3A_74 = arith.constant 0 : i32
    %dma_start3A_75 = tpu.memref_slice %arg19[%dma_start3A_72, %dma_start3A_73, %dma_start3A_74] : memref<4x128x16xf32, #tpu.memory_space<vmem>> -> memref<1x128x16xf32, #tpu.memory_space<vmem>>
    %dma_start3A_76 = tpu.memref_squeeze %dma_start3A_75 : memref<1x128x16xf32, #tpu.memory_space<vmem>> -> memref<128x16xf32, #tpu.memory_space<vmem>>
    %dma_start3A_77 = arith.constant 0 : i32
    %dma_start3A_78 = tpu.memref_slice %arg12[%dma_start3A_71, %dma_start3A_77] : memref<80x128xi32, #tpu.memory_space<vmem>> -> memref<1x128xi32, #tpu.memory_space<vmem>>
    %dma_start3A_79 = tpu.memref_squeeze %dma_start3A_78 : memref<1x128xi32, #tpu.memory_space<vmem>> -> memref<128xi32, #tpu.memory_space<vmem>>
    %dma_start3A_80 = arith.constant 0 : i32
    %dma_start3A_81 = arith.constant 0 : i32
    %dma_start3A_82 = tpu.memref_slice %arg9[%dma_start3A_80, %dma_start3A_81] : memref<10240x16xf32, #tpu.memory_space<vmem_shared>> -> memref<10240x16xf32, #tpu.memory_space<vmem_shared>>
    tpu.enqueue_indirect_dma source(%dma_start3A_82 : memref<10240x16xf32, #tpu.memory_space<vmem_shared>>) target(%dma_start3A_76 : memref<128x16xf32, #tpu.memory_space<vmem>>) offsets(%dma_start3A_79 : memref<128xi32, #tpu.memory_space<vmem>>) semaphore(%arg23 : memref<!tpu.dma_semaphore, #tpu.memory_space<semaphore_mem>>)
    %dma_start3A_83 = arith.constant 3 : i32
    %dma_start3A_84 = arith.constant 3 : i32
    %dma_start3A_85 = arith.constant 0 : i32
    %dma_start3A_86 = arith.constant 0 : i32
    %dma_start3A_87 = tpu.memref_slice %arg19[%dma_start3A_84, %dma_start3A_85, %dma_start3A_86] : memref<4x128x16xf32, #tpu.memory_space<vmem>> -> memref<1x128x16xf32, #tpu.memory_space<vmem>>
    %dma_start3A_88 = tpu.memref_squeeze %dma_start3A_87 : memref<1x128x16xf32, #tpu.memory_space<vmem>> -> memref<128x16xf32, #tpu.memory_space<vmem>>
    %dma_start3A_89 = arith.constant 0 : i32
    %dma_start3A_90 = tpu.memref_slice %arg12[%dma_start3A_83, %dma_start3A_89] : memref<80x128xi32, #tpu.memory_space<vmem>> -> memref<1x128xi32, #tpu.memory_space<vmem>>
    %dma_start3A_91 = tpu.memref_squeeze %dma_start3A_90 : memref<1x128xi32, #tpu.memory_space<vmem>> -> memref<128xi32, #tpu.memory_space<vmem>>
    %dma_start3A_92 = arith.constant 0 : i32
    %dma_start3A_93 = arith.constant 0 : i32
    %dma_start3A_94 = tpu.memref_slice %arg9[%dma_start3A_92, %dma_start3A_93] : memref<10240x16xf32, #tpu.memory_space<vmem_shared>> -> memref<10240x16xf32, #tpu.memory_space<vmem_shared>>
    tpu.enqueue_indirect_dma source(%dma_start3A_94 : memref<10240x16xf32, #tpu.memory_space<vmem_shared>>) target(%dma_start3A_88 : memref<128x16xf32, #tpu.memory_space<vmem>>) offsets(%dma_start3A_91 : memref<128xi32, #tpu.memory_space<vmem>>) semaphore(%arg24 : memref<!tpu.dma_semaphore, #tpu.memory_space<semaphore_mem>>)
    %scan3A_95 = arith.constant 0 : i32
    %scan3A_96 = arith.constant 19 : i32
    %scan3A_97 = arith.addi %scan3A_95, %scan3A_96 : i32
    %scan3A_98 = arith.constant 1 : i32
    scf.for %scan3A_244 = %scan3A_95 to %scan3A_97 step %scan3A_98  : i32 {
      %mul3A_245 = arith.constant 4 : i32
      %mul3A_246 = arith.muli %scan3A_244, %mul3A_245 : i32
      %add3A_247 = arith.constant 0 : i32
      %add3A_248 = arith.addi %add3A_247, %mul3A_246 : i32
      %dma_wait3A_249 = arith.constant 0 : i32
      %dma_wait3A_250 = arith.constant 0 : i32
      %dma_wait3A_251 = arith.constant 0 : i32
      %dma_wait3A_252 = arith.constant 0 : i32
      %dma_wait3A_253 = tpu.memref_slice %arg19[%dma_wait3A_250, %dma_wait3A_251, %dma_wait3A_252] : memref<4x128x16xf32, #tpu.memory_space<vmem>> -> memref<1x128x16xf32, #tpu.memory_space<vmem>>
      %dma_wait3A_254 = tpu.memref_squeeze %dma_wait3A_253 : memref<1x128x16xf32, #tpu.memory_space<vmem>> -> memref<128x16xf32, #tpu.memory_space<vmem>>
      %dma_wait3A_255 = arith.constant 0 : i32
      %dma_wait3A_256 = tpu.memref_slice %arg12[%dma_wait3A_249, %dma_wait3A_255] : memref<80x128xi32, #tpu.memory_space<vmem>> -> memref<1x128xi32, #tpu.memory_space<vmem>>
      %dma_wait3A_257 = tpu.memref_squeeze %dma_wait3A_256 : memref<1x128xi32, #tpu.memory_space<vmem>> -> memref<128xi32, #tpu.memory_space<vmem>>
      %dma_wait3A_258 = arith.constant 0 : i32
      %dma_wait3A_259 = arith.constant 0 : i32
      %dma_wait3A_260 = tpu.memref_slice %arg9[%dma_wait3A_258, %dma_wait3A_259] : memref<10240x16xf32, #tpu.memory_space<vmem_shared>> -> memref<10240x16xf32, #tpu.memory_space<vmem_shared>>
      tpu.wait_indirect_dma semaphore(%arg21 : memref<!tpu.dma_semaphore, #tpu.memory_space<semaphore_mem>>) src(%dma_wait3A_260 : memref<10240x16xf32, #tpu.memory_space<vmem_shared>>) dst(%dma_wait3A_254 : memref<128x16xf32, #tpu.memory_space<vmem>>)
      %add3A_261 = arith.constant 0 : i32
      %add3A_262 = arith.addi %add3A_248, %add3A_261 : i32
      %dma_start3A_263 = arith.constant 0 : i32
      %dma_start3A_264 = arith.constant 0 : i32
      %dma_start3A_265 = arith.constant 0 : i32
      %dma_start3A_266 = tpu.memref_slice %arg19[%dma_start3A_263, %dma_start3A_264, %dma_start3A_265] : memref<4x128x16xf32, #tpu.memory_space<vmem>> -> memref<1x128x16xf32, #tpu.memory_space<vmem>>
      %dma_start3A_267 = tpu.memref_squeeze %dma_start3A_266 : memref<1x128x16xf32, #tpu.memory_space<vmem>> -> memref<128x16xf32, #tpu.memory_space<vmem>>
      %dma_start3A_268 = arith.constant 0 : i32
      %dma_start3A_269 = tpu.memref_slice %arg13[%add3A_262, %dma_start3A_268] : memref<80x128xi32, #tpu.memory_space<vmem>> -> memref<1x128xi32, #tpu.memory_space<vmem>>
      %dma_start3A_270 = tpu.memref_squeeze %dma_start3A_269 : memref<1x128xi32, #tpu.memory_space<vmem>> -> memref<128xi32, #tpu.memory_space<vmem>>
      %dma_start3A_271 = arith.constant 0 : i32
      %dma_start3A_272 = arith.constant 0 : i32
      %dma_start3A_273 = tpu.memref_slice %arg10[%dma_start3A_271, %dma_start3A_272] : memref<10240x16xf32, #tpu.memory_space<vmem_shared>> -> memref<10240x16xf32, #tpu.memory_space<vmem_shared>>
      tpu.enqueue_indirect_dma source(%dma_start3A_267 : memref<128x16xf32, #tpu.memory_space<vmem>>) target(%dma_start3A_273 : memref<10240x16xf32, #tpu.memory_space<vmem_shared>>) offsets(%dma_start3A_270 : memref<128xi32, #tpu.memory_space<vmem>>) semaphore(%arg25 : memref<!tpu.dma_semaphore, #tpu.memory_space<semaphore_mem>>) {add = true}
      %dma_wait3A_274 = arith.constant 0 : i32
      %dma_wait3A_275 = arith.constant 1 : i32
      %dma_wait3A_276 = arith.constant 0 : i32
      %dma_wait3A_277 = arith.constant 0 : i32
      %dma_wait3A_278 = tpu.memref_slice %arg19[%dma_wait3A_275, %dma_wait3A_276, %dma_wait3A_277] : memref<4x128x16xf32, #tpu.memory_space<vmem>> -> memref<1x128x16xf32, #tpu.memory_space<vmem>>
      %dma_wait3A_279 = tpu.memref_squeeze %dma_wait3A_278 : memref<1x128x16xf32, #tpu.memory_space<vmem>> -> memref<128x16xf32, #tpu.memory_space<vmem>>
      %dma_wait3A_280 = arith.constant 0 : i32
      %dma_wait3A_281 = tpu.memref_slice %arg12[%dma_wait3A_274, %dma_wait3A_280] : memref<80x128xi32, #tpu.memory_space<vmem>> -> memref<1x128xi32, #tpu.memory_space<vmem>>
      %dma_wait3A_282 = tpu.memref_squeeze %dma_wait3A_281 : memref<1x128xi32, #tpu.memory_space<vmem>> -> memref<128xi32, #tpu.memory_space<vmem>>
      %dma_wait3A_283 = arith.constant 0 : i32
      %dma_wait3A_284 = arith.constant 0 : i32
      %dma_wait3A_285 = tpu.memref_slice %arg9[%dma_wait3A_283, %dma_wait3A_284] : memref<10240x16xf32, #tpu.memory_space<vmem_shared>> -> memref<10240x16xf32, #tpu.memory_space<vmem_shared>>
      tpu.wait_indirect_dma semaphore(%arg22 : memref<!tpu.dma_semaphore, #tpu.memory_space<semaphore_mem>>) src(%dma_wait3A_285 : memref<10240x16xf32, #tpu.memory_space<vmem_shared>>) dst(%dma_wait3A_279 : memref<128x16xf32, #tpu.memory_space<vmem>>)
      %add3A_286 = arith.constant 1 : i32
      %add3A_287 = arith.addi %add3A_248, %add3A_286 : i32
      %dma_start3A_288 = arith.constant 1 : i32
      %dma_start3A_289 = arith.constant 0 : i32
      %dma_start3A_290 = arith.constant 0 : i32
      %dma_start3A_291 = tpu.memref_slice %arg19[%dma_start3A_288, %dma_start3A_289, %dma_start3A_290] : memref<4x128x16xf32, #tpu.memory_space<vmem>> -> memref<1x128x16xf32, #tpu.memory_space<vmem>>
      %dma_start3A_292 = tpu.memref_squeeze %dma_start3A_291 : memref<1x128x16xf32, #tpu.memory_space<vmem>> -> memref<128x16xf32, #tpu.memory_space<vmem>>
      %dma_start3A_293 = arith.constant 0 : i32
      %dma_start3A_294 = tpu.memref_slice %arg13[%add3A_287, %dma_start3A_293] : memref<80x128xi32, #tpu.memory_space<vmem>> -> memref<1x128xi32, #tpu.memory_space<vmem>>
      %dma_start3A_295 = tpu.memref_squeeze %dma_start3A_294 : memref<1x128xi32, #tpu.memory_space<vmem>> -> memref<128xi32, #tpu.memory_space<vmem>>
      %dma_start3A_296 = arith.constant 0 : i32
      %dma_start3A_297 = arith.constant 0 : i32
      %dma_start3A_298 = tpu.memref_slice %arg10[%dma_start3A_296, %dma_start3A_297] : memref<10240x16xf32, #tpu.memory_space<vmem_shared>> -> memref<10240x16xf32, #tpu.memory_space<vmem_shared>>
      tpu.enqueue_indirect_dma source(%dma_start3A_292 : memref<128x16xf32, #tpu.memory_space<vmem>>) target(%dma_start3A_298 : memref<10240x16xf32, #tpu.memory_space<vmem_shared>>) offsets(%dma_start3A_295 : memref<128xi32, #tpu.memory_space<vmem>>) semaphore(%arg26 : memref<!tpu.dma_semaphore, #tpu.memory_space<semaphore_mem>>) {add = true}
      %dma_wait3A_299 = arith.constant 0 : i32
      %dma_wait3A_300 = arith.constant 2 : i32
      %dma_wait3A_301 = arith.constant 0 : i32
      %dma_wait3A_302 = arith.constant 0 : i32
      %dma_wait3A_303 = tpu.memref_slice %arg19[%dma_wait3A_300, %dma_wait3A_301, %dma_wait3A_302] : memref<4x128x16xf32, #tpu.memory_space<vmem>> -> memref<1x128x16xf32, #tpu.memory_space<vmem>>
      %dma_wait3A_304 = tpu.memref_squeeze %dma_wait3A_303 : memref<1x128x16xf32, #tpu.memory_space<vmem>> -> memref<128x16xf32, #tpu.memory_space<vmem>>
      %dma_wait3A_305 = arith.constant 0 : i32
      %dma_wait3A_306 = tpu.memref_slice %arg12[%dma_wait3A_299, %dma_wait3A_305] : memref<80x128xi32, #tpu.memory_space<vmem>> -> memref<1x128xi32, #tpu.memory_space<vmem>>
      %dma_wait3A_307 = tpu.memref_squeeze %dma_wait3A_306 : memref<1x128xi32, #tpu.memory_space<vmem>> -> memref<128xi32, #tpu.memory_space<vmem>>
      %dma_wait3A_308 = arith.constant 0 : i32
      %dma_wait3A_309 = arith.constant 0 : i32
      %dma_wait3A_310 = tpu.memref_slice %arg9[%dma_wait3A_308, %dma_wait3A_309] : memref<10240x16xf32, #tpu.memory_space<vmem_shared>> -> memref<10240x16xf32, #tpu.memory_space<vmem_shared>>
      tpu.wait_indirect_dma semaphore(%arg23 : memref<!tpu.dma_semaphore, #tpu.memory_space<semaphore_mem>>) src(%dma_wait3A_310 : memref<10240x16xf32, #tpu.memory_space<vmem_shared>>) dst(%dma_wait3A_304 : memref<128x16xf32, #tpu.memory_space<vmem>>)
      %add3A_311 = arith.constant 2 : i32
      %add3A_312 = arith.addi %add3A_248, %add3A_311 : i32
      %dma_start3A_313 = arith.constant 2 : i32
      %dma_start3A_314 = arith.constant 0 : i32
      %dma_start3A_315 = arith.constant 0 : i32
      %dma_start3A_316 = tpu.memref_slice %arg19[%dma_start3A_313, %dma_start3A_314, %dma_start3A_315] : memref<4x128x16xf32, #tpu.memory_space<vmem>> -> memref<1x128x16xf32, #tpu.memory_space<vmem>>
      %dma_start3A_317 = tpu.memref_squeeze %dma_start3A_316 : memref<1x128x16xf32, #tpu.memory_space<vmem>> -> memref<128x16xf32, #tpu.memory_space<vmem>>
      %dma_start3A_318 = arith.constant 0 : i32
      %dma_start3A_319 = tpu.memref_slice %arg13[%add3A_312, %dma_start3A_318] : memref<80x128xi32, #tpu.memory_space<vmem>> -> memref<1x128xi32, #tpu.memory_space<vmem>>
      %dma_start3A_320 = tpu.memref_squeeze %dma_start3A_319 : memref<1x128xi32, #tpu.memory_space<vmem>> -> memref<128xi32, #tpu.memory_space<vmem>>
      %dma_start3A_321 = arith.constant 0 : i32
      %dma_start3A_322 = arith.constant 0 : i32
      %dma_start3A_323 = tpu.memref_slice %arg10[%dma_start3A_321, %dma_start3A_322] : memref<10240x16xf32, #tpu.memory_space<vmem_shared>> -> memref<10240x16xf32, #tpu.memory_space<vmem_shared>>
      tpu.enqueue_indirect_dma source(%dma_start3A_317 : memref<128x16xf32, #tpu.memory_space<vmem>>) target(%dma_start3A_323 : memref<10240x16xf32, #tpu.memory_space<vmem_shared>>) offsets(%dma_start3A_320 : memref<128xi32, #tpu.memory_space<vmem>>) semaphore(%arg27 : memref<!tpu.dma_semaphore, #tpu.memory_space<semaphore_mem>>) {add = true}
      %dma_wait3A_324 = arith.constant 0 : i32
      %dma_wait3A_325 = arith.constant 3 : i32
      %dma_wait3A_326 = arith.constant 0 : i32
      %dma_wait3A_327 = arith.constant 0 : i32
      %dma_wait3A_328 = tpu.memref_slice %arg19[%dma_wait3A_325, %dma_wait3A_326, %dma_wait3A_327] : memref<4x128x16xf32, #tpu.memory_space<vmem>> -> memref<1x128x16xf32, #tpu.memory_space<vmem>>
      %dma_wait3A_329 = tpu.memref_squeeze %dma_wait3A_328 : memref<1x128x16xf32, #tpu.memory_space<vmem>> -> memref<128x16xf32, #tpu.memory_space<vmem>>
      %dma_wait3A_330 = arith.constant 0 : i32
      %dma_wait3A_331 = tpu.memref_slice %arg12[%dma_wait3A_324, %dma_wait3A_330] : memref<80x128xi32, #tpu.memory_space<vmem>> -> memref<1x128xi32, #tpu.memory_space<vmem>>
      %dma_wait3A_332 = tpu.memref_squeeze %dma_wait3A_331 : memref<1x128xi32, #tpu.memory_space<vmem>> -> memref<128xi32, #tpu.memory_space<vmem>>
      %dma_wait3A_333 = arith.constant 0 : i32
      %dma_wait3A_334 = arith.constant 0 : i32
      %dma_wait3A_335 = tpu.memref_slice %arg9[%dma_wait3A_333, %dma_wait3A_334] : memref<10240x16xf32, #tpu.memory_space<vmem_shared>> -> memref<10240x16xf32, #tpu.memory_space<vmem_shared>>
      tpu.wait_indirect_dma semaphore(%arg24 : memref<!tpu.dma_semaphore, #tpu.memory_space<semaphore_mem>>) src(%dma_wait3A_335 : memref<10240x16xf32, #tpu.memory_space<vmem_shared>>) dst(%dma_wait3A_329 : memref<128x16xf32, #tpu.memory_space<vmem>>)
      %add3A_336 = arith.constant 3 : i32
      %add3A_337 = arith.addi %add3A_248, %add3A_336 : i32
      %dma_start3A_338 = arith.constant 3 : i32
      %dma_start3A_339 = arith.constant 0 : i32
      %dma_start3A_340 = arith.constant 0 : i32
      %dma_start3A_341 = tpu.memref_slice %arg19[%dma_start3A_338, %dma_start3A_339, %dma_start3A_340] : memref<4x128x16xf32, #tpu.memory_space<vmem>> -> memref<1x128x16xf32, #tpu.memory_space<vmem>>
      %dma_start3A_342 = tpu.memref_squeeze %dma_start3A_341 : memref<1x128x16xf32, #tpu.memory_space<vmem>> -> memref<128x16xf32, #tpu.memory_space<vmem>>
      %dma_start3A_343 = arith.constant 0 : i32
      %dma_start3A_344 = tpu.memref_slice %arg13[%add3A_337, %dma_start3A_343] : memref<80x128xi32, #tpu.memory_space<vmem>> -> memref<1x128xi32, #tpu.memory_space<vmem>>
      %dma_start3A_345 = tpu.memref_squeeze %dma_start3A_344 : memref<1x128xi32, #tpu.memory_space<vmem>> -> memref<128xi32, #tpu.memory_space<vmem>>
      %dma_start3A_346 = arith.constant 0 : i32
      %dma_start3A_347 = arith.constant 0 : i32
      %dma_start3A_348 = tpu.memref_slice %arg10[%dma_start3A_346, %dma_start3A_347] : memref<10240x16xf32, #tpu.memory_space<vmem_shared>> -> memref<10240x16xf32, #tpu.memory_space<vmem_shared>>
      tpu.enqueue_indirect_dma source(%dma_start3A_342 : memref<128x16xf32, #tpu.memory_space<vmem>>) target(%dma_start3A_348 : memref<10240x16xf32, #tpu.memory_space<vmem_shared>>) offsets(%dma_start3A_345 : memref<128xi32, #tpu.memory_space<vmem>>) semaphore(%arg28 : memref<!tpu.dma_semaphore, #tpu.memory_space<semaphore_mem>>) {add = true}
      %dma_wait3A_349 = arith.constant 0 : i32
      %dma_wait3A_350 = arith.constant 0 : i32
      %dma_wait3A_351 = arith.constant 0 : i32
      %dma_wait3A_352 = arith.constant 0 : i32
      %dma_wait3A_353 = tpu.memref_slice %arg19[%dma_wait3A_349, %dma_wait3A_351, %dma_wait3A_352] : memref<4x128x16xf32, #tpu.memory_space<vmem>> -> memref<1x128x16xf32, #tpu.memory_space<vmem>>
      %dma_wait3A_354 = tpu.memref_squeeze %dma_wait3A_353 : memref<1x128x16xf32, #tpu.memory_space<vmem>> -> memref<128x16xf32, #tpu.memory_space<vmem>>
      %dma_wait3A_355 = arith.constant 0 : i32
      %dma_wait3A_356 = tpu.memref_slice %arg13[%dma_wait3A_350, %dma_wait3A_355] : memref<80x128xi32, #tpu.memory_space<vmem>> -> memref<1x128xi32, #tpu.memory_space<vmem>>
      %dma_wait3A_357 = tpu.memref_squeeze %dma_wait3A_356 : memref<1x128xi32, #tpu.memory_space<vmem>> -> memref<128xi32, #tpu.memory_space<vmem>>
      %dma_wait3A_358 = arith.constant 0 : i32
      %dma_wait3A_359 = arith.constant 0 : i32
      %dma_wait3A_360 = tpu.memref_slice %arg10[%dma_wait3A_358, %dma_wait3A_359] : memref<10240x16xf32, #tpu.memory_space<vmem_shared>> -> memref<10240x16xf32, #tpu.memory_space<vmem_shared>>
      tpu.wait_indirect_dma semaphore(%arg25 : memref<!tpu.dma_semaphore, #tpu.memory_space<semaphore_mem>>) src(%dma_wait3A_354 : memref<128x16xf32, #tpu.memory_space<vmem>>) dst(%dma_wait3A_360 : memref<10240x16xf32, #tpu.memory_space<vmem_shared>>)
      %add3A_361 = arith.constant 4 : i32
      %add3A_362 = arith.addi %add3A_248, %add3A_361 : i32
      %add3A_363 = arith.constant 0 : i32
      %add3A_364 = arith.addi %add3A_362, %add3A_363 : i32
      %dma_start3A_365 = arith.constant 0 : i32
      %dma_start3A_366 = arith.constant 0 : i32
      %dma_start3A_367 = arith.constant 0 : i32
      %dma_start3A_368 = tpu.memref_slice %arg19[%dma_start3A_365, %dma_start3A_366, %dma_start3A_367] : memref<4x128x16xf32, #tpu.memory_space<vmem>> -> memref<1x128x16xf32, #tpu.memory_space<vmem>>
      %dma_start3A_369 = tpu.memref_squeeze %dma_start3A_368 : memref<1x128x16xf32, #tpu.memory_space<vmem>> -> memref<128x16xf32, #tpu.memory_space<vmem>>
      %dma_start3A_370 = arith.constant 0 : i32
      %dma_start3A_371 = tpu.memref_slice %arg12[%add3A_364, %dma_start3A_370] : memref<80x128xi32, #tpu.memory_space<vmem>> -> memref<1x128xi32, #tpu.memory_space<vmem>>
      %dma_start3A_372 = tpu.memref_squeeze %dma_start3A_371 : memref<1x128xi32, #tpu.memory_space<vmem>> -> memref<128xi32, #tpu.memory_space<vmem>>
      %dma_start3A_373 = arith.constant 0 : i32
      %dma_start3A_374 = arith.constant 0 : i32
      %dma_start3A_375 = tpu.memref_slice %arg9[%dma_start3A_373, %dma_start3A_374] : memref<10240x16xf32, #tpu.memory_space<vmem_shared>> -> memref<10240x16xf32, #tpu.memory_space<vmem_shared>>
      tpu.enqueue_indirect_dma source(%dma_start3A_375 : memref<10240x16xf32, #tpu.memory_space<vmem_shared>>) target(%dma_start3A_369 : memref<128x16xf32, #tpu.memory_space<vmem>>) offsets(%dma_start3A_372 : memref<128xi32, #tpu.memory_space<vmem>>) semaphore(%arg21 : memref<!tpu.dma_semaphore, #tpu.memory_space<semaphore_mem>>)
      %dma_wait3A_376 = arith.constant 1 : i32
      %dma_wait3A_377 = arith.constant 0 : i32
      %dma_wait3A_378 = arith.constant 0 : i32
      %dma_wait3A_379 = arith.constant 0 : i32
      %dma_wait3A_380 = tpu.memref_slice %arg19[%dma_wait3A_376, %dma_wait3A_378, %dma_wait3A_379] : memref<4x128x16xf32, #tpu.memory_space<vmem>> -> memref<1x128x16xf32, #tpu.memory_space<vmem>>
      %dma_wait3A_381 = tpu.memref_squeeze %dma_wait3A_380 : memref<1x128x16xf32, #tpu.memory_space<vmem>> -> memref<128x16xf32, #tpu.memory_space<vmem>>
      %dma_wait3A_382 = arith.constant 0 : i32
      %dma_wait3A_383 = tpu.memref_slice %arg13[%dma_wait3A_377, %dma_wait3A_382] : memref<80x128xi32, #tpu.memory_space<vmem>> -> memref<1x128xi32, #tpu.memory_space<vmem>>
      %dma_wait3A_384 = tpu.memref_squeeze %dma_wait3A_383 : memref<1x128xi32, #tpu.memory_space<vmem>> -> memref<128xi32, #tpu.memory_space<vmem>>
      %dma_wait3A_385 = arith.constant 0 : i32
      %dma_wait3A_386 = arith.constant 0 : i32
      %dma_wait3A_387 = tpu.memref_slice %arg10[%dma_wait3A_385, %dma_wait3A_386] : memref<10240x16xf32, #tpu.memory_space<vmem_shared>> -> memref<10240x16xf32, #tpu.memory_space<vmem_shared>>
      tpu.wait_indirect_dma semaphore(%arg26 : memref<!tpu.dma_semaphore, #tpu.memory_space<semaphore_mem>>) src(%dma_wait3A_381 : memref<128x16xf32, #tpu.memory_space<vmem>>) dst(%dma_wait3A_387 : memref<10240x16xf32, #tpu.memory_space<vmem_shared>>)
      %add3A_388 = arith.constant 4 : i32
      %add3A_389 = arith.addi %add3A_248, %add3A_388 : i32
      %add3A_390 = arith.constant 1 : i32
      %add3A_391 = arith.addi %add3A_389, %add3A_390 : i32
      %dma_start3A_392 = arith.constant 1 : i32
      %dma_start3A_393 = arith.constant 0 : i32
      %dma_start3A_394 = arith.constant 0 : i32
      %dma_start3A_395 = tpu.memref_slice %arg19[%dma_start3A_392, %dma_start3A_393, %dma_start3A_394] : memref<4x128x16xf32, #tpu.memory_space<vmem>> -> memref<1x128x16xf32, #tpu.memory_space<vmem>>
      %dma_start3A_396 = tpu.memref_squeeze %dma_start3A_395 : memref<1x128x16xf32, #tpu.memory_space<vmem>> -> memref<128x16xf32, #tpu.memory_space<vmem>>
      %dma_start3A_397 = arith.constant 0 : i32
      %dma_start3A_398 = tpu.memref_slice %arg12[%add3A_391, %dma_start3A_397] : memref<80x128xi32, #tpu.memory_space<vmem>> -> memref<1x128xi32, #tpu.memory_space<vmem>>
      %dma_start3A_399 = tpu.memref_squeeze %dma_start3A_398 : memref<1x128xi32, #tpu.memory_space<vmem>> -> memref<128xi32, #tpu.memory_space<vmem>>
      %dma_start3A_400 = arith.constant 0 : i32
      %dma_start3A_401 = arith.constant 0 : i32
      %dma_start3A_402 = tpu.memref_slice %arg9[%dma_start3A_400, %dma_start3A_401] : memref<10240x16xf32, #tpu.memory_space<vmem_shared>> -> memref<10240x16xf32, #tpu.memory_space<vmem_shared>>
      tpu.enqueue_indirect_dma source(%dma_start3A_402 : memref<10240x16xf32, #tpu.memory_space<vmem_shared>>) target(%dma_start3A_396 : memref<128x16xf32, #tpu.memory_space<vmem>>) offsets(%dma_start3A_399 : memref<128xi32, #tpu.memory_space<vmem>>) semaphore(%arg22 : memref<!tpu.dma_semaphore, #tpu.memory_space<semaphore_mem>>)
      %dma_wait3A_403 = arith.constant 2 : i32
      %dma_wait3A_404 = arith.constant 0 : i32
      %dma_wait3A_405 = arith.constant 0 : i32
      %dma_wait3A_406 = arith.constant 0 : i32
      %dma_wait3A_407 = tpu.memref_slice %arg19[%dma_wait3A_403, %dma_wait3A_405, %dma_wait3A_406] : memref<4x128x16xf32, #tpu.memory_space<vmem>> -> memref<1x128x16xf32, #tpu.memory_space<vmem>>
      %dma_wait3A_408 = tpu.memref_squeeze %dma_wait3A_407 : memref<1x128x16xf32, #tpu.memory_space<vmem>> -> memref<128x16xf32, #tpu.memory_space<vmem>>
      %dma_wait3A_409 = arith.constant 0 : i32
      %dma_wait3A_410 = tpu.memref_slice %arg13[%dma_wait3A_404, %dma_wait3A_409] : memref<80x128xi32, #tpu.memory_space<vmem>> -> memref<1x128xi32, #tpu.memory_space<vmem>>
      %dma_wait3A_411 = tpu.memref_squeeze %dma_wait3A_410 : memref<1x128xi32, #tpu.memory_space<vmem>> -> memref<128xi32, #tpu.memory_space<vmem>>
      %dma_wait3A_412 = arith.constant 0 : i32
      %dma_wait3A_413 = arith.constant 0 : i32
      %dma_wait3A_414 = tpu.memref_slice %arg10[%dma_wait3A_412, %dma_wait3A_413] : memref<10240x16xf32, #tpu.memory_space<vmem_shared>> -> memref<10240x16xf32, #tpu.memory_space<vmem_shared>>
      tpu.wait_indirect_dma semaphore(%arg27 : memref<!tpu.dma_semaphore, #tpu.memory_space<semaphore_mem>>) src(%dma_wait3A_408 : memref<128x16xf32, #tpu.memory_space<vmem>>) dst(%dma_wait3A_414 : memref<10240x16xf32, #tpu.memory_space<vmem_shared>>)
      %add3A_415 = arith.constant 4 : i32
      %add3A_416 = arith.addi %add3A_248, %add3A_415 : i32
      %add3A_417 = arith.constant 2 : i32
      %add3A_418 = arith.addi %add3A_416, %add3A_417 : i32
      %dma_start3A_419 = arith.constant 2 : i32
      %dma_start3A_420 = arith.constant 0 : i32
      %dma_start3A_421 = arith.constant 0 : i32
      %dma_start3A_422 = tpu.memref_slice %arg19[%dma_start3A_419, %dma_start3A_420, %dma_start3A_421] : memref<4x128x16xf32, #tpu.memory_space<vmem>> -> memref<1x128x16xf32, #tpu.memory_space<vmem>>
      %dma_start3A_423 = tpu.memref_squeeze %dma_start3A_422 : memref<1x128x16xf32, #tpu.memory_space<vmem>> -> memref<128x16xf32, #tpu.memory_space<vmem>>
      %dma_start3A_424 = arith.constant 0 : i32
      %dma_start3A_425 = tpu.memref_slice %arg12[%add3A_418, %dma_start3A_424] : memref<80x128xi32, #tpu.memory_space<vmem>> -> memref<1x128xi32, #tpu.memory_space<vmem>>
      %dma_start3A_426 = tpu.memref_squeeze %dma_start3A_425 : memref<1x128xi32, #tpu.memory_space<vmem>> -> memref<128xi32, #tpu.memory_space<vmem>>
      %dma_start3A_427 = arith.constant 0 : i32
      %dma_start3A_428 = arith.constant 0 : i32
      %dma_start3A_429 = tpu.memref_slice %arg9[%dma_start3A_427, %dma_start3A_428] : memref<10240x16xf32, #tpu.memory_space<vmem_shared>> -> memref<10240x16xf32, #tpu.memory_space<vmem_shared>>
      tpu.enqueue_indirect_dma source(%dma_start3A_429 : memref<10240x16xf32, #tpu.memory_space<vmem_shared>>) target(%dma_start3A_423 : memref<128x16xf32, #tpu.memory_space<vmem>>) offsets(%dma_start3A_426 : memref<128xi32, #tpu.memory_space<vmem>>) semaphore(%arg23 : memref<!tpu.dma_semaphore, #tpu.memory_space<semaphore_mem>>)
      %dma_wait3A_430 = arith.constant 3 : i32
      %dma_wait3A_431 = arith.constant 0 : i32
      %dma_wait3A_432 = arith.constant 0 : i32
      %dma_wait3A_433 = arith.constant 0 : i32
      %dma_wait3A_434 = tpu.memref_slice %arg19[%dma_wait3A_430, %dma_wait3A_432, %dma_wait3A_433] : memref<4x128x16xf32, #tpu.memory_space<vmem>> -> memref<1x128x16xf32, #tpu.memory_space<vmem>>
      %dma_wait3A_435 = tpu.memref_squeeze %dma_wait3A_434 : memref<1x128x16xf32, #tpu.memory_space<vmem>> -> memref<128x16xf32, #tpu.memory_space<vmem>>
      %dma_wait3A_436 = arith.constant 0 : i32
      %dma_wait3A_437 = tpu.memref_slice %arg13[%dma_wait3A_431, %dma_wait3A_436] : memref<80x128xi32, #tpu.memory_space<vmem>> -> memref<1x128xi32, #tpu.memory_space<vmem>>
      %dma_wait3A_438 = tpu.memref_squeeze %dma_wait3A_437 : memref<1x128xi32, #tpu.memory_space<vmem>> -> memref<128xi32, #tpu.memory_space<vmem>>
      %dma_wait3A_439 = arith.constant 0 : i32
      %dma_wait3A_440 = arith.constant 0 : i32
      %dma_wait3A_441 = tpu.memref_slice %arg10[%dma_wait3A_439, %dma_wait3A_440] : memref<10240x16xf32, #tpu.memory_space<vmem_shared>> -> memref<10240x16xf32, #tpu.memory_space<vmem_shared>>
      tpu.wait_indirect_dma semaphore(%arg28 : memref<!tpu.dma_semaphore, #tpu.memory_space<semaphore_mem>>) src(%dma_wait3A_435 : memref<128x16xf32, #tpu.memory_space<vmem>>) dst(%dma_wait3A_441 : memref<10240x16xf32, #tpu.memory_space<vmem_shared>>)
      %add3A_442 = arith.constant 4 : i32
      %add3A_443 = arith.addi %add3A_248, %add3A_442 : i32
      %add3A_444 = arith.constant 3 : i32
      %add3A_445 = arith.addi %add3A_443, %add3A_444 : i32
      %dma_start3A_446 = arith.constant 3 : i32
      %dma_start3A_447 = arith.constant 0 : i32
      %dma_start3A_448 = arith.constant 0 : i32
      %dma_start3A_449 = tpu.memref_slice %arg19[%dma_start3A_446, %dma_start3A_447, %dma_start3A_448] : memref<4x128x16xf32, #tpu.memory_space<vmem>> -> memref<1x128x16xf32, #tpu.memory_space<vmem>>
      %dma_start3A_450 = tpu.memref_squeeze %dma_start3A_449 : memref<1x128x16xf32, #tpu.memory_space<vmem>> -> memref<128x16xf32, #tpu.memory_space<vmem>>
      %dma_start3A_451 = arith.constant 0 : i32
      %dma_start3A_452 = tpu.memref_slice %arg12[%add3A_445, %dma_start3A_451] : memref<80x128xi32, #tpu.memory_space<vmem>> -> memref<1x128xi32, #tpu.memory_space<vmem>>
      %dma_start3A_453 = tpu.memref_squeeze %dma_start3A_452 : memref<1x128xi32, #tpu.memory_space<vmem>> -> memref<128xi32, #tpu.memory_space<vmem>>
      %dma_start3A_454 = arith.constant 0 : i32
      %dma_start3A_455 = arith.constant 0 : i32
      %dma_start3A_456 = tpu.memref_slice %arg9[%dma_start3A_454, %dma_start3A_455] : memref<10240x16xf32, #tpu.memory_space<vmem_shared>> -> memref<10240x16xf32, #tpu.memory_space<vmem_shared>>
      tpu.enqueue_indirect_dma source(%dma_start3A_456 : memref<10240x16xf32, #tpu.memory_space<vmem_shared>>) target(%dma_start3A_450 : memref<128x16xf32, #tpu.memory_space<vmem>>) offsets(%dma_start3A_453 : memref<128xi32, #tpu.memory_space<vmem>>) semaphore(%arg24 : memref<!tpu.dma_semaphore, #tpu.memory_space<semaphore_mem>>)
    }
    %scan3A_99 = arith.constant 19 : i32
    %dma_wait3A = arith.constant 0 : i32
    %dma_wait3A_100 = arith.constant 0 : i32
    %dma_wait3A_101 = arith.constant 0 : i32
    %dma_wait3A_102 = arith.constant 0 : i32
    %dma_wait3A_103 = tpu.memref_slice %arg19[%dma_wait3A_100, %dma_wait3A_101, %dma_wait3A_102] : memref<4x128x16xf32, #tpu.memory_space<vmem>> -> memref<1x128x16xf32, #tpu.memory_space<vmem>>
    %dma_wait3A_104 = tpu.memref_squeeze %dma_wait3A_103 : memref<1x128x16xf32, #tpu.memory_space<vmem>> -> memref<128x16xf32, #tpu.memory_space<vmem>>
    %dma_wait3A_105 = arith.constant 0 : i32
    %dma_wait3A_106 = tpu.memref_slice %arg12[%dma_wait3A, %dma_wait3A_105] : memref<80x128xi32, #tpu.memory_space<vmem>> -> memref<1x128xi32, #tpu.memory_space<vmem>>
    %dma_wait3A_107 = tpu.memref_squeeze %dma_wait3A_106 : memref<1x128xi32, #tpu.memory_space<vmem>> -> memref<128xi32, #tpu.memory_space<vmem>>
    %dma_wait3A_108 = arith.constant 0 : i32
    %dma_wait3A_109 = arith.constant 0 : i32
    %dma_wait3A_110 = tpu.memref_slice %arg9[%dma_wait3A_108, %dma_wait3A_109] : memref<10240x16xf32, #tpu.memory_space<vmem_shared>> -> memref<10240x16xf32, #tpu.memory_space<vmem_shared>>
    tpu.wait_indirect_dma semaphore(%arg21 : memref<!tpu.dma_semaphore, #tpu.memory_space<semaphore_mem>>) src(%dma_wait3A_110 : memref<10240x16xf32, #tpu.memory_space<vmem_shared>>) dst(%dma_wait3A_104 : memref<128x16xf32, #tpu.memory_space<vmem>>)
    %dma_start3A_111 = arith.constant 0 : i32
    %dma_start3A_112 = arith.constant 76 : i32
    %dma_start3A_113 = arith.constant 0 : i32
    %dma_start3A_114 = arith.constant 0 : i32
    %dma_start3A_115 = tpu.memref_slice %arg19[%dma_start3A_111, %dma_start3A_113, %dma_start3A_114] : memref<4x128x16xf32, #tpu.memory_space<vmem>> -> memref<1x128x16xf32, #tpu.memory_space<vmem>>
    %dma_start3A_116 = tpu.memref_squeeze %dma_start3A_115 : memref<1x128x16xf32, #tpu.memory_space<vmem>> -> memref<128x16xf32, #tpu.memory_space<vmem>>
    %dma_start3A_117 = arith.constant 0 : i32
    %dma_start3A_118 = tpu.memref_slice %arg13[%dma_start3A_112, %dma_start3A_117] : memref<80x128xi32, #tpu.memory_space<vmem>> -> memref<1x128xi32, #tpu.memory_space<vmem>>
    %dma_start3A_119 = tpu.memref_squeeze %dma_start3A_118 : memref<1x128xi32, #tpu.memory_space<vmem>> -> memref<128xi32, #tpu.memory_space<vmem>>
    %dma_start3A_120 = arith.constant 0 : i32
    %dma_start3A_121 = arith.constant 0 : i32
    %dma_start3A_122 = tpu.memref_slice %arg10[%dma_start3A_120, %dma_start3A_121] : memref<10240x16xf32, #tpu.memory_space<vmem_shared>> -> memref<10240x16xf32, #tpu.memory_space<vmem_shared>>
    tpu.enqueue_indirect_dma source(%dma_start3A_116 : memref<128x16xf32, #tpu.memory_space<vmem>>) target(%dma_start3A_122 : memref<10240x16xf32, #tpu.memory_space<vmem_shared>>) offsets(%dma_start3A_119 : memref<128xi32, #tpu.memory_space<vmem>>) semaphore(%arg25 : memref<!tpu.dma_semaphore, #tpu.memory_space<semaphore_mem>>) {add = true}
    %dma_wait3A_123 = arith.constant 0 : i32
    %dma_wait3A_124 = arith.constant 1 : i32
    %dma_wait3A_125 = arith.constant 0 : i32
    %dma_wait3A_126 = arith.constant 0 : i32
    %dma_wait3A_127 = tpu.memref_slice %arg19[%dma_wait3A_124, %dma_wait3A_125, %dma_wait3A_126] : memref<4x128x16xf32, #tpu.memory_space<vmem>> -> memref<1x128x16xf32, #tpu.memory_space<vmem>>
    %dma_wait3A_128 = tpu.memref_squeeze %dma_wait3A_127 : memref<1x128x16xf32, #tpu.memory_space<vmem>> -> memref<128x16xf32, #tpu.memory_space<vmem>>
    %dma_wait3A_129 = arith.constant 0 : i32
    %dma_wait3A_130 = tpu.memref_slice %arg12[%dma_wait3A_123, %dma_wait3A_129] : memref<80x128xi32, #tpu.memory_space<vmem>> -> memref<1x128xi32, #tpu.memory_space<vmem>>
    %dma_wait3A_131 = tpu.memref_squeeze %dma_wait3A_130 : memref<1x128xi32, #tpu.memory_space<vmem>> -> memref<128xi32, #tpu.memory_space<vmem>>
    %dma_wait3A_132 = arith.constant 0 : i32
    %dma_wait3A_133 = arith.constant 0 : i32
    %dma_wait3A_134 = tpu.memref_slice %arg9[%dma_wait3A_132, %dma_wait3A_133] : memref<10240x16xf32, #tpu.memory_space<vmem_shared>> -> memref<10240x16xf32, #tpu.memory_space<vmem_shared>>
    tpu.wait_indirect_dma semaphore(%arg22 : memref<!tpu.dma_semaphore, #tpu.memory_space<semaphore_mem>>) src(%dma_wait3A_134 : memref<10240x16xf32, #tpu.memory_space<vmem_shared>>) dst(%dma_wait3A_128 : memref<128x16xf32, #tpu.memory_space<vmem>>)
    %dma_start3A_135 = arith.constant 1 : i32
    %dma_start3A_136 = arith.constant 77 : i32
    %dma_start3A_137 = arith.constant 0 : i32
    %dma_start3A_138 = arith.constant 0 : i32
    %dma_start3A_139 = tpu.memref_slice %arg19[%dma_start3A_135, %dma_start3A_137, %dma_start3A_138] : memref<4x128x16xf32, #tpu.memory_space<vmem>> -> memref<1x128x16xf32, #tpu.memory_space<vmem>>
    %dma_start3A_140 = tpu.memref_squeeze %dma_start3A_139 : memref<1x128x16xf32, #tpu.memory_space<vmem>> -> memref<128x16xf32, #tpu.memory_space<vmem>>
    %dma_start3A_141 = arith.constant 0 : i32
    %dma_start3A_142 = tpu.memref_slice %arg13[%dma_start3A_136, %dma_start3A_141] : memref<80x128xi32, #tpu.memory_space<vmem>> -> memref<1x128xi32, #tpu.memory_space<vmem>>
    %dma_start3A_143 = tpu.memref_squeeze %dma_start3A_142 : memref<1x128xi32, #tpu.memory_space<vmem>> -> memref<128xi32, #tpu.memory_space<vmem>>
    %dma_start3A_144 = arith.constant 0 : i32
    %dma_start3A_145 = arith.constant 0 : i32
    %dma_start3A_146 = tpu.memref_slice %arg10[%dma_start3A_144, %dma_start3A_145] : memref<10240x16xf32, #tpu.memory_space<vmem_shared>> -> memref<10240x16xf32, #tpu.memory_space<vmem_shared>>
    tpu.enqueue_indirect_dma source(%dma_start3A_140 : memref<128x16xf32, #tpu.memory_space<vmem>>) target(%dma_start3A_146 : memref<10240x16xf32, #tpu.memory_space<vmem_shared>>) offsets(%dma_start3A_143 : memref<128xi32, #tpu.memory_space<vmem>>) semaphore(%arg26 : memref<!tpu.dma_semaphore, #tpu.memory_space<semaphore_mem>>) {add = true}
    %dma_wait3A_147 = arith.constant 0 : i32
    %dma_wait3A_148 = arith.constant 2 : i32
    %dma_wait3A_149 = arith.constant 0 : i32
    %dma_wait3A_150 = arith.constant 0 : i32
    %dma_wait3A_151 = tpu.memref_slice %arg19[%dma_wait3A_148, %dma_wait3A_149, %dma_wait3A_150] : memref<4x128x16xf32, #tpu.memory_space<vmem>> -> memref<1x128x16xf32, #tpu.memory_space<vmem>>
    %dma_wait3A_152 = tpu.memref_squeeze %dma_wait3A_151 : memref<1x128x16xf32, #tpu.memory_space<vmem>> -> memref<128x16xf32, #tpu.memory_space<vmem>>
    %dma_wait3A_153 = arith.constant 0 : i32
    %dma_wait3A_154 = tpu.memref_slice %arg12[%dma_wait3A_147, %dma_wait3A_153] : memref<80x128xi32, #tpu.memory_space<vmem>> -> memref<1x128xi32, #tpu.memory_space<vmem>>
    %dma_wait3A_155 = tpu.memref_squeeze %dma_wait3A_154 : memref<1x128xi32, #tpu.memory_space<vmem>> -> memref<128xi32, #tpu.memory_space<vmem>>
    %dma_wait3A_156 = arith.constant 0 : i32
    %dma_wait3A_157 = arith.constant 0 : i32
    %dma_wait3A_158 = tpu.memref_slice %arg9[%dma_wait3A_156, %dma_wait3A_157] : memref<10240x16xf32, #tpu.memory_space<vmem_shared>> -> memref<10240x16xf32, #tpu.memory_space<vmem_shared>>
    tpu.wait_indirect_dma semaphore(%arg23 : memref<!tpu.dma_semaphore, #tpu.memory_space<semaphore_mem>>) src(%dma_wait3A_158 : memref<10240x16xf32, #tpu.memory_space<vmem_shared>>) dst(%dma_wait3A_152 : memref<128x16xf32, #tpu.memory_space<vmem>>)
    %dma_start3A_159 = arith.constant 2 : i32
    %dma_start3A_160 = arith.constant 78 : i32
    %dma_start3A_161 = arith.constant 0 : i32
    %dma_start3A_162 = arith.constant 0 : i32
    %dma_start3A_163 = tpu.memref_slice %arg19[%dma_start3A_159, %dma_start3A_161, %dma_start3A_162] : memref<4x128x16xf32, #tpu.memory_space<vmem>> -> memref<1x128x16xf32, #tpu.memory_space<vmem>>
    %dma_start3A_164 = tpu.memref_squeeze %dma_start3A_163 : memref<1x128x16xf32, #tpu.memory_space<vmem>> -> memref<128x16xf32, #tpu.memory_space<vmem>>
    %dma_start3A_165 = arith.constant 0 : i32
    %dma_start3A_166 = tpu.memref_slice %arg13[%dma_start3A_160, %dma_start3A_165] : memref<80x128xi32, #tpu.memory_space<vmem>> -> memref<1x128xi32, #tpu.memory_space<vmem>>
    %dma_start3A_167 = tpu.memref_squeeze %dma_start3A_166 : memref<1x128xi32, #tpu.memory_space<vmem>> -> memref<128xi32, #tpu.memory_space<vmem>>
    %dma_start3A_168 = arith.constant 0 : i32
    %dma_start3A_169 = arith.constant 0 : i32
    %dma_start3A_170 = tpu.memref_slice %arg10[%dma_start3A_168, %dma_start3A_169] : memref<10240x16xf32, #tpu.memory_space<vmem_shared>> -> memref<10240x16xf32, #tpu.memory_space<vmem_shared>>
    tpu.enqueue_indirect_dma source(%dma_start3A_164 : memref<128x16xf32, #tpu.memory_space<vmem>>) target(%dma_start3A_170 : memref<10240x16xf32, #tpu.memory_space<vmem_shared>>) offsets(%dma_start3A_167 : memref<128xi32, #tpu.memory_space<vmem>>) semaphore(%arg27 : memref<!tpu.dma_semaphore, #tpu.memory_space<semaphore_mem>>) {add = true}
    %dma_wait3A_171 = arith.constant 0 : i32
    %dma_wait3A_172 = arith.constant 3 : i32
    %dma_wait3A_173 = arith.constant 0 : i32
    %dma_wait3A_174 = arith.constant 0 : i32
    %dma_wait3A_175 = tpu.memref_slice %arg19[%dma_wait3A_172, %dma_wait3A_173, %dma_wait3A_174] : memref<4x128x16xf32, #tpu.memory_space<vmem>> -> memref<1x128x16xf32, #tpu.memory_space<vmem>>
    %dma_wait3A_176 = tpu.memref_squeeze %dma_wait3A_175 : memref<1x128x16xf32, #tpu.memory_space<vmem>> -> memref<128x16xf32, #tpu.memory_space<vmem>>
    %dma_wait3A_177 = arith.constant 0 : i32
    %dma_wait3A_178 = tpu.memref_slice %arg12[%dma_wait3A_171, %dma_wait3A_177] : memref<80x128xi32, #tpu.memory_space<vmem>> -> memref<1x128xi32, #tpu.memory_space<vmem>>
    %dma_wait3A_179 = tpu.memref_squeeze %dma_wait3A_178 : memref<1x128xi32, #tpu.memory_space<vmem>> -> memref<128xi32, #tpu.memory_space<vmem>>
    %dma_wait3A_180 = arith.constant 0 : i32
    %dma_wait3A_181 = arith.constant 0 : i32
    %dma_wait3A_182 = tpu.memref_slice %arg9[%dma_wait3A_180, %dma_wait3A_181] : memref<10240x16xf32, #tpu.memory_space<vmem_shared>> -> memref<10240x16xf32, #tpu.memory_space<vmem_shared>>
    tpu.wait_indirect_dma semaphore(%arg24 : memref<!tpu.dma_semaphore, #tpu.memory_space<semaphore_mem>>) src(%dma_wait3A_182 : memref<10240x16xf32, #tpu.memory_space<vmem_shared>>) dst(%dma_wait3A_176 : memref<128x16xf32, #tpu.memory_space<vmem>>)
    %dma_start3A_183 = arith.constant 3 : i32
    %dma_start3A_184 = arith.constant 79 : i32
    %dma_start3A_185 = arith.constant 0 : i32
    %dma_start3A_186 = arith.constant 0 : i32
    %dma_start3A_187 = tpu.memref_slice %arg19[%dma_start3A_183, %dma_start3A_185, %dma_start3A_186] : memref<4x128x16xf32, #tpu.memory_space<vmem>> -> memref<1x128x16xf32, #tpu.memory_space<vmem>>
    %dma_start3A_188 = tpu.memref_squeeze %dma_start3A_187 : memref<1x128x16xf32, #tpu.memory_space<vmem>> -> memref<128x16xf32, #tpu.memory_space<vmem>>
    %dma_start3A_189 = arith.constant 0 : i32
    %dma_start3A_190 = tpu.memref_slice %arg13[%dma_start3A_184, %dma_start3A_189] : memref<80x128xi32, #tpu.memory_space<vmem>> -> memref<1x128xi32, #tpu.memory_space<vmem>>
    %dma_start3A_191 = tpu.memref_squeeze %dma_start3A_190 : memref<1x128xi32, #tpu.memory_space<vmem>> -> memref<128xi32, #tpu.memory_space<vmem>>
    %dma_start3A_192 = arith.constant 0 : i32
    %dma_start3A_193 = arith.constant 0 : i32
    %dma_start3A_194 = tpu.memref_slice %arg10[%dma_start3A_192, %dma_start3A_193] : memref<10240x16xf32, #tpu.memory_space<vmem_shared>> -> memref<10240x16xf32, #tpu.memory_space<vmem_shared>>
    tpu.enqueue_indirect_dma source(%dma_start3A_188 : memref<128x16xf32, #tpu.memory_space<vmem>>) target(%dma_start3A_194 : memref<10240x16xf32, #tpu.memory_space<vmem_shared>>) offsets(%dma_start3A_191 : memref<128xi32, #tpu.memory_space<vmem>>) semaphore(%arg28 : memref<!tpu.dma_semaphore, #tpu.memory_space<semaphore_mem>>) {add = true}
    %dma_wait3A_195 = arith.constant 0 : i32
    %dma_wait3A_196 = arith.constant 0 : i32
    %dma_wait3A_197 = arith.constant 0 : i32
    %dma_wait3A_198 = arith.constant 0 : i32
    %dma_wait3A_199 = tpu.memref_slice %arg19[%dma_wait3A_195, %dma_wait3A_197, %dma_wait3A_198] : memref<4x128x16xf32, #tpu.memory_space<vmem>> -> memref<1x128x16xf32, #tpu.memory_space<vmem>>
    %dma_wait3A_200 = tpu.memref_squeeze %dma_wait3A_199 : memref<1x128x16xf32, #tpu.memory_space<vmem>> -> memref<128x16xf32, #tpu.memory_space<vmem>>
    %dma_wait3A_201 = arith.constant 0 : i32
    %dma_wait3A_202 = tpu.memref_slice %arg13[%dma_wait3A_196, %dma_wait3A_201] : memref<80x128xi32, #tpu.memory_space<vmem>> -> memref<1x128xi32, #tpu.memory_space<vmem>>
    %dma_wait3A_203 = tpu.memref_squeeze %dma_wait3A_202 : memref<1x128xi32, #tpu.memory_space<vmem>> -> memref<128xi32, #tpu.memory_space<vmem>>
    %dma_wait3A_204 = arith.constant 0 : i32
    %dma_wait3A_205 = arith.constant 0 : i32
    %dma_wait3A_206 = tpu.memref_slice %arg10[%dma_wait3A_204, %dma_wait3A_205] : memref<10240x16xf32, #tpu.memory_space<vmem_shared>> -> memref<10240x16xf32, #tpu.memory_space<vmem_shared>>
    tpu.wait_indirect_dma semaphore(%arg25 : memref<!tpu.dma_semaphore, #tpu.memory_space<semaphore_mem>>) src(%dma_wait3A_200 : memref<128x16xf32, #tpu.memory_space<vmem>>) dst(%dma_wait3A_206 : memref<10240x16xf32, #tpu.memory_space<vmem_shared>>)
    %dma_wait3A_207 = arith.constant 1 : i32
    %dma_wait3A_208 = arith.constant 0 : i32
    %dma_wait3A_209 = arith.constant 0 : i32
    %dma_wait3A_210 = arith.constant 0 : i32
    %dma_wait3A_211 = tpu.memref_slice %arg19[%dma_wait3A_207, %dma_wait3A_209, %dma_wait3A_210] : memref<4x128x16xf32, #tpu.memory_space<vmem>> -> memref<1x128x16xf32, #tpu.memory_space<vmem>>
    %dma_wait3A_212 = tpu.memref_squeeze %dma_wait3A_211 : memref<1x128x16xf32, #tpu.memory_space<vmem>> -> memref<128x16xf32, #tpu.memory_space<vmem>>
    %dma_wait3A_213 = arith.constant 0 : i32
    %dma_wait3A_214 = tpu.memref_slice %arg13[%dma_wait3A_208, %dma_wait3A_213] : memref<80x128xi32, #tpu.memory_space<vmem>> -> memref<1x128xi32, #tpu.memory_space<vmem>>
    %dma_wait3A_215 = tpu.memref_squeeze %dma_wait3A_214 : memref<1x128xi32, #tpu.memory_space<vmem>> -> memref<128xi32, #tpu.memory_space<vmem>>
    %dma_wait3A_216 = arith.constant 0 : i32
    %dma_wait3A_217 = arith.constant 0 : i32
    %dma_wait3A_218 = tpu.memref_slice %arg10[%dma_wait3A_216, %dma_wait3A_217] : memref<10240x16xf32, #tpu.memory_space<vmem_shared>> -> memref<10240x16xf32, #tpu.memory_space<vmem_shared>>
    tpu.wait_indirect_dma semaphore(%arg26 : memref<!tpu.dma_semaphore, #tpu.memory_space<semaphore_mem>>) src(%dma_wait3A_212 : memref<128x16xf32, #tpu.memory_space<vmem>>) dst(%dma_wait3A_218 : memref<10240x16xf32, #tpu.memory_space<vmem_shared>>)
    %dma_wait3A_219 = arith.constant 2 : i32
    %dma_wait3A_220 = arith.constant 0 : i32
    %dma_wait3A_221 = arith.constant 0 : i32
    %dma_wait3A_222 = arith.constant 0 : i32
    %dma_wait3A_223 = tpu.memref_slice %arg19[%dma_wait3A_219, %dma_wait3A_221, %dma_wait3A_222] : memref<4x128x16xf32, #tpu.memory_space<vmem>> -> memref<1x128x16xf32, #tpu.memory_space<vmem>>
    %dma_wait3A_224 = tpu.memref_squeeze %dma_wait3A_223 : memref<1x128x16xf32, #tpu.memory_space<vmem>> -> memref<128x16xf32, #tpu.memory_space<vmem>>
    %dma_wait3A_225 = arith.constant 0 : i32
    %dma_wait3A_226 = tpu.memref_slice %arg13[%dma_wait3A_220, %dma_wait3A_225] : memref<80x128xi32, #tpu.memory_space<vmem>> -> memref<1x128xi32, #tpu.memory_space<vmem>>
    %dma_wait3A_227 = tpu.memref_squeeze %dma_wait3A_226 : memref<1x128xi32, #tpu.memory_space<vmem>> -> memref<128xi32, #tpu.memory_space<vmem>>
    %dma_wait3A_228 = arith.constant 0 : i32
    %dma_wait3A_229 = arith.constant 0 : i32
    %dma_wait3A_230 = tpu.memref_slice %arg10[%dma_wait3A_228, %dma_wait3A_229] : memref<10240x16xf32, #tpu.memory_space<vmem_shared>> -> memref<10240x16xf32, #tpu.memory_space<vmem_shared>>
    tpu.wait_indirect_dma semaphore(%arg27 : memref<!tpu.dma_semaphore, #tpu.memory_space<semaphore_mem>>) src(%dma_wait3A_224 : memref<128x16xf32, #tpu.memory_space<vmem>>) dst(%dma_wait3A_230 : memref<10240x16xf32, #tpu.memory_space<vmem_shared>>)
    %dma_wait3A_231 = arith.constant 3 : i32
    %dma_wait3A_232 = arith.constant 0 : i32
    %dma_wait3A_233 = arith.constant 0 : i32
    %dma_wait3A_234 = arith.constant 0 : i32
    %dma_wait3A_235 = tpu.memref_slice %arg19[%dma_wait3A_231, %dma_wait3A_233, %dma_wait3A_234] : memref<4x128x16xf32, #tpu.memory_space<vmem>> -> memref<1x128x16xf32, #tpu.memory_space<vmem>>
    %dma_wait3A_236 = tpu.memref_squeeze %dma_wait3A_235 : memref<1x128x16xf32, #tpu.memory_space<vmem>> -> memref<128x16xf32, #tpu.memory_space<vmem>>
    %dma_wait3A_237 = arith.constant 0 : i32
    %dma_wait3A_238 = tpu.memref_slice %arg13[%dma_wait3A_232, %dma_wait3A_237] : memref<80x128xi32, #tpu.memory_space<vmem>> -> memref<1x128xi32, #tpu.memory_space<vmem>>
    %dma_wait3A_239 = tpu.memref_squeeze %dma_wait3A_238 : memref<1x128xi32, #tpu.memory_space<vmem>> -> memref<128xi32, #tpu.memory_space<vmem>>
    %dma_wait3A_240 = arith.constant 0 : i32
    %dma_wait3A_241 = arith.constant 0 : i32
    %dma_wait3A_242 = tpu.memref_slice %arg10[%dma_wait3A_240, %dma_wait3A_241] : memref<10240x16xf32, #tpu.memory_space<vmem_shared>> -> memref<10240x16xf32, #tpu.memory_space<vmem_shared>>
    tpu.wait_indirect_dma semaphore(%arg28 : memref<!tpu.dma_semaphore, #tpu.memory_space<semaphore_mem>>) src(%dma_wait3A_236 : memref<128x16xf32, #tpu.memory_space<vmem>>) dst(%dma_wait3A_242 : memref<10240x16xf32, #tpu.memory_space<vmem_shared>>)
    %barrier3A_243 = arith.constant 0 : index
    tpu.barrier barrier_id(%barrier3A_243)
    "tpu.region"() ({
      %run_scoped3A = tpu.sem_alloc : memref<!tpu.dma_semaphore, #tpu.memory_space<semaphore_mem>>
      %dma_start3A_244 = arith.constant 0 : i32
      %dma_start3A_245 = tpu.memref_slice %arg6[%arg0, %mul3A_2, %dma_start3A_244] : memref<2x10240x16xf32, #tpu.memory_space<hbm>> -> memref<1x640x16xf32, #tpu.memory_space<hbm>>
      %dma_start3A_246 = tpu.memref_squeeze %dma_start3A_245 : memref<1x640x16xf32, #tpu.memory_space<hbm>> -> memref<640x16xf32, #tpu.memory_space<hbm>>
      %dma_start3A_247 = arith.constant 0 : i32
      %dma_start3A_248 = tpu.memref_slice %arg10[%mul3A_2, %dma_start3A_247] : memref<10240x16xf32, #tpu.memory_space<vmem_shared>> -> memref<640x16xf32, #tpu.memory_space<vmem_shared>>
      tpu.enqueue_dma source(%dma_start3A_248 : memref<640x16xf32, #tpu.memory_space<vmem_shared>>) target(%dma_start3A_246 : memref<640x16xf32, #tpu.memory_space<hbm>>) target_semaphore(%run_scoped3A : memref<!tpu.dma_semaphore, #tpu.memory_space<semaphore_mem>>)
      %dma_wait3A_249 = arith.constant 0 : i32
      %dma_wait3A_250 = tpu.memref_slice %arg6[%arg0, %mul3A_2, %dma_wait3A_249] : memref<2x10240x16xf32, #tpu.memory_space<hbm>> -> memref<1x640x16xf32, #tpu.memory_space<hbm>>
      %dma_wait3A_251 = tpu.memref_squeeze %dma_wait3A_250 : memref<1x640x16xf32, #tpu.memory_space<hbm>> -> memref<640x16xf32, #tpu.memory_space<hbm>>
      %dma_wait3A_252 = arith.constant 0 : i32
      %dma_wait3A_253 = tpu.memref_slice %arg10[%mul3A_2, %dma_wait3A_252] : memref<10240x16xf32, #tpu.memory_space<vmem_shared>> -> memref<640x16xf32, #tpu.memory_space<vmem_shared>>
      tpu.wait_dma2 semaphore(%run_scoped3A : memref<!tpu.dma_semaphore, #tpu.memory_space<semaphore_mem>>) src(%dma_wait3A_253 : memref<640x16xf32, #tpu.memory_space<vmem_shared>>) dst(%dma_wait3A_251 : memref<640x16xf32, #tpu.memory_space<hbm>>)
      tpu.yield
    }) : () -> ()
    return
  }
}

#map = affine_map<(d0, d1) -> (0, 0)>
#map1 = affine_map<(d0, d1) -> (0, 0, 0)>
module attributes {stable_mosaic.version = 14 : i64} {
  func.func @k(%arg0: i32, %arg1: i32, %arg2: memref<10240x16xf32, #tpu.memory_space<hbm>>, %arg3: memref<32x80x128xi32, #tpu.memory_space<hbm>>, %arg4: memref<32x80x128xi32, #tpu.memory_space<hbm>>, %arg5: memref<10240x16xf32, #tpu.memory_space<hbm>>, %arg6: memref<2x10240x16xf32, #tpu.memory_space<hbm>>, %arg7: memref<10240x16xf32, #tpu.memory_space<vmem_shared>>, %arg8: memref<10240x16xf32, #tpu.memory_space<vmem_shared>>, %arg9: memref<80x128xi32, #tpu.memory_space<vmem>>, %arg10: memref<80x128xi32, #tpu.memory_space<vmem>>, %arg11: memref<640x16xf32, #tpu.memory_space<vmem>>, %arg12: memref<4x128x16xf32, #tpu.memory_space<vmem>>, %arg13: memref<!tpu.dma_semaphore, #tpu.memory_space<semaphore_mem>>, %arg14: memref<!tpu.dma_semaphore, #tpu.memory_space<semaphore_mem>>, %arg15: memref<!tpu.dma_semaphore, #tpu.memory_space<semaphore_mem>>, %arg16: memref<!tpu.dma_semaphore, #tpu.memory_space<semaphore_mem>>, %arg17: memref<!tpu.dma_semaphore, #tpu.memory_space<semaphore_mem>>, %arg18: memref<!tpu.dma_semaphore, #tpu.memory_space<semaphore_mem>>, %arg19: memref<!tpu.dma_semaphore, #tpu.memory_space<semaphore_mem>>, %arg20: memref<!tpu.dma_semaphore, #tpu.memory_space<semaphore_mem>>) attributes {dimension_semantics = [#tpu.dimension_semantics<core_parallel>, #tpu.dimension_semantics<subcore_parallel>], iteration_bounds = array<i64: 2, 16>, scalar_prefetch = 0 : i64, scratch_operands = 14 : i64, tpu.core_type = #tpu.core_type<sc_vector_subcore>, window_params = [{transform_indices = #map}, {transform_indices = #map1}, {transform_indices = #map1}, {transform_indices = #map}, {transform_indices = #map1}]} {
    %mul3A = arith.constant 16 : i32
    %mul3A_0 = arith.muli %arg0, %mul3A : i32
    %add3A = arith.addi %mul3A_0, %arg1 : i32
    %mul3A_1 = arith.constant 640 : i32
    %mul3A_2 = arith.muli %arg1, %mul3A_1 : i32
    "tpu.region"() ({
      %run_scoped3A = tpu.sem_alloc : memref<!tpu.dma_semaphore, #tpu.memory_space<semaphore_mem>>
      %dma_start3A_205 = arith.constant 0 : i32
      %dma_start3A_206 = arith.constant 0 : i32
      %dma_start3A_207 = tpu.memref_slice %arg3[%add3A, %dma_start3A_205, %dma_start3A_206] : memref<32x80x128xi32, #tpu.memory_space<hbm>> -> memref<1x80x128xi32, #tpu.memory_space<hbm>>
      %dma_start3A_208 = tpu.memref_squeeze %dma_start3A_207 : memref<1x80x128xi32, #tpu.memory_space<hbm>> -> memref<80x128xi32, #tpu.memory_space<hbm>>
      %dma_start3A_209 = arith.constant 0 : i32
      %dma_start3A_210 = arith.constant 0 : i32
      %dma_start3A_211 = tpu.memref_slice %arg3[%add3A, %dma_start3A_209, %dma_start3A_210] : memref<32x80x128xi32, #tpu.memory_space<hbm>> -> memref<1x80x128xi32, #tpu.memory_space<hbm>>
      %dma_start3A_212 = tpu.memref_squeeze %dma_start3A_211 : memref<1x80x128xi32, #tpu.memory_space<hbm>> -> memref<80x128xi32, #tpu.memory_space<hbm>>
      tpu.enqueue_dma source(%dma_start3A_212 : memref<80x128xi32, #tpu.memory_space<hbm>>) target(%arg9 : memref<80x128xi32, #tpu.memory_space<vmem>>) target_semaphore(%run_scoped3A : memref<!tpu.dma_semaphore, #tpu.memory_space<semaphore_mem>>)
      %dma_wait3A_213 = arith.constant 0 : i32
      %dma_wait3A_214 = arith.constant 0 : i32
      %dma_wait3A_215 = tpu.memref_slice %arg3[%add3A, %dma_wait3A_213, %dma_wait3A_214] : memref<32x80x128xi32, #tpu.memory_space<hbm>> -> memref<1x80x128xi32, #tpu.memory_space<hbm>>
      %dma_wait3A_216 = tpu.memref_squeeze %dma_wait3A_215 : memref<1x80x128xi32, #tpu.memory_space<hbm>> -> memref<80x128xi32, #tpu.memory_space<hbm>>
      %dma_wait3A_217 = arith.constant 0 : i32
      %dma_wait3A_218 = arith.constant 0 : i32
      %dma_wait3A_219 = tpu.memref_slice %arg3[%add3A, %dma_wait3A_217, %dma_wait3A_218] : memref<32x80x128xi32, #tpu.memory_space<hbm>> -> memref<1x80x128xi32, #tpu.memory_space<hbm>>
      %dma_wait3A_220 = tpu.memref_squeeze %dma_wait3A_219 : memref<1x80x128xi32, #tpu.memory_space<hbm>> -> memref<80x128xi32, #tpu.memory_space<hbm>>
      tpu.wait_dma2 semaphore(%run_scoped3A : memref<!tpu.dma_semaphore, #tpu.memory_space<semaphore_mem>>) src(%dma_wait3A_220 : memref<80x128xi32, #tpu.memory_space<hbm>>) dst(%arg9 : memref<80x128xi32, #tpu.memory_space<vmem>>)
      tpu.yield
    }) : () -> ()
    "tpu.region"() ({
      %run_scoped3A = tpu.sem_alloc : memref<!tpu.dma_semaphore, #tpu.memory_space<semaphore_mem>>
      %dma_start3A_205 = arith.constant 0 : i32
      %dma_start3A_206 = arith.constant 0 : i32
      %dma_start3A_207 = tpu.memref_slice %arg4[%add3A, %dma_start3A_205, %dma_start3A_206] : memref<32x80x128xi32, #tpu.memory_space<hbm>> -> memref<1x80x128xi32, #tpu.memory_space<hbm>>
      %dma_start3A_208 = tpu.memref_squeeze %dma_start3A_207 : memref<1x80x128xi32, #tpu.memory_space<hbm>> -> memref<80x128xi32, #tpu.memory_space<hbm>>
      %dma_start3A_209 = arith.constant 0 : i32
      %dma_start3A_210 = arith.constant 0 : i32
      %dma_start3A_211 = tpu.memref_slice %arg4[%add3A, %dma_start3A_209, %dma_start3A_210] : memref<32x80x128xi32, #tpu.memory_space<hbm>> -> memref<1x80x128xi32, #tpu.memory_space<hbm>>
      %dma_start3A_212 = tpu.memref_squeeze %dma_start3A_211 : memref<1x80x128xi32, #tpu.memory_space<hbm>> -> memref<80x128xi32, #tpu.memory_space<hbm>>
      tpu.enqueue_dma source(%dma_start3A_212 : memref<80x128xi32, #tpu.memory_space<hbm>>) target(%arg10 : memref<80x128xi32, #tpu.memory_space<vmem>>) target_semaphore(%run_scoped3A : memref<!tpu.dma_semaphore, #tpu.memory_space<semaphore_mem>>)
      %dma_wait3A_213 = arith.constant 0 : i32
      %dma_wait3A_214 = arith.constant 0 : i32
      %dma_wait3A_215 = tpu.memref_slice %arg4[%add3A, %dma_wait3A_213, %dma_wait3A_214] : memref<32x80x128xi32, #tpu.memory_space<hbm>> -> memref<1x80x128xi32, #tpu.memory_space<hbm>>
      %dma_wait3A_216 = tpu.memref_squeeze %dma_wait3A_215 : memref<1x80x128xi32, #tpu.memory_space<hbm>> -> memref<80x128xi32, #tpu.memory_space<hbm>>
      %dma_wait3A_217 = arith.constant 0 : i32
      %dma_wait3A_218 = arith.constant 0 : i32
      %dma_wait3A_219 = tpu.memref_slice %arg4[%add3A, %dma_wait3A_217, %dma_wait3A_218] : memref<32x80x128xi32, #tpu.memory_space<hbm>> -> memref<1x80x128xi32, #tpu.memory_space<hbm>>
      %dma_wait3A_220 = tpu.memref_squeeze %dma_wait3A_219 : memref<1x80x128xi32, #tpu.memory_space<hbm>> -> memref<80x128xi32, #tpu.memory_space<hbm>>
      tpu.wait_dma2 semaphore(%run_scoped3A : memref<!tpu.dma_semaphore, #tpu.memory_space<semaphore_mem>>) src(%dma_wait3A_220 : memref<80x128xi32, #tpu.memory_space<hbm>>) dst(%arg10 : memref<80x128xi32, #tpu.memory_space<vmem>>)
      tpu.yield
    }) : () -> ()
    "tpu.region"() ({
      %run_scoped3A = tpu.sem_alloc : memref<!tpu.dma_semaphore, #tpu.memory_space<semaphore_mem>>
      %dma_start3A_205 = arith.constant 0 : i32
      %dma_start3A_206 = tpu.memref_slice %arg2[%mul3A_2, %dma_start3A_205] : memref<10240x16xf32, #tpu.memory_space<hbm>> -> memref<640x16xf32, #tpu.memory_space<hbm>>
      %dma_start3A_207 = arith.constant 0 : i32
      %dma_start3A_208 = tpu.memref_slice %arg2[%mul3A_2, %dma_start3A_207] : memref<10240x16xf32, #tpu.memory_space<hbm>> -> memref<640x16xf32, #tpu.memory_space<hbm>>
      tpu.enqueue_dma source(%dma_start3A_208 : memref<640x16xf32, #tpu.memory_space<hbm>>) target(%arg11 : memref<640x16xf32, #tpu.memory_space<vmem>>) target_semaphore(%run_scoped3A : memref<!tpu.dma_semaphore, #tpu.memory_space<semaphore_mem>>)
      %dma_wait3A_209 = arith.constant 0 : i32
      %dma_wait3A_210 = tpu.memref_slice %arg2[%mul3A_2, %dma_wait3A_209] : memref<10240x16xf32, #tpu.memory_space<hbm>> -> memref<640x16xf32, #tpu.memory_space<hbm>>
      %dma_wait3A_211 = arith.constant 0 : i32
      %dma_wait3A_212 = tpu.memref_slice %arg2[%mul3A_2, %dma_wait3A_211] : memref<10240x16xf32, #tpu.memory_space<hbm>> -> memref<640x16xf32, #tpu.memory_space<hbm>>
      tpu.wait_dma2 semaphore(%run_scoped3A : memref<!tpu.dma_semaphore, #tpu.memory_space<semaphore_mem>>) src(%dma_wait3A_212 : memref<640x16xf32, #tpu.memory_space<hbm>>) dst(%arg11 : memref<640x16xf32, #tpu.memory_space<vmem>>)
      tpu.yield
    }) : () -> ()
    "tpu.region"() ({
      %run_scoped3A = tpu.sem_alloc : memref<!tpu.dma_semaphore, #tpu.memory_space<semaphore_mem>>
      %dma_start3A_205 = arith.constant 0 : i32
      %dma_start3A_206 = tpu.memref_slice %arg7[%mul3A_2, %dma_start3A_205] : memref<10240x16xf32, #tpu.memory_space<vmem_shared>> -> memref<640x16xf32, #tpu.memory_space<vmem_shared>>
      %dma_start3A_207 = arith.constant 0 : i32
      %dma_start3A_208 = tpu.memref_slice %arg7[%mul3A_2, %dma_start3A_207] : memref<10240x16xf32, #tpu.memory_space<vmem_shared>> -> memref<640x16xf32, #tpu.memory_space<vmem_shared>>
      tpu.enqueue_dma source(%arg11 : memref<640x16xf32, #tpu.memory_space<vmem>>) target(%dma_start3A_208 : memref<640x16xf32, #tpu.memory_space<vmem_shared>>) target_semaphore(%run_scoped3A : memref<!tpu.dma_semaphore, #tpu.memory_space<semaphore_mem>>)
      %dma_wait3A_209 = arith.constant 0 : i32
      %dma_wait3A_210 = tpu.memref_slice %arg7[%mul3A_2, %dma_wait3A_209] : memref<10240x16xf32, #tpu.memory_space<vmem_shared>> -> memref<640x16xf32, #tpu.memory_space<vmem_shared>>
      %dma_wait3A_211 = arith.constant 0 : i32
      %dma_wait3A_212 = tpu.memref_slice %arg7[%mul3A_2, %dma_wait3A_211] : memref<10240x16xf32, #tpu.memory_space<vmem_shared>> -> memref<640x16xf32, #tpu.memory_space<vmem_shared>>
      tpu.wait_dma2 semaphore(%run_scoped3A : memref<!tpu.dma_semaphore, #tpu.memory_space<semaphore_mem>>) src(%arg11 : memref<640x16xf32, #tpu.memory_space<vmem>>) dst(%dma_wait3A_212 : memref<640x16xf32, #tpu.memory_space<vmem_shared>>)
      tpu.yield
    }) : () -> ()
    %eq3A = arith.constant 0 : i32
    %eq3A_3 = arith.cmpi eq, %arg0, %eq3A : i32
    %convert_element_type3A = arith.extui %eq3A_3 : i1 to i32
    %cond3A = arith.constant 0 : i32
    %cond3A_4 = arith.cmpi ne, %convert_element_type3A, %cond3A : i32
    scf.if %cond3A_4 {
      "tpu.region"() ({
        %run_scoped3A = tpu.sem_alloc : memref<!tpu.dma_semaphore, #tpu.memory_space<semaphore_mem>>
        %dma_start3A_205 = arith.constant 0 : i32
        %dma_start3A_206 = tpu.memref_slice %arg8[%mul3A_2, %dma_start3A_205] : memref<10240x16xf32, #tpu.memory_space<vmem_shared>> -> memref<640x16xf32, #tpu.memory_space<vmem_shared>>
        %dma_start3A_207 = arith.constant 0 : i32
        %dma_start3A_208 = tpu.memref_slice %arg8[%mul3A_2, %dma_start3A_207] : memref<10240x16xf32, #tpu.memory_space<vmem_shared>> -> memref<640x16xf32, #tpu.memory_space<vmem_shared>>
        tpu.enqueue_dma source(%arg11 : memref<640x16xf32, #tpu.memory_space<vmem>>) target(%dma_start3A_208 : memref<640x16xf32, #tpu.memory_space<vmem_shared>>) target_semaphore(%run_scoped3A : memref<!tpu.dma_semaphore, #tpu.memory_space<semaphore_mem>>)
        %dma_wait3A_209 = arith.constant 0 : i32
        %dma_wait3A_210 = tpu.memref_slice %arg8[%mul3A_2, %dma_wait3A_209] : memref<10240x16xf32, #tpu.memory_space<vmem_shared>> -> memref<640x16xf32, #tpu.memory_space<vmem_shared>>
        %dma_wait3A_211 = arith.constant 0 : i32
        %dma_wait3A_212 = tpu.memref_slice %arg8[%mul3A_2, %dma_wait3A_211] : memref<10240x16xf32, #tpu.memory_space<vmem_shared>> -> memref<640x16xf32, #tpu.memory_space<vmem_shared>>
        tpu.wait_dma2 semaphore(%run_scoped3A : memref<!tpu.dma_semaphore, #tpu.memory_space<semaphore_mem>>) src(%arg11 : memref<640x16xf32, #tpu.memory_space<vmem>>) dst(%dma_wait3A_212 : memref<640x16xf32, #tpu.memory_space<vmem_shared>>)
        tpu.yield
      }) : () -> ()
    } else {
    }
    %eq3A_5 = arith.constant 1 : i32
    %eq3A_6 = arith.cmpi eq, %arg0, %eq3A_5 : i32
    %convert_element_type3A_7 = arith.extui %eq3A_6 : i1 to i32
    %cond3A_8 = arith.constant 0 : i32
    %cond3A_9 = arith.cmpi ne, %convert_element_type3A_7, %cond3A_8 : i32
    scf.if %cond3A_9 {
      "tpu.region"() ({
        %run_scoped3A = tpu.sem_alloc : memref<!tpu.dma_semaphore, #tpu.memory_space<semaphore_mem>>
        %dma_start3A_205 = arith.constant 0 : i32
        %dma_start3A_206 = tpu.memref_slice %arg8[%mul3A_2, %dma_start3A_205] : memref<10240x16xf32, #tpu.memory_space<vmem_shared>> -> memref<640x16xf32, #tpu.memory_space<vmem_shared>>
        %dma_start3A_207 = arith.constant 0 : i32
        %dma_start3A_208 = tpu.memref_slice %arg5[%mul3A_2, %dma_start3A_207] : memref<10240x16xf32, #tpu.memory_space<hbm>> -> memref<640x16xf32, #tpu.memory_space<hbm>>
        tpu.enqueue_dma source(%dma_start3A_208 : memref<640x16xf32, #tpu.memory_space<hbm>>) target(%dma_start3A_206 : memref<640x16xf32, #tpu.memory_space<vmem_shared>>) target_semaphore(%run_scoped3A : memref<!tpu.dma_semaphore, #tpu.memory_space<semaphore_mem>>)
        %dma_wait3A_209 = arith.constant 0 : i32
        %dma_wait3A_210 = tpu.memref_slice %arg8[%mul3A_2, %dma_wait3A_209] : memref<10240x16xf32, #tpu.memory_space<vmem_shared>> -> memref<640x16xf32, #tpu.memory_space<vmem_shared>>
        %dma_wait3A_211 = arith.constant 0 : i32
        %dma_wait3A_212 = tpu.memref_slice %arg5[%mul3A_2, %dma_wait3A_211] : memref<10240x16xf32, #tpu.memory_space<hbm>> -> memref<640x16xf32, #tpu.memory_space<hbm>>
        tpu.wait_dma2 semaphore(%run_scoped3A : memref<!tpu.dma_semaphore, #tpu.memory_space<semaphore_mem>>) src(%dma_wait3A_212 : memref<640x16xf32, #tpu.memory_space<hbm>>) dst(%dma_wait3A_210 : memref<640x16xf32, #tpu.memory_space<vmem_shared>>)
        tpu.yield
      }) : () -> ()
    } else {
    }
    %barrier3A = arith.constant 0 : index
    tpu.barrier barrier_id(%barrier3A)
    %dma_start3A = arith.constant 0 : i32
    %dma_start3A_10 = arith.constant 0 : i32
    %dma_start3A_11 = arith.constant 0 : i32
    %dma_start3A_12 = arith.constant 0 : i32
    %dma_start3A_13 = tpu.memref_slice %arg12[%dma_start3A_10, %dma_start3A_11, %dma_start3A_12] : memref<4x128x16xf32, #tpu.memory_space<vmem>> -> memref<1x128x16xf32, #tpu.memory_space<vmem>>
    %dma_start3A_14 = tpu.memref_squeeze %dma_start3A_13 : memref<1x128x16xf32, #tpu.memory_space<vmem>> -> memref<128x16xf32, #tpu.memory_space<vmem>>
    %dma_start3A_15 = arith.constant 0 : i32
    %dma_start3A_16 = tpu.memref_slice %arg9[%dma_start3A, %dma_start3A_15] : memref<80x128xi32, #tpu.memory_space<vmem>> -> memref<1x128xi32, #tpu.memory_space<vmem>>
    %dma_start3A_17 = tpu.memref_squeeze %dma_start3A_16 : memref<1x128xi32, #tpu.memory_space<vmem>> -> memref<128xi32, #tpu.memory_space<vmem>>
    %dma_start3A_18 = arith.constant 0 : i32
    %dma_start3A_19 = arith.constant 0 : i32
    %dma_start3A_20 = tpu.memref_slice %arg7[%dma_start3A_18, %dma_start3A_19] : memref<10240x16xf32, #tpu.memory_space<vmem_shared>> -> memref<10240x16xf32, #tpu.memory_space<vmem_shared>>
    tpu.enqueue_indirect_dma source(%dma_start3A_20 : memref<10240x16xf32, #tpu.memory_space<vmem_shared>>) target(%dma_start3A_14 : memref<128x16xf32, #tpu.memory_space<vmem>>) offsets(%dma_start3A_17 : memref<128xi32, #tpu.memory_space<vmem>>) semaphore(%arg13 : memref<!tpu.dma_semaphore, #tpu.memory_space<semaphore_mem>>)
    %dma_start3A_21 = arith.constant 1 : i32
    %dma_start3A_22 = arith.constant 1 : i32
    %dma_start3A_23 = arith.constant 0 : i32
    %dma_start3A_24 = arith.constant 0 : i32
    %dma_start3A_25 = tpu.memref_slice %arg12[%dma_start3A_22, %dma_start3A_23, %dma_start3A_24] : memref<4x128x16xf32, #tpu.memory_space<vmem>> -> memref<1x128x16xf32, #tpu.memory_space<vmem>>
    %dma_start3A_26 = tpu.memref_squeeze %dma_start3A_25 : memref<1x128x16xf32, #tpu.memory_space<vmem>> -> memref<128x16xf32, #tpu.memory_space<vmem>>
    %dma_start3A_27 = arith.constant 0 : i32
    %dma_start3A_28 = tpu.memref_slice %arg9[%dma_start3A_21, %dma_start3A_27] : memref<80x128xi32, #tpu.memory_space<vmem>> -> memref<1x128xi32, #tpu.memory_space<vmem>>
    %dma_start3A_29 = tpu.memref_squeeze %dma_start3A_28 : memref<1x128xi32, #tpu.memory_space<vmem>> -> memref<128xi32, #tpu.memory_space<vmem>>
    %dma_start3A_30 = arith.constant 0 : i32
    %dma_start3A_31 = arith.constant 0 : i32
    %dma_start3A_32 = tpu.memref_slice %arg7[%dma_start3A_30, %dma_start3A_31] : memref<10240x16xf32, #tpu.memory_space<vmem_shared>> -> memref<10240x16xf32, #tpu.memory_space<vmem_shared>>
    tpu.enqueue_indirect_dma source(%dma_start3A_32 : memref<10240x16xf32, #tpu.memory_space<vmem_shared>>) target(%dma_start3A_26 : memref<128x16xf32, #tpu.memory_space<vmem>>) offsets(%dma_start3A_29 : memref<128xi32, #tpu.memory_space<vmem>>) semaphore(%arg14 : memref<!tpu.dma_semaphore, #tpu.memory_space<semaphore_mem>>)
    %dma_start3A_33 = arith.constant 2 : i32
    %dma_start3A_34 = arith.constant 2 : i32
    %dma_start3A_35 = arith.constant 0 : i32
    %dma_start3A_36 = arith.constant 0 : i32
    %dma_start3A_37 = tpu.memref_slice %arg12[%dma_start3A_34, %dma_start3A_35, %dma_start3A_36] : memref<4x128x16xf32, #tpu.memory_space<vmem>> -> memref<1x128x16xf32, #tpu.memory_space<vmem>>
    %dma_start3A_38 = tpu.memref_squeeze %dma_start3A_37 : memref<1x128x16xf32, #tpu.memory_space<vmem>> -> memref<128x16xf32, #tpu.memory_space<vmem>>
    %dma_start3A_39 = arith.constant 0 : i32
    %dma_start3A_40 = tpu.memref_slice %arg9[%dma_start3A_33, %dma_start3A_39] : memref<80x128xi32, #tpu.memory_space<vmem>> -> memref<1x128xi32, #tpu.memory_space<vmem>>
    %dma_start3A_41 = tpu.memref_squeeze %dma_start3A_40 : memref<1x128xi32, #tpu.memory_space<vmem>> -> memref<128xi32, #tpu.memory_space<vmem>>
    %dma_start3A_42 = arith.constant 0 : i32
    %dma_start3A_43 = arith.constant 0 : i32
    %dma_start3A_44 = tpu.memref_slice %arg7[%dma_start3A_42, %dma_start3A_43] : memref<10240x16xf32, #tpu.memory_space<vmem_shared>> -> memref<10240x16xf32, #tpu.memory_space<vmem_shared>>
    tpu.enqueue_indirect_dma source(%dma_start3A_44 : memref<10240x16xf32, #tpu.memory_space<vmem_shared>>) target(%dma_start3A_38 : memref<128x16xf32, #tpu.memory_space<vmem>>) offsets(%dma_start3A_41 : memref<128xi32, #tpu.memory_space<vmem>>) semaphore(%arg15 : memref<!tpu.dma_semaphore, #tpu.memory_space<semaphore_mem>>)
    %dma_start3A_45 = arith.constant 3 : i32
    %dma_start3A_46 = arith.constant 3 : i32
    %dma_start3A_47 = arith.constant 0 : i32
    %dma_start3A_48 = arith.constant 0 : i32
    %dma_start3A_49 = tpu.memref_slice %arg12[%dma_start3A_46, %dma_start3A_47, %dma_start3A_48] : memref<4x128x16xf32, #tpu.memory_space<vmem>> -> memref<1x128x16xf32, #tpu.memory_space<vmem>>
    %dma_start3A_50 = tpu.memref_squeeze %dma_start3A_49 : memref<1x128x16xf32, #tpu.memory_space<vmem>> -> memref<128x16xf32, #tpu.memory_space<vmem>>
    %dma_start3A_51 = arith.constant 0 : i32
    %dma_start3A_52 = tpu.memref_slice %arg9[%dma_start3A_45, %dma_start3A_51] : memref<80x128xi32, #tpu.memory_space<vmem>> -> memref<1x128xi32, #tpu.memory_space<vmem>>
    %dma_start3A_53 = tpu.memref_squeeze %dma_start3A_52 : memref<1x128xi32, #tpu.memory_space<vmem>> -> memref<128xi32, #tpu.memory_space<vmem>>
    %dma_start3A_54 = arith.constant 0 : i32
    %dma_start3A_55 = arith.constant 0 : i32
    %dma_start3A_56 = tpu.memref_slice %arg7[%dma_start3A_54, %dma_start3A_55] : memref<10240x16xf32, #tpu.memory_space<vmem_shared>> -> memref<10240x16xf32, #tpu.memory_space<vmem_shared>>
    tpu.enqueue_indirect_dma source(%dma_start3A_56 : memref<10240x16xf32, #tpu.memory_space<vmem_shared>>) target(%dma_start3A_50 : memref<128x16xf32, #tpu.memory_space<vmem>>) offsets(%dma_start3A_53 : memref<128xi32, #tpu.memory_space<vmem>>) semaphore(%arg16 : memref<!tpu.dma_semaphore, #tpu.memory_space<semaphore_mem>>)
    %scan3A = arith.constant 0 : i32
    %scan3A_57 = arith.constant 19 : i32
    %scan3A_58 = arith.addi %scan3A, %scan3A_57 : i32
    %scan3A_59 = arith.constant 1 : i32
    scf.for %scan3A_205 = %scan3A to %scan3A_58 step %scan3A_59  : i32 {
      %mul3A_206 = arith.constant 4 : i32
      %mul3A_207 = arith.muli %scan3A_205, %mul3A_206 : i32
      %add3A_208 = arith.constant 0 : i32
      %add3A_209 = arith.addi %add3A_208, %mul3A_207 : i32
      %dma_wait3A_210 = arith.constant 0 : i32
      %dma_wait3A_211 = arith.constant 0 : i32
      %dma_wait3A_212 = arith.constant 0 : i32
      %dma_wait3A_213 = arith.constant 0 : i32
      %dma_wait3A_214 = tpu.memref_slice %arg12[%dma_wait3A_211, %dma_wait3A_212, %dma_wait3A_213] : memref<4x128x16xf32, #tpu.memory_space<vmem>> -> memref<1x128x16xf32, #tpu.memory_space<vmem>>
      %dma_wait3A_215 = tpu.memref_squeeze %dma_wait3A_214 : memref<1x128x16xf32, #tpu.memory_space<vmem>> -> memref<128x16xf32, #tpu.memory_space<vmem>>
      %dma_wait3A_216 = arith.constant 0 : i32
      %dma_wait3A_217 = tpu.memref_slice %arg9[%dma_wait3A_210, %dma_wait3A_216] : memref<80x128xi32, #tpu.memory_space<vmem>> -> memref<1x128xi32, #tpu.memory_space<vmem>>
      %dma_wait3A_218 = tpu.memref_squeeze %dma_wait3A_217 : memref<1x128xi32, #tpu.memory_space<vmem>> -> memref<128xi32, #tpu.memory_space<vmem>>
      %dma_wait3A_219 = arith.constant 0 : i32
      %dma_wait3A_220 = arith.constant 0 : i32
      %dma_wait3A_221 = tpu.memref_slice %arg7[%dma_wait3A_219, %dma_wait3A_220] : memref<10240x16xf32, #tpu.memory_space<vmem_shared>> -> memref<10240x16xf32, #tpu.memory_space<vmem_shared>>
      tpu.wait_indirect_dma semaphore(%arg13 : memref<!tpu.dma_semaphore, #tpu.memory_space<semaphore_mem>>) src(%dma_wait3A_221 : memref<10240x16xf32, #tpu.memory_space<vmem_shared>>) dst(%dma_wait3A_215 : memref<128x16xf32, #tpu.memory_space<vmem>>)
      %add3A_222 = arith.constant 0 : i32
      %add3A_223 = arith.addi %add3A_209, %add3A_222 : i32
      %dma_start3A_224 = arith.constant 0 : i32
      %dma_start3A_225 = arith.constant 0 : i32
      %dma_start3A_226 = arith.constant 0 : i32
      %dma_start3A_227 = tpu.memref_slice %arg12[%dma_start3A_224, %dma_start3A_225, %dma_start3A_226] : memref<4x128x16xf32, #tpu.memory_space<vmem>> -> memref<1x128x16xf32, #tpu.memory_space<vmem>>
      %dma_start3A_228 = tpu.memref_squeeze %dma_start3A_227 : memref<1x128x16xf32, #tpu.memory_space<vmem>> -> memref<128x16xf32, #tpu.memory_space<vmem>>
      %dma_start3A_229 = arith.constant 0 : i32
      %dma_start3A_230 = tpu.memref_slice %arg10[%add3A_223, %dma_start3A_229] : memref<80x128xi32, #tpu.memory_space<vmem>> -> memref<1x128xi32, #tpu.memory_space<vmem>>
      %dma_start3A_231 = tpu.memref_squeeze %dma_start3A_230 : memref<1x128xi32, #tpu.memory_space<vmem>> -> memref<128xi32, #tpu.memory_space<vmem>>
      %dma_start3A_232 = arith.constant 0 : i32
      %dma_start3A_233 = arith.constant 0 : i32
      %dma_start3A_234 = tpu.memref_slice %arg8[%dma_start3A_232, %dma_start3A_233] : memref<10240x16xf32, #tpu.memory_space<vmem_shared>> -> memref<10240x16xf32, #tpu.memory_space<vmem_shared>>
      tpu.enqueue_indirect_dma source(%dma_start3A_228 : memref<128x16xf32, #tpu.memory_space<vmem>>) target(%dma_start3A_234 : memref<10240x16xf32, #tpu.memory_space<vmem_shared>>) offsets(%dma_start3A_231 : memref<128xi32, #tpu.memory_space<vmem>>) semaphore(%arg17 : memref<!tpu.dma_semaphore, #tpu.memory_space<semaphore_mem>>) {add = true}
      %dma_wait3A_235 = arith.constant 0 : i32
      %dma_wait3A_236 = arith.constant 1 : i32
      %dma_wait3A_237 = arith.constant 0 : i32
      %dma_wait3A_238 = arith.constant 0 : i32
      %dma_wait3A_239 = tpu.memref_slice %arg12[%dma_wait3A_236, %dma_wait3A_237, %dma_wait3A_238] : memref<4x128x16xf32, #tpu.memory_space<vmem>> -> memref<1x128x16xf32, #tpu.memory_space<vmem>>
      %dma_wait3A_240 = tpu.memref_squeeze %dma_wait3A_239 : memref<1x128x16xf32, #tpu.memory_space<vmem>> -> memref<128x16xf32, #tpu.memory_space<vmem>>
      %dma_wait3A_241 = arith.constant 0 : i32
      %dma_wait3A_242 = tpu.memref_slice %arg9[%dma_wait3A_235, %dma_wait3A_241] : memref<80x128xi32, #tpu.memory_space<vmem>> -> memref<1x128xi32, #tpu.memory_space<vmem>>
      %dma_wait3A_243 = tpu.memref_squeeze %dma_wait3A_242 : memref<1x128xi32, #tpu.memory_space<vmem>> -> memref<128xi32, #tpu.memory_space<vmem>>
      %dma_wait3A_244 = arith.constant 0 : i32
      %dma_wait3A_245 = arith.constant 0 : i32
      %dma_wait3A_246 = tpu.memref_slice %arg7[%dma_wait3A_244, %dma_wait3A_245] : memref<10240x16xf32, #tpu.memory_space<vmem_shared>> -> memref<10240x16xf32, #tpu.memory_space<vmem_shared>>
      tpu.wait_indirect_dma semaphore(%arg14 : memref<!tpu.dma_semaphore, #tpu.memory_space<semaphore_mem>>) src(%dma_wait3A_246 : memref<10240x16xf32, #tpu.memory_space<vmem_shared>>) dst(%dma_wait3A_240 : memref<128x16xf32, #tpu.memory_space<vmem>>)
      %add3A_247 = arith.constant 1 : i32
      %add3A_248 = arith.addi %add3A_209, %add3A_247 : i32
      %dma_start3A_249 = arith.constant 1 : i32
      %dma_start3A_250 = arith.constant 0 : i32
      %dma_start3A_251 = arith.constant 0 : i32
      %dma_start3A_252 = tpu.memref_slice %arg12[%dma_start3A_249, %dma_start3A_250, %dma_start3A_251] : memref<4x128x16xf32, #tpu.memory_space<vmem>> -> memref<1x128x16xf32, #tpu.memory_space<vmem>>
      %dma_start3A_253 = tpu.memref_squeeze %dma_start3A_252 : memref<1x128x16xf32, #tpu.memory_space<vmem>> -> memref<128x16xf32, #tpu.memory_space<vmem>>
      %dma_start3A_254 = arith.constant 0 : i32
      %dma_start3A_255 = tpu.memref_slice %arg10[%add3A_248, %dma_start3A_254] : memref<80x128xi32, #tpu.memory_space<vmem>> -> memref<1x128xi32, #tpu.memory_space<vmem>>
      %dma_start3A_256 = tpu.memref_squeeze %dma_start3A_255 : memref<1x128xi32, #tpu.memory_space<vmem>> -> memref<128xi32, #tpu.memory_space<vmem>>
      %dma_start3A_257 = arith.constant 0 : i32
      %dma_start3A_258 = arith.constant 0 : i32
      %dma_start3A_259 = tpu.memref_slice %arg8[%dma_start3A_257, %dma_start3A_258] : memref<10240x16xf32, #tpu.memory_space<vmem_shared>> -> memref<10240x16xf32, #tpu.memory_space<vmem_shared>>
      tpu.enqueue_indirect_dma source(%dma_start3A_253 : memref<128x16xf32, #tpu.memory_space<vmem>>) target(%dma_start3A_259 : memref<10240x16xf32, #tpu.memory_space<vmem_shared>>) offsets(%dma_start3A_256 : memref<128xi32, #tpu.memory_space<vmem>>) semaphore(%arg18 : memref<!tpu.dma_semaphore, #tpu.memory_space<semaphore_mem>>) {add = true}
      %dma_wait3A_260 = arith.constant 0 : i32
      %dma_wait3A_261 = arith.constant 2 : i32
      %dma_wait3A_262 = arith.constant 0 : i32
      %dma_wait3A_263 = arith.constant 0 : i32
      %dma_wait3A_264 = tpu.memref_slice %arg12[%dma_wait3A_261, %dma_wait3A_262, %dma_wait3A_263] : memref<4x128x16xf32, #tpu.memory_space<vmem>> -> memref<1x128x16xf32, #tpu.memory_space<vmem>>
      %dma_wait3A_265 = tpu.memref_squeeze %dma_wait3A_264 : memref<1x128x16xf32, #tpu.memory_space<vmem>> -> memref<128x16xf32, #tpu.memory_space<vmem>>
      %dma_wait3A_266 = arith.constant 0 : i32
      %dma_wait3A_267 = tpu.memref_slice %arg9[%dma_wait3A_260, %dma_wait3A_266] : memref<80x128xi32, #tpu.memory_space<vmem>> -> memref<1x128xi32, #tpu.memory_space<vmem>>
      %dma_wait3A_268 = tpu.memref_squeeze %dma_wait3A_267 : memref<1x128xi32, #tpu.memory_space<vmem>> -> memref<128xi32, #tpu.memory_space<vmem>>
      %dma_wait3A_269 = arith.constant 0 : i32
      %dma_wait3A_270 = arith.constant 0 : i32
      %dma_wait3A_271 = tpu.memref_slice %arg7[%dma_wait3A_269, %dma_wait3A_270] : memref<10240x16xf32, #tpu.memory_space<vmem_shared>> -> memref<10240x16xf32, #tpu.memory_space<vmem_shared>>
      tpu.wait_indirect_dma semaphore(%arg15 : memref<!tpu.dma_semaphore, #tpu.memory_space<semaphore_mem>>) src(%dma_wait3A_271 : memref<10240x16xf32, #tpu.memory_space<vmem_shared>>) dst(%dma_wait3A_265 : memref<128x16xf32, #tpu.memory_space<vmem>>)
      %add3A_272 = arith.constant 2 : i32
      %add3A_273 = arith.addi %add3A_209, %add3A_272 : i32
      %dma_start3A_274 = arith.constant 2 : i32
      %dma_start3A_275 = arith.constant 0 : i32
      %dma_start3A_276 = arith.constant 0 : i32
      %dma_start3A_277 = tpu.memref_slice %arg12[%dma_start3A_274, %dma_start3A_275, %dma_start3A_276] : memref<4x128x16xf32, #tpu.memory_space<vmem>> -> memref<1x128x16xf32, #tpu.memory_space<vmem>>
      %dma_start3A_278 = tpu.memref_squeeze %dma_start3A_277 : memref<1x128x16xf32, #tpu.memory_space<vmem>> -> memref<128x16xf32, #tpu.memory_space<vmem>>
      %dma_start3A_279 = arith.constant 0 : i32
      %dma_start3A_280 = tpu.memref_slice %arg10[%add3A_273, %dma_start3A_279] : memref<80x128xi32, #tpu.memory_space<vmem>> -> memref<1x128xi32, #tpu.memory_space<vmem>>
      %dma_start3A_281 = tpu.memref_squeeze %dma_start3A_280 : memref<1x128xi32, #tpu.memory_space<vmem>> -> memref<128xi32, #tpu.memory_space<vmem>>
      %dma_start3A_282 = arith.constant 0 : i32
      %dma_start3A_283 = arith.constant 0 : i32
      %dma_start3A_284 = tpu.memref_slice %arg8[%dma_start3A_282, %dma_start3A_283] : memref<10240x16xf32, #tpu.memory_space<vmem_shared>> -> memref<10240x16xf32, #tpu.memory_space<vmem_shared>>
      tpu.enqueue_indirect_dma source(%dma_start3A_278 : memref<128x16xf32, #tpu.memory_space<vmem>>) target(%dma_start3A_284 : memref<10240x16xf32, #tpu.memory_space<vmem_shared>>) offsets(%dma_start3A_281 : memref<128xi32, #tpu.memory_space<vmem>>) semaphore(%arg19 : memref<!tpu.dma_semaphore, #tpu.memory_space<semaphore_mem>>) {add = true}
      %dma_wait3A_285 = arith.constant 0 : i32
      %dma_wait3A_286 = arith.constant 3 : i32
      %dma_wait3A_287 = arith.constant 0 : i32
      %dma_wait3A_288 = arith.constant 0 : i32
      %dma_wait3A_289 = tpu.memref_slice %arg12[%dma_wait3A_286, %dma_wait3A_287, %dma_wait3A_288] : memref<4x128x16xf32, #tpu.memory_space<vmem>> -> memref<1x128x16xf32, #tpu.memory_space<vmem>>
      %dma_wait3A_290 = tpu.memref_squeeze %dma_wait3A_289 : memref<1x128x16xf32, #tpu.memory_space<vmem>> -> memref<128x16xf32, #tpu.memory_space<vmem>>
      %dma_wait3A_291 = arith.constant 0 : i32
      %dma_wait3A_292 = tpu.memref_slice %arg9[%dma_wait3A_285, %dma_wait3A_291] : memref<80x128xi32, #tpu.memory_space<vmem>> -> memref<1x128xi32, #tpu.memory_space<vmem>>
      %dma_wait3A_293 = tpu.memref_squeeze %dma_wait3A_292 : memref<1x128xi32, #tpu.memory_space<vmem>> -> memref<128xi32, #tpu.memory_space<vmem>>
      %dma_wait3A_294 = arith.constant 0 : i32
      %dma_wait3A_295 = arith.constant 0 : i32
      %dma_wait3A_296 = tpu.memref_slice %arg7[%dma_wait3A_294, %dma_wait3A_295] : memref<10240x16xf32, #tpu.memory_space<vmem_shared>> -> memref<10240x16xf32, #tpu.memory_space<vmem_shared>>
      tpu.wait_indirect_dma semaphore(%arg16 : memref<!tpu.dma_semaphore, #tpu.memory_space<semaphore_mem>>) src(%dma_wait3A_296 : memref<10240x16xf32, #tpu.memory_space<vmem_shared>>) dst(%dma_wait3A_290 : memref<128x16xf32, #tpu.memory_space<vmem>>)
      %add3A_297 = arith.constant 3 : i32
      %add3A_298 = arith.addi %add3A_209, %add3A_297 : i32
      %dma_start3A_299 = arith.constant 3 : i32
      %dma_start3A_300 = arith.constant 0 : i32
      %dma_start3A_301 = arith.constant 0 : i32
      %dma_start3A_302 = tpu.memref_slice %arg12[%dma_start3A_299, %dma_start3A_300, %dma_start3A_301] : memref<4x128x16xf32, #tpu.memory_space<vmem>> -> memref<1x128x16xf32, #tpu.memory_space<vmem>>
      %dma_start3A_303 = tpu.memref_squeeze %dma_start3A_302 : memref<1x128x16xf32, #tpu.memory_space<vmem>> -> memref<128x16xf32, #tpu.memory_space<vmem>>
      %dma_start3A_304 = arith.constant 0 : i32
      %dma_start3A_305 = tpu.memref_slice %arg10[%add3A_298, %dma_start3A_304] : memref<80x128xi32, #tpu.memory_space<vmem>> -> memref<1x128xi32, #tpu.memory_space<vmem>>
      %dma_start3A_306 = tpu.memref_squeeze %dma_start3A_305 : memref<1x128xi32, #tpu.memory_space<vmem>> -> memref<128xi32, #tpu.memory_space<vmem>>
      %dma_start3A_307 = arith.constant 0 : i32
      %dma_start3A_308 = arith.constant 0 : i32
      %dma_start3A_309 = tpu.memref_slice %arg8[%dma_start3A_307, %dma_start3A_308] : memref<10240x16xf32, #tpu.memory_space<vmem_shared>> -> memref<10240x16xf32, #tpu.memory_space<vmem_shared>>
      tpu.enqueue_indirect_dma source(%dma_start3A_303 : memref<128x16xf32, #tpu.memory_space<vmem>>) target(%dma_start3A_309 : memref<10240x16xf32, #tpu.memory_space<vmem_shared>>) offsets(%dma_start3A_306 : memref<128xi32, #tpu.memory_space<vmem>>) semaphore(%arg20 : memref<!tpu.dma_semaphore, #tpu.memory_space<semaphore_mem>>) {add = true}
      %dma_wait3A_310 = arith.constant 0 : i32
      %dma_wait3A_311 = arith.constant 0 : i32
      %dma_wait3A_312 = arith.constant 0 : i32
      %dma_wait3A_313 = arith.constant 0 : i32
      %dma_wait3A_314 = tpu.memref_slice %arg12[%dma_wait3A_310, %dma_wait3A_312, %dma_wait3A_313] : memref<4x128x16xf32, #tpu.memory_space<vmem>> -> memref<1x128x16xf32, #tpu.memory_space<vmem>>
      %dma_wait3A_315 = tpu.memref_squeeze %dma_wait3A_314 : memref<1x128x16xf32, #tpu.memory_space<vmem>> -> memref<128x16xf32, #tpu.memory_space<vmem>>
      %dma_wait3A_316 = arith.constant 0 : i32
      %dma_wait3A_317 = tpu.memref_slice %arg10[%dma_wait3A_311, %dma_wait3A_316] : memref<80x128xi32, #tpu.memory_space<vmem>> -> memref<1x128xi32, #tpu.memory_space<vmem>>
      %dma_wait3A_318 = tpu.memref_squeeze %dma_wait3A_317 : memref<1x128xi32, #tpu.memory_space<vmem>> -> memref<128xi32, #tpu.memory_space<vmem>>
      %dma_wait3A_319 = arith.constant 0 : i32
      %dma_wait3A_320 = arith.constant 0 : i32
      %dma_wait3A_321 = tpu.memref_slice %arg8[%dma_wait3A_319, %dma_wait3A_320] : memref<10240x16xf32, #tpu.memory_space<vmem_shared>> -> memref<10240x16xf32, #tpu.memory_space<vmem_shared>>
      tpu.wait_indirect_dma semaphore(%arg17 : memref<!tpu.dma_semaphore, #tpu.memory_space<semaphore_mem>>) src(%dma_wait3A_315 : memref<128x16xf32, #tpu.memory_space<vmem>>) dst(%dma_wait3A_321 : memref<10240x16xf32, #tpu.memory_space<vmem_shared>>)
      %add3A_322 = arith.constant 4 : i32
      %add3A_323 = arith.addi %add3A_209, %add3A_322 : i32
      %add3A_324 = arith.constant 0 : i32
      %add3A_325 = arith.addi %add3A_323, %add3A_324 : i32
      %dma_start3A_326 = arith.constant 0 : i32
      %dma_start3A_327 = arith.constant 0 : i32
      %dma_start3A_328 = arith.constant 0 : i32
      %dma_start3A_329 = tpu.memref_slice %arg12[%dma_start3A_326, %dma_start3A_327, %dma_start3A_328] : memref<4x128x16xf32, #tpu.memory_space<vmem>> -> memref<1x128x16xf32, #tpu.memory_space<vmem>>
      %dma_start3A_330 = tpu.memref_squeeze %dma_start3A_329 : memref<1x128x16xf32, #tpu.memory_space<vmem>> -> memref<128x16xf32, #tpu.memory_space<vmem>>
      %dma_start3A_331 = arith.constant 0 : i32
      %dma_start3A_332 = tpu.memref_slice %arg9[%add3A_325, %dma_start3A_331] : memref<80x128xi32, #tpu.memory_space<vmem>> -> memref<1x128xi32, #tpu.memory_space<vmem>>
      %dma_start3A_333 = tpu.memref_squeeze %dma_start3A_332 : memref<1x128xi32, #tpu.memory_space<vmem>> -> memref<128xi32, #tpu.memory_space<vmem>>
      %dma_start3A_334 = arith.constant 0 : i32
      %dma_start3A_335 = arith.constant 0 : i32
      %dma_start3A_336 = tpu.memref_slice %arg7[%dma_start3A_334, %dma_start3A_335] : memref<10240x16xf32, #tpu.memory_space<vmem_shared>> -> memref<10240x16xf32, #tpu.memory_space<vmem_shared>>
      tpu.enqueue_indirect_dma source(%dma_start3A_336 : memref<10240x16xf32, #tpu.memory_space<vmem_shared>>) target(%dma_start3A_330 : memref<128x16xf32, #tpu.memory_space<vmem>>) offsets(%dma_start3A_333 : memref<128xi32, #tpu.memory_space<vmem>>) semaphore(%arg13 : memref<!tpu.dma_semaphore, #tpu.memory_space<semaphore_mem>>)
      %dma_wait3A_337 = arith.constant 1 : i32
      %dma_wait3A_338 = arith.constant 0 : i32
      %dma_wait3A_339 = arith.constant 0 : i32
      %dma_wait3A_340 = arith.constant 0 : i32
      %dma_wait3A_341 = tpu.memref_slice %arg12[%dma_wait3A_337, %dma_wait3A_339, %dma_wait3A_340] : memref<4x128x16xf32, #tpu.memory_space<vmem>> -> memref<1x128x16xf32, #tpu.memory_space<vmem>>
      %dma_wait3A_342 = tpu.memref_squeeze %dma_wait3A_341 : memref<1x128x16xf32, #tpu.memory_space<vmem>> -> memref<128x16xf32, #tpu.memory_space<vmem>>
      %dma_wait3A_343 = arith.constant 0 : i32
      %dma_wait3A_344 = tpu.memref_slice %arg10[%dma_wait3A_338, %dma_wait3A_343] : memref<80x128xi32, #tpu.memory_space<vmem>> -> memref<1x128xi32, #tpu.memory_space<vmem>>
      %dma_wait3A_345 = tpu.memref_squeeze %dma_wait3A_344 : memref<1x128xi32, #tpu.memory_space<vmem>> -> memref<128xi32, #tpu.memory_space<vmem>>
      %dma_wait3A_346 = arith.constant 0 : i32
      %dma_wait3A_347 = arith.constant 0 : i32
      %dma_wait3A_348 = tpu.memref_slice %arg8[%dma_wait3A_346, %dma_wait3A_347] : memref<10240x16xf32, #tpu.memory_space<vmem_shared>> -> memref<10240x16xf32, #tpu.memory_space<vmem_shared>>
      tpu.wait_indirect_dma semaphore(%arg18 : memref<!tpu.dma_semaphore, #tpu.memory_space<semaphore_mem>>) src(%dma_wait3A_342 : memref<128x16xf32, #tpu.memory_space<vmem>>) dst(%dma_wait3A_348 : memref<10240x16xf32, #tpu.memory_space<vmem_shared>>)
      %add3A_349 = arith.constant 4 : i32
      %add3A_350 = arith.addi %add3A_209, %add3A_349 : i32
      %add3A_351 = arith.constant 1 : i32
      %add3A_352 = arith.addi %add3A_350, %add3A_351 : i32
      %dma_start3A_353 = arith.constant 1 : i32
      %dma_start3A_354 = arith.constant 0 : i32
      %dma_start3A_355 = arith.constant 0 : i32
      %dma_start3A_356 = tpu.memref_slice %arg12[%dma_start3A_353, %dma_start3A_354, %dma_start3A_355] : memref<4x128x16xf32, #tpu.memory_space<vmem>> -> memref<1x128x16xf32, #tpu.memory_space<vmem>>
      %dma_start3A_357 = tpu.memref_squeeze %dma_start3A_356 : memref<1x128x16xf32, #tpu.memory_space<vmem>> -> memref<128x16xf32, #tpu.memory_space<vmem>>
      %dma_start3A_358 = arith.constant 0 : i32
      %dma_start3A_359 = tpu.memref_slice %arg9[%add3A_352, %dma_start3A_358] : memref<80x128xi32, #tpu.memory_space<vmem>> -> memref<1x128xi32, #tpu.memory_space<vmem>>
      %dma_start3A_360 = tpu.memref_squeeze %dma_start3A_359 : memref<1x128xi32, #tpu.memory_space<vmem>> -> memref<128xi32, #tpu.memory_space<vmem>>
      %dma_start3A_361 = arith.constant 0 : i32
      %dma_start3A_362 = arith.constant 0 : i32
      %dma_start3A_363 = tpu.memref_slice %arg7[%dma_start3A_361, %dma_start3A_362] : memref<10240x16xf32, #tpu.memory_space<vmem_shared>> -> memref<10240x16xf32, #tpu.memory_space<vmem_shared>>
      tpu.enqueue_indirect_dma source(%dma_start3A_363 : memref<10240x16xf32, #tpu.memory_space<vmem_shared>>) target(%dma_start3A_357 : memref<128x16xf32, #tpu.memory_space<vmem>>) offsets(%dma_start3A_360 : memref<128xi32, #tpu.memory_space<vmem>>) semaphore(%arg14 : memref<!tpu.dma_semaphore, #tpu.memory_space<semaphore_mem>>)
      %dma_wait3A_364 = arith.constant 2 : i32
      %dma_wait3A_365 = arith.constant 0 : i32
      %dma_wait3A_366 = arith.constant 0 : i32
      %dma_wait3A_367 = arith.constant 0 : i32
      %dma_wait3A_368 = tpu.memref_slice %arg12[%dma_wait3A_364, %dma_wait3A_366, %dma_wait3A_367] : memref<4x128x16xf32, #tpu.memory_space<vmem>> -> memref<1x128x16xf32, #tpu.memory_space<vmem>>
      %dma_wait3A_369 = tpu.memref_squeeze %dma_wait3A_368 : memref<1x128x16xf32, #tpu.memory_space<vmem>> -> memref<128x16xf32, #tpu.memory_space<vmem>>
      %dma_wait3A_370 = arith.constant 0 : i32
      %dma_wait3A_371 = tpu.memref_slice %arg10[%dma_wait3A_365, %dma_wait3A_370] : memref<80x128xi32, #tpu.memory_space<vmem>> -> memref<1x128xi32, #tpu.memory_space<vmem>>
      %dma_wait3A_372 = tpu.memref_squeeze %dma_wait3A_371 : memref<1x128xi32, #tpu.memory_space<vmem>> -> memref<128xi32, #tpu.memory_space<vmem>>
      %dma_wait3A_373 = arith.constant 0 : i32
      %dma_wait3A_374 = arith.constant 0 : i32
      %dma_wait3A_375 = tpu.memref_slice %arg8[%dma_wait3A_373, %dma_wait3A_374] : memref<10240x16xf32, #tpu.memory_space<vmem_shared>> -> memref<10240x16xf32, #tpu.memory_space<vmem_shared>>
      tpu.wait_indirect_dma semaphore(%arg19 : memref<!tpu.dma_semaphore, #tpu.memory_space<semaphore_mem>>) src(%dma_wait3A_369 : memref<128x16xf32, #tpu.memory_space<vmem>>) dst(%dma_wait3A_375 : memref<10240x16xf32, #tpu.memory_space<vmem_shared>>)
      %add3A_376 = arith.constant 4 : i32
      %add3A_377 = arith.addi %add3A_209, %add3A_376 : i32
      %add3A_378 = arith.constant 2 : i32
      %add3A_379 = arith.addi %add3A_377, %add3A_378 : i32
      %dma_start3A_380 = arith.constant 2 : i32
      %dma_start3A_381 = arith.constant 0 : i32
      %dma_start3A_382 = arith.constant 0 : i32
      %dma_start3A_383 = tpu.memref_slice %arg12[%dma_start3A_380, %dma_start3A_381, %dma_start3A_382] : memref<4x128x16xf32, #tpu.memory_space<vmem>> -> memref<1x128x16xf32, #tpu.memory_space<vmem>>
      %dma_start3A_384 = tpu.memref_squeeze %dma_start3A_383 : memref<1x128x16xf32, #tpu.memory_space<vmem>> -> memref<128x16xf32, #tpu.memory_space<vmem>>
      %dma_start3A_385 = arith.constant 0 : i32
      %dma_start3A_386 = tpu.memref_slice %arg9[%add3A_379, %dma_start3A_385] : memref<80x128xi32, #tpu.memory_space<vmem>> -> memref<1x128xi32, #tpu.memory_space<vmem>>
      %dma_start3A_387 = tpu.memref_squeeze %dma_start3A_386 : memref<1x128xi32, #tpu.memory_space<vmem>> -> memref<128xi32, #tpu.memory_space<vmem>>
      %dma_start3A_388 = arith.constant 0 : i32
      %dma_start3A_389 = arith.constant 0 : i32
      %dma_start3A_390 = tpu.memref_slice %arg7[%dma_start3A_388, %dma_start3A_389] : memref<10240x16xf32, #tpu.memory_space<vmem_shared>> -> memref<10240x16xf32, #tpu.memory_space<vmem_shared>>
      tpu.enqueue_indirect_dma source(%dma_start3A_390 : memref<10240x16xf32, #tpu.memory_space<vmem_shared>>) target(%dma_start3A_384 : memref<128x16xf32, #tpu.memory_space<vmem>>) offsets(%dma_start3A_387 : memref<128xi32, #tpu.memory_space<vmem>>) semaphore(%arg15 : memref<!tpu.dma_semaphore, #tpu.memory_space<semaphore_mem>>)
      %dma_wait3A_391 = arith.constant 3 : i32
      %dma_wait3A_392 = arith.constant 0 : i32
      %dma_wait3A_393 = arith.constant 0 : i32
      %dma_wait3A_394 = arith.constant 0 : i32
      %dma_wait3A_395 = tpu.memref_slice %arg12[%dma_wait3A_391, %dma_wait3A_393, %dma_wait3A_394] : memref<4x128x16xf32, #tpu.memory_space<vmem>> -> memref<1x128x16xf32, #tpu.memory_space<vmem>>
      %dma_wait3A_396 = tpu.memref_squeeze %dma_wait3A_395 : memref<1x128x16xf32, #tpu.memory_space<vmem>> -> memref<128x16xf32, #tpu.memory_space<vmem>>
      %dma_wait3A_397 = arith.constant 0 : i32
      %dma_wait3A_398 = tpu.memref_slice %arg10[%dma_wait3A_392, %dma_wait3A_397] : memref<80x128xi32, #tpu.memory_space<vmem>> -> memref<1x128xi32, #tpu.memory_space<vmem>>
      %dma_wait3A_399 = tpu.memref_squeeze %dma_wait3A_398 : memref<1x128xi32, #tpu.memory_space<vmem>> -> memref<128xi32, #tpu.memory_space<vmem>>
      %dma_wait3A_400 = arith.constant 0 : i32
      %dma_wait3A_401 = arith.constant 0 : i32
      %dma_wait3A_402 = tpu.memref_slice %arg8[%dma_wait3A_400, %dma_wait3A_401] : memref<10240x16xf32, #tpu.memory_space<vmem_shared>> -> memref<10240x16xf32, #tpu.memory_space<vmem_shared>>
      tpu.wait_indirect_dma semaphore(%arg20 : memref<!tpu.dma_semaphore, #tpu.memory_space<semaphore_mem>>) src(%dma_wait3A_396 : memref<128x16xf32, #tpu.memory_space<vmem>>) dst(%dma_wait3A_402 : memref<10240x16xf32, #tpu.memory_space<vmem_shared>>)
      %add3A_403 = arith.constant 4 : i32
      %add3A_404 = arith.addi %add3A_209, %add3A_403 : i32
      %add3A_405 = arith.constant 3 : i32
      %add3A_406 = arith.addi %add3A_404, %add3A_405 : i32
      %dma_start3A_407 = arith.constant 3 : i32
      %dma_start3A_408 = arith.constant 0 : i32
      %dma_start3A_409 = arith.constant 0 : i32
      %dma_start3A_410 = tpu.memref_slice %arg12[%dma_start3A_407, %dma_start3A_408, %dma_start3A_409] : memref<4x128x16xf32, #tpu.memory_space<vmem>> -> memref<1x128x16xf32, #tpu.memory_space<vmem>>
      %dma_start3A_411 = tpu.memref_squeeze %dma_start3A_410 : memref<1x128x16xf32, #tpu.memory_space<vmem>> -> memref<128x16xf32, #tpu.memory_space<vmem>>
      %dma_start3A_412 = arith.constant 0 : i32
      %dma_start3A_413 = tpu.memref_slice %arg9[%add3A_406, %dma_start3A_412] : memref<80x128xi32, #tpu.memory_space<vmem>> -> memref<1x128xi32, #tpu.memory_space<vmem>>
      %dma_start3A_414 = tpu.memref_squeeze %dma_start3A_413 : memref<1x128xi32, #tpu.memory_space<vmem>> -> memref<128xi32, #tpu.memory_space<vmem>>
      %dma_start3A_415 = arith.constant 0 : i32
      %dma_start3A_416 = arith.constant 0 : i32
      %dma_start3A_417 = tpu.memref_slice %arg7[%dma_start3A_415, %dma_start3A_416] : memref<10240x16xf32, #tpu.memory_space<vmem_shared>> -> memref<10240x16xf32, #tpu.memory_space<vmem_shared>>
      tpu.enqueue_indirect_dma source(%dma_start3A_417 : memref<10240x16xf32, #tpu.memory_space<vmem_shared>>) target(%dma_start3A_411 : memref<128x16xf32, #tpu.memory_space<vmem>>) offsets(%dma_start3A_414 : memref<128xi32, #tpu.memory_space<vmem>>) semaphore(%arg16 : memref<!tpu.dma_semaphore, #tpu.memory_space<semaphore_mem>>)
    }
    %scan3A_60 = arith.constant 19 : i32
    %dma_wait3A = arith.constant 0 : i32
    %dma_wait3A_61 = arith.constant 0 : i32
    %dma_wait3A_62 = arith.constant 0 : i32
    %dma_wait3A_63 = arith.constant 0 : i32
    %dma_wait3A_64 = tpu.memref_slice %arg12[%dma_wait3A_61, %dma_wait3A_62, %dma_wait3A_63] : memref<4x128x16xf32, #tpu.memory_space<vmem>> -> memref<1x128x16xf32, #tpu.memory_space<vmem>>
    %dma_wait3A_65 = tpu.memref_squeeze %dma_wait3A_64 : memref<1x128x16xf32, #tpu.memory_space<vmem>> -> memref<128x16xf32, #tpu.memory_space<vmem>>
    %dma_wait3A_66 = arith.constant 0 : i32
    %dma_wait3A_67 = tpu.memref_slice %arg9[%dma_wait3A, %dma_wait3A_66] : memref<80x128xi32, #tpu.memory_space<vmem>> -> memref<1x128xi32, #tpu.memory_space<vmem>>
    %dma_wait3A_68 = tpu.memref_squeeze %dma_wait3A_67 : memref<1x128xi32, #tpu.memory_space<vmem>> -> memref<128xi32, #tpu.memory_space<vmem>>
    %dma_wait3A_69 = arith.constant 0 : i32
    %dma_wait3A_70 = arith.constant 0 : i32
    %dma_wait3A_71 = tpu.memref_slice %arg7[%dma_wait3A_69, %dma_wait3A_70] : memref<10240x16xf32, #tpu.memory_space<vmem_shared>> -> memref<10240x16xf32, #tpu.memory_space<vmem_shared>>
    tpu.wait_indirect_dma semaphore(%arg13 : memref<!tpu.dma_semaphore, #tpu.memory_space<semaphore_mem>>) src(%dma_wait3A_71 : memref<10240x16xf32, #tpu.memory_space<vmem_shared>>) dst(%dma_wait3A_65 : memref<128x16xf32, #tpu.memory_space<vmem>>)
    %dma_start3A_72 = arith.constant 0 : i32
    %dma_start3A_73 = arith.constant 76 : i32
    %dma_start3A_74 = arith.constant 0 : i32
    %dma_start3A_75 = arith.constant 0 : i32
    %dma_start3A_76 = tpu.memref_slice %arg12[%dma_start3A_72, %dma_start3A_74, %dma_start3A_75] : memref<4x128x16xf32, #tpu.memory_space<vmem>> -> memref<1x128x16xf32, #tpu.memory_space<vmem>>
    %dma_start3A_77 = tpu.memref_squeeze %dma_start3A_76 : memref<1x128x16xf32, #tpu.memory_space<vmem>> -> memref<128x16xf32, #tpu.memory_space<vmem>>
    %dma_start3A_78 = arith.constant 0 : i32
    %dma_start3A_79 = tpu.memref_slice %arg10[%dma_start3A_73, %dma_start3A_78] : memref<80x128xi32, #tpu.memory_space<vmem>> -> memref<1x128xi32, #tpu.memory_space<vmem>>
    %dma_start3A_80 = tpu.memref_squeeze %dma_start3A_79 : memref<1x128xi32, #tpu.memory_space<vmem>> -> memref<128xi32, #tpu.memory_space<vmem>>
    %dma_start3A_81 = arith.constant 0 : i32
    %dma_start3A_82 = arith.constant 0 : i32
    %dma_start3A_83 = tpu.memref_slice %arg8[%dma_start3A_81, %dma_start3A_82] : memref<10240x16xf32, #tpu.memory_space<vmem_shared>> -> memref<10240x16xf32, #tpu.memory_space<vmem_shared>>
    tpu.enqueue_indirect_dma source(%dma_start3A_77 : memref<128x16xf32, #tpu.memory_space<vmem>>) target(%dma_start3A_83 : memref<10240x16xf32, #tpu.memory_space<vmem_shared>>) offsets(%dma_start3A_80 : memref<128xi32, #tpu.memory_space<vmem>>) semaphore(%arg17 : memref<!tpu.dma_semaphore, #tpu.memory_space<semaphore_mem>>) {add = true}
    %dma_wait3A_84 = arith.constant 0 : i32
    %dma_wait3A_85 = arith.constant 1 : i32
    %dma_wait3A_86 = arith.constant 0 : i32
    %dma_wait3A_87 = arith.constant 0 : i32
    %dma_wait3A_88 = tpu.memref_slice %arg12[%dma_wait3A_85, %dma_wait3A_86, %dma_wait3A_87] : memref<4x128x16xf32, #tpu.memory_space<vmem>> -> memref<1x128x16xf32, #tpu.memory_space<vmem>>
    %dma_wait3A_89 = tpu.memref_squeeze %dma_wait3A_88 : memref<1x128x16xf32, #tpu.memory_space<vmem>> -> memref<128x16xf32, #tpu.memory_space<vmem>>
    %dma_wait3A_90 = arith.constant 0 : i32
    %dma_wait3A_91 = tpu.memref_slice %arg9[%dma_wait3A_84, %dma_wait3A_90] : memref<80x128xi32, #tpu.memory_space<vmem>> -> memref<1x128xi32, #tpu.memory_space<vmem>>
    %dma_wait3A_92 = tpu.memref_squeeze %dma_wait3A_91 : memref<1x128xi32, #tpu.memory_space<vmem>> -> memref<128xi32, #tpu.memory_space<vmem>>
    %dma_wait3A_93 = arith.constant 0 : i32
    %dma_wait3A_94 = arith.constant 0 : i32
    %dma_wait3A_95 = tpu.memref_slice %arg7[%dma_wait3A_93, %dma_wait3A_94] : memref<10240x16xf32, #tpu.memory_space<vmem_shared>> -> memref<10240x16xf32, #tpu.memory_space<vmem_shared>>
    tpu.wait_indirect_dma semaphore(%arg14 : memref<!tpu.dma_semaphore, #tpu.memory_space<semaphore_mem>>) src(%dma_wait3A_95 : memref<10240x16xf32, #tpu.memory_space<vmem_shared>>) dst(%dma_wait3A_89 : memref<128x16xf32, #tpu.memory_space<vmem>>)
    %dma_start3A_96 = arith.constant 1 : i32
    %dma_start3A_97 = arith.constant 77 : i32
    %dma_start3A_98 = arith.constant 0 : i32
    %dma_start3A_99 = arith.constant 0 : i32
    %dma_start3A_100 = tpu.memref_slice %arg12[%dma_start3A_96, %dma_start3A_98, %dma_start3A_99] : memref<4x128x16xf32, #tpu.memory_space<vmem>> -> memref<1x128x16xf32, #tpu.memory_space<vmem>>
    %dma_start3A_101 = tpu.memref_squeeze %dma_start3A_100 : memref<1x128x16xf32, #tpu.memory_space<vmem>> -> memref<128x16xf32, #tpu.memory_space<vmem>>
    %dma_start3A_102 = arith.constant 0 : i32
    %dma_start3A_103 = tpu.memref_slice %arg10[%dma_start3A_97, %dma_start3A_102] : memref<80x128xi32, #tpu.memory_space<vmem>> -> memref<1x128xi32, #tpu.memory_space<vmem>>
    %dma_start3A_104 = tpu.memref_squeeze %dma_start3A_103 : memref<1x128xi32, #tpu.memory_space<vmem>> -> memref<128xi32, #tpu.memory_space<vmem>>
    %dma_start3A_105 = arith.constant 0 : i32
    %dma_start3A_106 = arith.constant 0 : i32
    %dma_start3A_107 = tpu.memref_slice %arg8[%dma_start3A_105, %dma_start3A_106] : memref<10240x16xf32, #tpu.memory_space<vmem_shared>> -> memref<10240x16xf32, #tpu.memory_space<vmem_shared>>
    tpu.enqueue_indirect_dma source(%dma_start3A_101 : memref<128x16xf32, #tpu.memory_space<vmem>>) target(%dma_start3A_107 : memref<10240x16xf32, #tpu.memory_space<vmem_shared>>) offsets(%dma_start3A_104 : memref<128xi32, #tpu.memory_space<vmem>>) semaphore(%arg18 : memref<!tpu.dma_semaphore, #tpu.memory_space<semaphore_mem>>) {add = true}
    %dma_wait3A_108 = arith.constant 0 : i32
    %dma_wait3A_109 = arith.constant 2 : i32
    %dma_wait3A_110 = arith.constant 0 : i32
    %dma_wait3A_111 = arith.constant 0 : i32
    %dma_wait3A_112 = tpu.memref_slice %arg12[%dma_wait3A_109, %dma_wait3A_110, %dma_wait3A_111] : memref<4x128x16xf32, #tpu.memory_space<vmem>> -> memref<1x128x16xf32, #tpu.memory_space<vmem>>
    %dma_wait3A_113 = tpu.memref_squeeze %dma_wait3A_112 : memref<1x128x16xf32, #tpu.memory_space<vmem>> -> memref<128x16xf32, #tpu.memory_space<vmem>>
    %dma_wait3A_114 = arith.constant 0 : i32
    %dma_wait3A_115 = tpu.memref_slice %arg9[%dma_wait3A_108, %dma_wait3A_114] : memref<80x128xi32, #tpu.memory_space<vmem>> -> memref<1x128xi32, #tpu.memory_space<vmem>>
    %dma_wait3A_116 = tpu.memref_squeeze %dma_wait3A_115 : memref<1x128xi32, #tpu.memory_space<vmem>> -> memref<128xi32, #tpu.memory_space<vmem>>
    %dma_wait3A_117 = arith.constant 0 : i32
    %dma_wait3A_118 = arith.constant 0 : i32
    %dma_wait3A_119 = tpu.memref_slice %arg7[%dma_wait3A_117, %dma_wait3A_118] : memref<10240x16xf32, #tpu.memory_space<vmem_shared>> -> memref<10240x16xf32, #tpu.memory_space<vmem_shared>>
    tpu.wait_indirect_dma semaphore(%arg15 : memref<!tpu.dma_semaphore, #tpu.memory_space<semaphore_mem>>) src(%dma_wait3A_119 : memref<10240x16xf32, #tpu.memory_space<vmem_shared>>) dst(%dma_wait3A_113 : memref<128x16xf32, #tpu.memory_space<vmem>>)
    %dma_start3A_120 = arith.constant 2 : i32
    %dma_start3A_121 = arith.constant 78 : i32
    %dma_start3A_122 = arith.constant 0 : i32
    %dma_start3A_123 = arith.constant 0 : i32
    %dma_start3A_124 = tpu.memref_slice %arg12[%dma_start3A_120, %dma_start3A_122, %dma_start3A_123] : memref<4x128x16xf32, #tpu.memory_space<vmem>> -> memref<1x128x16xf32, #tpu.memory_space<vmem>>
    %dma_start3A_125 = tpu.memref_squeeze %dma_start3A_124 : memref<1x128x16xf32, #tpu.memory_space<vmem>> -> memref<128x16xf32, #tpu.memory_space<vmem>>
    %dma_start3A_126 = arith.constant 0 : i32
    %dma_start3A_127 = tpu.memref_slice %arg10[%dma_start3A_121, %dma_start3A_126] : memref<80x128xi32, #tpu.memory_space<vmem>> -> memref<1x128xi32, #tpu.memory_space<vmem>>
    %dma_start3A_128 = tpu.memref_squeeze %dma_start3A_127 : memref<1x128xi32, #tpu.memory_space<vmem>> -> memref<128xi32, #tpu.memory_space<vmem>>
    %dma_start3A_129 = arith.constant 0 : i32
    %dma_start3A_130 = arith.constant 0 : i32
    %dma_start3A_131 = tpu.memref_slice %arg8[%dma_start3A_129, %dma_start3A_130] : memref<10240x16xf32, #tpu.memory_space<vmem_shared>> -> memref<10240x16xf32, #tpu.memory_space<vmem_shared>>
    tpu.enqueue_indirect_dma source(%dma_start3A_125 : memref<128x16xf32, #tpu.memory_space<vmem>>) target(%dma_start3A_131 : memref<10240x16xf32, #tpu.memory_space<vmem_shared>>) offsets(%dma_start3A_128 : memref<128xi32, #tpu.memory_space<vmem>>) semaphore(%arg19 : memref<!tpu.dma_semaphore, #tpu.memory_space<semaphore_mem>>) {add = true}
    %dma_wait3A_132 = arith.constant 0 : i32
    %dma_wait3A_133 = arith.constant 3 : i32
    %dma_wait3A_134 = arith.constant 0 : i32
    %dma_wait3A_135 = arith.constant 0 : i32
    %dma_wait3A_136 = tpu.memref_slice %arg12[%dma_wait3A_133, %dma_wait3A_134, %dma_wait3A_135] : memref<4x128x16xf32, #tpu.memory_space<vmem>> -> memref<1x128x16xf32, #tpu.memory_space<vmem>>
    %dma_wait3A_137 = tpu.memref_squeeze %dma_wait3A_136 : memref<1x128x16xf32, #tpu.memory_space<vmem>> -> memref<128x16xf32, #tpu.memory_space<vmem>>
    %dma_wait3A_138 = arith.constant 0 : i32
    %dma_wait3A_139 = tpu.memref_slice %arg9[%dma_wait3A_132, %dma_wait3A_138] : memref<80x128xi32, #tpu.memory_space<vmem>> -> memref<1x128xi32, #tpu.memory_space<vmem>>
    %dma_wait3A_140 = tpu.memref_squeeze %dma_wait3A_139 : memref<1x128xi32, #tpu.memory_space<vmem>> -> memref<128xi32, #tpu.memory_space<vmem>>
    %dma_wait3A_141 = arith.constant 0 : i32
    %dma_wait3A_142 = arith.constant 0 : i32
    %dma_wait3A_143 = tpu.memref_slice %arg7[%dma_wait3A_141, %dma_wait3A_142] : memref<10240x16xf32, #tpu.memory_space<vmem_shared>> -> memref<10240x16xf32, #tpu.memory_space<vmem_shared>>
    tpu.wait_indirect_dma semaphore(%arg16 : memref<!tpu.dma_semaphore, #tpu.memory_space<semaphore_mem>>) src(%dma_wait3A_143 : memref<10240x16xf32, #tpu.memory_space<vmem_shared>>) dst(%dma_wait3A_137 : memref<128x16xf32, #tpu.memory_space<vmem>>)
    %dma_start3A_144 = arith.constant 3 : i32
    %dma_start3A_145 = arith.constant 79 : i32
    %dma_start3A_146 = arith.constant 0 : i32
    %dma_start3A_147 = arith.constant 0 : i32
    %dma_start3A_148 = tpu.memref_slice %arg12[%dma_start3A_144, %dma_start3A_146, %dma_start3A_147] : memref<4x128x16xf32, #tpu.memory_space<vmem>> -> memref<1x128x16xf32, #tpu.memory_space<vmem>>
    %dma_start3A_149 = tpu.memref_squeeze %dma_start3A_148 : memref<1x128x16xf32, #tpu.memory_space<vmem>> -> memref<128x16xf32, #tpu.memory_space<vmem>>
    %dma_start3A_150 = arith.constant 0 : i32
    %dma_start3A_151 = tpu.memref_slice %arg10[%dma_start3A_145, %dma_start3A_150] : memref<80x128xi32, #tpu.memory_space<vmem>> -> memref<1x128xi32, #tpu.memory_space<vmem>>
    %dma_start3A_152 = tpu.memref_squeeze %dma_start3A_151 : memref<1x128xi32, #tpu.memory_space<vmem>> -> memref<128xi32, #tpu.memory_space<vmem>>
    %dma_start3A_153 = arith.constant 0 : i32
    %dma_start3A_154 = arith.constant 0 : i32
    %dma_start3A_155 = tpu.memref_slice %arg8[%dma_start3A_153, %dma_start3A_154] : memref<10240x16xf32, #tpu.memory_space<vmem_shared>> -> memref<10240x16xf32, #tpu.memory_space<vmem_shared>>
    tpu.enqueue_indirect_dma source(%dma_start3A_149 : memref<128x16xf32, #tpu.memory_space<vmem>>) target(%dma_start3A_155 : memref<10240x16xf32, #tpu.memory_space<vmem_shared>>) offsets(%dma_start3A_152 : memref<128xi32, #tpu.memory_space<vmem>>) semaphore(%arg20 : memref<!tpu.dma_semaphore, #tpu.memory_space<semaphore_mem>>) {add = true}
    %dma_wait3A_156 = arith.constant 0 : i32
    %dma_wait3A_157 = arith.constant 0 : i32
    %dma_wait3A_158 = arith.constant 0 : i32
    %dma_wait3A_159 = arith.constant 0 : i32
    %dma_wait3A_160 = tpu.memref_slice %arg12[%dma_wait3A_156, %dma_wait3A_158, %dma_wait3A_159] : memref<4x128x16xf32, #tpu.memory_space<vmem>> -> memref<1x128x16xf32, #tpu.memory_space<vmem>>
    %dma_wait3A_161 = tpu.memref_squeeze %dma_wait3A_160 : memref<1x128x16xf32, #tpu.memory_space<vmem>> -> memref<128x16xf32, #tpu.memory_space<vmem>>
    %dma_wait3A_162 = arith.constant 0 : i32
    %dma_wait3A_163 = tpu.memref_slice %arg10[%dma_wait3A_157, %dma_wait3A_162] : memref<80x128xi32, #tpu.memory_space<vmem>> -> memref<1x128xi32, #tpu.memory_space<vmem>>
    %dma_wait3A_164 = tpu.memref_squeeze %dma_wait3A_163 : memref<1x128xi32, #tpu.memory_space<vmem>> -> memref<128xi32, #tpu.memory_space<vmem>>
    %dma_wait3A_165 = arith.constant 0 : i32
    %dma_wait3A_166 = arith.constant 0 : i32
    %dma_wait3A_167 = tpu.memref_slice %arg8[%dma_wait3A_165, %dma_wait3A_166] : memref<10240x16xf32, #tpu.memory_space<vmem_shared>> -> memref<10240x16xf32, #tpu.memory_space<vmem_shared>>
    tpu.wait_indirect_dma semaphore(%arg17 : memref<!tpu.dma_semaphore, #tpu.memory_space<semaphore_mem>>) src(%dma_wait3A_161 : memref<128x16xf32, #tpu.memory_space<vmem>>) dst(%dma_wait3A_167 : memref<10240x16xf32, #tpu.memory_space<vmem_shared>>)
    %dma_wait3A_168 = arith.constant 1 : i32
    %dma_wait3A_169 = arith.constant 0 : i32
    %dma_wait3A_170 = arith.constant 0 : i32
    %dma_wait3A_171 = arith.constant 0 : i32
    %dma_wait3A_172 = tpu.memref_slice %arg12[%dma_wait3A_168, %dma_wait3A_170, %dma_wait3A_171] : memref<4x128x16xf32, #tpu.memory_space<vmem>> -> memref<1x128x16xf32, #tpu.memory_space<vmem>>
    %dma_wait3A_173 = tpu.memref_squeeze %dma_wait3A_172 : memref<1x128x16xf32, #tpu.memory_space<vmem>> -> memref<128x16xf32, #tpu.memory_space<vmem>>
    %dma_wait3A_174 = arith.constant 0 : i32
    %dma_wait3A_175 = tpu.memref_slice %arg10[%dma_wait3A_169, %dma_wait3A_174] : memref<80x128xi32, #tpu.memory_space<vmem>> -> memref<1x128xi32, #tpu.memory_space<vmem>>
    %dma_wait3A_176 = tpu.memref_squeeze %dma_wait3A_175 : memref<1x128xi32, #tpu.memory_space<vmem>> -> memref<128xi32, #tpu.memory_space<vmem>>
    %dma_wait3A_177 = arith.constant 0 : i32
    %dma_wait3A_178 = arith.constant 0 : i32
    %dma_wait3A_179 = tpu.memref_slice %arg8[%dma_wait3A_177, %dma_wait3A_178] : memref<10240x16xf32, #tpu.memory_space<vmem_shared>> -> memref<10240x16xf32, #tpu.memory_space<vmem_shared>>
    tpu.wait_indirect_dma semaphore(%arg18 : memref<!tpu.dma_semaphore, #tpu.memory_space<semaphore_mem>>) src(%dma_wait3A_173 : memref<128x16xf32, #tpu.memory_space<vmem>>) dst(%dma_wait3A_179 : memref<10240x16xf32, #tpu.memory_space<vmem_shared>>)
    %dma_wait3A_180 = arith.constant 2 : i32
    %dma_wait3A_181 = arith.constant 0 : i32
    %dma_wait3A_182 = arith.constant 0 : i32
    %dma_wait3A_183 = arith.constant 0 : i32
    %dma_wait3A_184 = tpu.memref_slice %arg12[%dma_wait3A_180, %dma_wait3A_182, %dma_wait3A_183] : memref<4x128x16xf32, #tpu.memory_space<vmem>> -> memref<1x128x16xf32, #tpu.memory_space<vmem>>
    %dma_wait3A_185 = tpu.memref_squeeze %dma_wait3A_184 : memref<1x128x16xf32, #tpu.memory_space<vmem>> -> memref<128x16xf32, #tpu.memory_space<vmem>>
    %dma_wait3A_186 = arith.constant 0 : i32
    %dma_wait3A_187 = tpu.memref_slice %arg10[%dma_wait3A_181, %dma_wait3A_186] : memref<80x128xi32, #tpu.memory_space<vmem>> -> memref<1x128xi32, #tpu.memory_space<vmem>>
    %dma_wait3A_188 = tpu.memref_squeeze %dma_wait3A_187 : memref<1x128xi32, #tpu.memory_space<vmem>> -> memref<128xi32, #tpu.memory_space<vmem>>
    %dma_wait3A_189 = arith.constant 0 : i32
    %dma_wait3A_190 = arith.constant 0 : i32
    %dma_wait3A_191 = tpu.memref_slice %arg8[%dma_wait3A_189, %dma_wait3A_190] : memref<10240x16xf32, #tpu.memory_space<vmem_shared>> -> memref<10240x16xf32, #tpu.memory_space<vmem_shared>>
    tpu.wait_indirect_dma semaphore(%arg19 : memref<!tpu.dma_semaphore, #tpu.memory_space<semaphore_mem>>) src(%dma_wait3A_185 : memref<128x16xf32, #tpu.memory_space<vmem>>) dst(%dma_wait3A_191 : memref<10240x16xf32, #tpu.memory_space<vmem_shared>>)
    %dma_wait3A_192 = arith.constant 3 : i32
    %dma_wait3A_193 = arith.constant 0 : i32
    %dma_wait3A_194 = arith.constant 0 : i32
    %dma_wait3A_195 = arith.constant 0 : i32
    %dma_wait3A_196 = tpu.memref_slice %arg12[%dma_wait3A_192, %dma_wait3A_194, %dma_wait3A_195] : memref<4x128x16xf32, #tpu.memory_space<vmem>> -> memref<1x128x16xf32, #tpu.memory_space<vmem>>
    %dma_wait3A_197 = tpu.memref_squeeze %dma_wait3A_196 : memref<1x128x16xf32, #tpu.memory_space<vmem>> -> memref<128x16xf32, #tpu.memory_space<vmem>>
    %dma_wait3A_198 = arith.constant 0 : i32
    %dma_wait3A_199 = tpu.memref_slice %arg10[%dma_wait3A_193, %dma_wait3A_198] : memref<80x128xi32, #tpu.memory_space<vmem>> -> memref<1x128xi32, #tpu.memory_space<vmem>>
    %dma_wait3A_200 = tpu.memref_squeeze %dma_wait3A_199 : memref<1x128xi32, #tpu.memory_space<vmem>> -> memref<128xi32, #tpu.memory_space<vmem>>
    %dma_wait3A_201 = arith.constant 0 : i32
    %dma_wait3A_202 = arith.constant 0 : i32
    %dma_wait3A_203 = tpu.memref_slice %arg8[%dma_wait3A_201, %dma_wait3A_202] : memref<10240x16xf32, #tpu.memory_space<vmem_shared>> -> memref<10240x16xf32, #tpu.memory_space<vmem_shared>>
    tpu.wait_indirect_dma semaphore(%arg20 : memref<!tpu.dma_semaphore, #tpu.memory_space<semaphore_mem>>) src(%dma_wait3A_197 : memref<128x16xf32, #tpu.memory_space<vmem>>) dst(%dma_wait3A_203 : memref<10240x16xf32, #tpu.memory_space<vmem_shared>>)
    %barrier3A_204 = arith.constant 0 : index
    tpu.barrier barrier_id(%barrier3A_204)
    "tpu.region"() ({
      %run_scoped3A = tpu.sem_alloc : memref<!tpu.dma_semaphore, #tpu.memory_space<semaphore_mem>>
      %dma_start3A_205 = arith.constant 0 : i32
      %dma_start3A_206 = tpu.memref_slice %arg6[%arg0, %mul3A_2, %dma_start3A_205] : memref<2x10240x16xf32, #tpu.memory_space<hbm>> -> memref<1x640x16xf32, #tpu.memory_space<hbm>>
      %dma_start3A_207 = tpu.memref_squeeze %dma_start3A_206 : memref<1x640x16xf32, #tpu.memory_space<hbm>> -> memref<640x16xf32, #tpu.memory_space<hbm>>
      %dma_start3A_208 = arith.constant 0 : i32
      %dma_start3A_209 = tpu.memref_slice %arg8[%mul3A_2, %dma_start3A_208] : memref<10240x16xf32, #tpu.memory_space<vmem_shared>> -> memref<640x16xf32, #tpu.memory_space<vmem_shared>>
      tpu.enqueue_dma source(%dma_start3A_209 : memref<640x16xf32, #tpu.memory_space<vmem_shared>>) target(%dma_start3A_207 : memref<640x16xf32, #tpu.memory_space<hbm>>) target_semaphore(%run_scoped3A : memref<!tpu.dma_semaphore, #tpu.memory_space<semaphore_mem>>)
      %dma_wait3A_210 = arith.constant 0 : i32
      %dma_wait3A_211 = tpu.memref_slice %arg6[%arg0, %mul3A_2, %dma_wait3A_210] : memref<2x10240x16xf32, #tpu.memory_space<hbm>> -> memref<1x640x16xf32, #tpu.memory_space<hbm>>
      %dma_wait3A_212 = tpu.memref_squeeze %dma_wait3A_211 : memref<1x640x16xf32, #tpu.memory_space<hbm>> -> memref<640x16xf32, #tpu.memory_space<hbm>>
      %dma_wait3A_213 = arith.constant 0 : i32
      %dma_wait3A_214 = tpu.memref_slice %arg8[%mul3A_2, %dma_wait3A_213] : memref<10240x16xf32, #tpu.memory_space<vmem_shared>> -> memref<640x16xf32, #tpu.memory_space<vmem_shared>>
      tpu.wait_dma2 semaphore(%run_scoped3A : memref<!tpu.dma_semaphore, #tpu.memory_space<semaphore_mem>>) src(%dma_wait3A_214 : memref<640x16xf32, #tpu.memory_space<vmem_shared>>) dst(%dma_wait3A_212 : memref<640x16xf32, #tpu.memory_space<hbm>>)
      tpu.yield
    }) : () -> ()
    return
  }
}

module attributes {stable_mosaic.version = 14 : i64} {
  func.func @_mm_kernel(%arg0: i32, %arg1: memref<1000x128xf32, #tpu.memory_space<vmem>>, %arg2: memref<128x16xf32, #tpu.memory_space<vmem>>, %arg3: memref<1000x16xf32, #tpu.memory_space<vmem>>) attributes {dimension_semantics = [#tpu.dimension_semantics<arbitrary>], iteration_bounds = array<i64: 10>, scalar_prefetch = 0 : i64, scratch_operands = 0 : i64, tpu.core_type = #tpu.core_type<tc>, window_params = [{transform_indices = @transform_0, window_bounds = array<i64: 1000, 128>}, {pipeline_mode = #tpu.pipeline_mode<synchronous>, transform_indices = @transform_1, window_bounds = array<i64: 128, 16>}, {transform_indices = @transform_2, window_bounds = array<i64: 1000, 16>}]} {
    %get3A = arith.constant 0 : index
    %get3A_0 = arith.constant 0 : index
    %get3A_1 = vector.load %arg1[%get3A, %get3A_0] : memref<1000x128xf32, #tpu.memory_space<vmem>>, vector<1000x128xf32>
    %get3A_2 = arith.constant 0 : index
    %get3A_3 = arith.constant 0 : index
    %get3A_4 = vector.load %arg2[%get3A_2, %get3A_3] : memref<128x16xf32, #tpu.memory_space<vmem>>, vector<128x16xf32>
    %dot_general3A = arith.constant dense<0.000000e+00> : vector<1000x16xf32>
    %dot_general3A_5 = tpu.matmul %get3A_1, %get3A_4, %dot_general3A {dimension_numbers = #tpu.dot_dimension_numbers<[1], [0], [0], [1], [0, 0, 1, 1], [], []>, precision = #tpu.contract_precision<fp32>, transpose_lhs_hint = false} : vector<1000x128xf32>, vector<128x16xf32>, vector<1000x16xf32> -> vector<1000x16xf32>
    %swap3A = arith.constant 0 : index
    %swap3A_6 = arith.constant 0 : index
    %swap3A_7 = vector.load %arg3[%swap3A, %swap3A_6] : memref<1000x16xf32, #tpu.memory_space<vmem>>, vector<1000x16xf32>
    tpu.vector_store %arg3[%swap3A, %swap3A_6], %dot_general3A_5 {strides = array<i32>} : memref<1000x16xf32, #tpu.memory_space<vmem>>, vector<1000x16xf32>,
    return
  }
  func.func @transform_0(%arg0: i32) -> (i32, i32) {
    %c0_i32 = arith.constant 0 : i32
    %c0_i32_0 = arith.constant 0 : i32
    return %arg0, %c0_i32 : i32, i32
  }
  func.func @transform_1(%arg0: i32) -> (i32, i32) {
    %c0_i32 = arith.constant 0 : i32
    %c0_i32_0 = arith.constant 0 : i32
    %c0_i32_1 = arith.constant 0 : i32
    return %c0_i32, %c0_i32_0 : i32, i32
  }
  func.func @transform_2(%arg0: i32) -> (i32, i32) {
    %c0_i32 = arith.constant 0 : i32
    %c0_i32_0 = arith.constant 0 : i32
    return %arg0, %c0_i32 : i32, i32
  }
}

module attributes {stable_mosaic.version = 14 : i64} {
  func.func @_mid_kernel(%arg0: i32, %arg1: memref<1x1000x16xf32, #tpu.memory_space<vmem>>, %arg2: memref<1x1000x16xf32, #tpu.memory_space<vmem>>, %arg3: memref<1000x16xf32, #tpu.memory_space<vmem>>, %arg4: memref<1x16xf32, #tpu.memory_space<vmem>>, %arg5: memref<1000x16xf32, #tpu.memory_space<vmem>>) attributes {dimension_semantics = [#tpu.dimension_semantics<arbitrary>], iteration_bounds = array<i64: 10>, scalar_prefetch = 0 : i64, scratch_operands = 0 : i64, tpu.core_type = #tpu.core_type<tc>, window_params = [{transform_indices = @transform_0, window_bounds = array<i64: 1, 1000, 16>}, {transform_indices = @transform_1, window_bounds = array<i64: 1, 1000, 16>}, {transform_indices = @transform_2, window_bounds = array<i64: 1000, 16>}, {pipeline_mode = #tpu.pipeline_mode<synchronous>, transform_indices = @transform_3, window_bounds = array<i64: 1, 16>}, {transform_indices = @transform_4, window_bounds = array<i64: 1000, 16>}]} {
    %get3A = arith.constant 0 : index
    %get3A_0 = arith.constant 0 : index
    %get3A_1 = vector.load %arg3[%get3A, %get3A_0] : memref<1000x16xf32, #tpu.memory_space<vmem>>, vector<1000x16xf32>
    %get3A_2 = arith.constant 0 : index
    %get3A_3 = arith.constant 0 : index
    %get3A_4 = arith.constant 0 : index
    %get3A_5 = vector.load %arg1[%get3A_2, %get3A_3, %get3A_4] : memref<1x1000x16xf32, #tpu.memory_space<vmem>>, vector<1x1000x16xf32>
    %get3A_6 = vector.shape_cast %get3A_5 : vector<1x1000x16xf32> to vector<1000x16xf32>
    %get3A_7 = arith.constant 0 : index
    %get3A_8 = arith.constant 0 : index
    %get3A_9 = arith.constant 0 : index
    %get3A_10 = vector.load %arg2[%get3A_7, %get3A_8, %get3A_9] : memref<1x1000x16xf32, #tpu.memory_space<vmem>>, vector<1x1000x16xf32>
    %get3A_11 = vector.shape_cast %get3A_10 : vector<1x1000x16xf32> to vector<1000x16xf32>
    %add3A = arith.addf %get3A_6, %get3A_11 : vector<1000x16xf32>
    %mul3A = arith.mulf %get3A_1, %add3A : vector<1000x16xf32>
    %get3A_12 = arith.constant 0 : index
    %get3A_13 = arith.constant 0 : index
    %get3A_14 = vector.load %arg4[%get3A_12, %get3A_13] : memref<1x16xf32, #tpu.memory_space<vmem>>, vector<1x16xf32>
    %add3A_15 = vector.broadcast %get3A_14 : vector<1x16xf32> to vector<1000x16xf32>
    %add3A_16 = arith.addf %mul3A, %add3A_15 : vector<1000x16xf32>
    %max3A = arith.constant 0.000000e+00 : f32
    %max3A_17 = vector.broadcast %max3A : f32 to vector<1000x16xf32>
    %max3A_18 = arith.maximumf %add3A_16, %max3A_17 : vector<1000x16xf32>
    %mul3A_19 = arith.mulf %max3A_18, %get3A_1 : vector<1000x16xf32>
    %swap3A = arith.constant 0 : index
    %swap3A_20 = arith.constant 0 : index
    %swap3A_21 = vector.load %arg5[%swap3A, %swap3A_20] : memref<1000x16xf32, #tpu.memory_space<vmem>>, vector<1000x16xf32>
    tpu.vector_store %arg5[%swap3A, %swap3A_20], %mul3A_19 {strides = array<i32>} : memref<1000x16xf32, #tpu.memory_space<vmem>>, vector<1000x16xf32>,
    return
  }
  func.func @transform_0(%arg0: i32) -> (i32, i32, i32) {
    %c0_i32 = arith.constant 0 : i32
    %c0_i32_0 = arith.constant 0 : i32
    %c0_i32_1 = arith.constant 0 : i32
    return %c0_i32, %arg0, %c0_i32_0 : i32, i32, i32
  }
  func.func @transform_1(%arg0: i32) -> (i32, i32, i32) {
    %c1_i32 = arith.constant 1 : i32
    %c0_i32 = arith.constant 0 : i32
    %c0_i32_0 = arith.constant 0 : i32
    return %c1_i32, %arg0, %c0_i32 : i32, i32, i32
  }
  func.func @transform_2(%arg0: i32) -> (i32, i32) {
    %c0_i32 = arith.constant 0 : i32
    %c0_i32_0 = arith.constant 0 : i32
    return %arg0, %c0_i32 : i32, i32
  }
  func.func @transform_3(%arg0: i32) -> (i32, i32) {
    %c0_i32 = arith.constant 0 : i32
    %c0_i32_0 = arith.constant 0 : i32
    %c0_i32_1 = arith.constant 0 : i32
    return %c0_i32, %c0_i32_0 : i32, i32
  }
  func.func @transform_4(%arg0: i32) -> (i32, i32) {
    %c0_i32 = arith.constant 0 : i32
    %c0_i32_0 = arith.constant 0 : i32
    return %arg0, %c0_i32 : i32, i32
  }
}

module attributes {stable_mosaic.version = 14 : i64} {
  func.func @_post_kernel(%arg0: i32, %arg1: memref<1x1000x16xf32, #tpu.memory_space<vmem>>, %arg2: memref<1x1000x16xf32, #tpu.memory_space<vmem>>, %arg3: memref<1000x16xf32, #tpu.memory_space<vmem>>, %arg4: memref<1x40xf32, #tpu.memory_space<vmem>>, %arg5: memref<16x40xf32, #tpu.memory_space<vmem>>, %arg6: memref<1000x40xf32, #tpu.memory_space<vmem>>) attributes {dimension_semantics = [#tpu.dimension_semantics<arbitrary>], iteration_bounds = array<i64: 10>, scalar_prefetch = 0 : i64, scratch_operands = 0 : i64, tpu.core_type = #tpu.core_type<tc>, window_params = [{transform_indices = @transform_0, window_bounds = array<i64: 1, 1000, 16>}, {transform_indices = @transform_1, window_bounds = array<i64: 1, 1000, 16>}, {transform_indices = @transform_2, window_bounds = array<i64: 1000, 16>}, {pipeline_mode = #tpu.pipeline_mode<synchronous>, transform_indices = @transform_3, window_bounds = array<i64: 1, 40>}, {pipeline_mode = #tpu.pipeline_mode<synchronous>, transform_indices = @transform_4, window_bounds = array<i64: 16, 40>}, {transform_indices = @transform_5, window_bounds = array<i64: 1000, 40>}]} {
    %get3A = arith.constant 0 : index
    %get3A_0 = arith.constant 0 : index
    %get3A_1 = vector.load %arg3[%get3A, %get3A_0] : memref<1000x16xf32, #tpu.memory_space<vmem>>, vector<1000x16xf32>
    %get3A_2 = arith.constant 0 : index
    %get3A_3 = arith.constant 0 : index
    %get3A_4 = arith.constant 0 : index
    %get3A_5 = vector.load %arg1[%get3A_2, %get3A_3, %get3A_4] : memref<1x1000x16xf32, #tpu.memory_space<vmem>>, vector<1x1000x16xf32>
    %get3A_6 = vector.shape_cast %get3A_5 : vector<1x1000x16xf32> to vector<1000x16xf32>
    %get3A_7 = arith.constant 0 : index
    %get3A_8 = arith.constant 0 : index
    %get3A_9 = arith.constant 0 : index
    %get3A_10 = vector.load %arg2[%get3A_7, %get3A_8, %get3A_9] : memref<1x1000x16xf32, #tpu.memory_space<vmem>>, vector<1x1000x16xf32>
    %get3A_11 = vector.shape_cast %get3A_10 : vector<1x1000x16xf32> to vector<1000x16xf32>
    %add3A = arith.addf %get3A_6, %get3A_11 : vector<1000x16xf32>
    %mul3A = arith.mulf %get3A_1, %add3A : vector<1000x16xf32>
    %get3A_12 = arith.constant 0 : index
    %get3A_13 = arith.constant 0 : index
    %get3A_14 = vector.load %arg5[%get3A_12, %get3A_13] : memref<16x40xf32, #tpu.memory_space<vmem>>, vector<16x40xf32>
    %dot_general3A = arith.constant dense<0.000000e+00> : vector<1000x40xf32>
    %dot_general3A_15 = tpu.matmul %mul3A, %get3A_14, %dot_general3A {dimension_numbers = #tpu.dot_dimension_numbers<[1], [0], [0], [1], [0, 0, 1, 1], [], []>, precision = #tpu.contract_precision<fp32>, transpose_lhs_hint = false} : vector<1000x16xf32>, vector<16x40xf32>, vector<1000x40xf32> -> vector<1000x40xf32>
    %get3A_16 = arith.constant 0 : index
    %get3A_17 = arith.constant 0 : index
    %get3A_18 = vector.load %arg4[%get3A_16, %get3A_17] : memref<1x40xf32, #tpu.memory_space<vmem>>, vector<1x40xf32>
    %add3A_19 = vector.broadcast %get3A_18 : vector<1x40xf32> to vector<1000x40xf32>
    %add3A_20 = arith.addf %dot_general3A_15, %add3A_19 : vector<1000x40xf32>
    %reduce_max3A = arith.constant dense<0xFF800000> : vector<1000xf32>
    %reduce_max3A_21 = vector.multi_reduction <maximumf>, %add3A_20, %reduce_max3A [1] : vector<1000x40xf32> to vector<1000xf32>
    %broadcast_in_dim3A = vector.shape_cast %reduce_max3A_21 : vector<1000xf32> to vector<1000x1xf32>
    %sub3A = vector.broadcast %broadcast_in_dim3A : vector<1000x1xf32> to vector<1000x40xf32>
    %sub3A_22 = arith.subf %add3A_20, %sub3A : vector<1000x40xf32>
    %exp3A = math.exp %sub3A_22 : vector<1000x40xf32>
    %reduce_sum3A = arith.constant dense<0.000000e+00> : vector<1000xf32>
    %reduce_sum3A_23 = vector.multi_reduction <add>, %exp3A, %reduce_sum3A [1] : vector<1000x40xf32> to vector<1000xf32>
    %broadcast_in_dim3A_24 = vector.shape_cast %reduce_sum3A_23 : vector<1000xf32> to vector<1000x1xf32>
    %log3A = math.log %broadcast_in_dim3A_24 : vector<1000x1xf32>
    %sub3A_25 = vector.broadcast %log3A : vector<1000x1xf32> to vector<1000x40xf32>
    %sub3A_26 = arith.subf %sub3A_22, %sub3A_25 : vector<1000x40xf32>
    %swap3A = arith.constant 0 : index
    %swap3A_27 = arith.constant 0 : index
    %swap3A_28 = vector.load %arg6[%swap3A, %swap3A_27] : memref<1000x40xf32, #tpu.memory_space<vmem>>, vector<1000x40xf32>
    tpu.vector_store %arg6[%swap3A, %swap3A_27], %sub3A_26 {strides = array<i32>} : memref<1000x40xf32, #tpu.memory_space<vmem>>, vector<1000x40xf32>,
    return
  }
  func.func @transform_0(%arg0: i32) -> (i32, i32, i32) {
    %c0_i32 = arith.constant 0 : i32
    %c0_i32_0 = arith.constant 0 : i32
    %c0_i32_1 = arith.constant 0 : i32
    return %c0_i32, %arg0, %c0_i32_0 : i32, i32, i32
  }
  func.func @transform_1(%arg0: i32) -> (i32, i32, i32) {
    %c1_i32 = arith.constant 1 : i32
    %c0_i32 = arith.constant 0 : i32
    %c0_i32_0 = arith.constant 0 : i32
    return %c1_i32, %arg0, %c0_i32 : i32, i32, i32
  }
  func.func @transform_2(%arg0: i32) -> (i32, i32) {
    %c0_i32 = arith.constant 0 : i32
    %c0_i32_0 = arith.constant 0 : i32
    return %arg0, %c0_i32 : i32, i32
  }
  func.func @transform_3(%arg0: i32) -> (i32, i32) {
    %c0_i32 = arith.constant 0 : i32
    %c0_i32_0 = arith.constant 0 : i32
    %c0_i32_1 = arith.constant 0 : i32
    return %c0_i32, %c0_i32_0 : i32, i32
  }
  func.func @transform_4(%arg0: i32) -> (i32, i32) {
    %c0_i32 = arith.constant 0 : i32
    %c0_i32_0 = arith.constant 0 : i32
    %c0_i32_1 = arith.constant 0 : i32
    return %c0_i32, %c0_i32_0 : i32, i32
  }
  func.func @transform_5(%arg0: i32) -> (i32, i32) {
    %c0_i32 = arith.constant 0 : i32
    %c0_i32_0 = arith.constant 0 : i32
    return %arg0, %c0_i32 : i32, i32
  }
}

</mosaic_0001>

<sc_bundles>
// kernel: kernel.10.cloned.1.call-start
scs
__scs_entry_jumppad:
0x0: {  	(pc) =	sbr.rel $0x88, $3  }
0x1: {  	(tag) =	ssettag $0x0;
	lr =	simm.s32 $0x1  }
0x2: {  	[smem:$0x3F9B] =	sst lr;
	_ =	strace $0xD0000000  }
0x3: {  	_ = 	snop  }
0x4: {  	_ = 	snop  }
0x5: {  	_ = 	snop  }
0x6: {  	_ = 	snop  }
0x7: {  	_ = 	snop  }
__scs_overlays_trampoline_lowered:
0x8: {  	[smem:$0x3FAA] =	sst s0  }
0x9: {  	[smem:$0x3FAB] =	sst s1  }
0xa: {  	[smem:$0x3FAC] =	sst s2  }
0xb: {  	[smem:$0x3FAD] =	sst s3  }
0xc: {  	[smem:$0x3FAE] =	sst s4  }
0xd: {  	[smem:$0x3FAF] =	sst s5  }
0xe: {  	[smem:$0x3FB0] =	sst s6  }
0xf: {  	[smem:$0x3FB1] =	sst s7  }
0x10: {  	[smem:$0x3FB2] =	sst s8  }
0x11: {  	[smem:$0x3FB3] =	sst s9;
	s0 =	simm.s32 @!p0 $0x0  }
0x12: {  	s1 =	sld [smem:$0x3F99];
	s0 =	simm.s32 @p0 $0x1  }
0x13: {  	[smem:$0x3FB4] =	sst s0;
	s0 =	simm.s32 @!p1 $0x0  }
0x14: {  	s2 =	sld [smem:$0x3F98];
	s0 =	simm.s32 @p1 $0x1  }
0x15: {  	[smem:$0x3FB5] =	sst s0;
	s0 =	simm.s32 @!p2 $0x0  }
0x16: {  	s3 =	sld [smem:$0x3FDB];
	s0 =	simm.s32 @p2 $0x1  }
0x17: {  	s4 =	simm.s32 $0x1BF5;
	[smem:$0x3FB7] =	sst s0  }
0x18: {  	s0 =	sld [smem:$0x3F9A];
	_ =	swait.ge [sflag:s4], $0x0  }
0x19: {  	s7 =	sld [smem:$0x3F9B]  }
0x1a: {  	s8 =	sadd.s32 $0xFFFFE003, lr  }
0x1b: {  	s9 =	sadd.s32 $0xFFFFFEF7, lr;
	s5 =	simm.s32 $0xFFFFFFFF;
	p2 =	slt.u32 s8, $0xFFFFF086  }
0x1c: {  	p1 =	slt.u32 s9, $0xF7A;
	s5 =	simm.s32 @!p2 $0x0  }
0x1d: {  	s5 =	simm.s32 @p1 $0x1;
	p0 =	seq.s32 s7, s2  }
0x1e: {  	s7 =	smul.u32 @!p0 $0xF7A, s2;
	p2 =	seq.s32 @!p0 s5, $0x0  }
0x1f: {  	s9 =	smul.u32 $0xF7A, s1;
	s8 =	simm.s32 @!p0 $0x1BF5;
	p2 =	por !p2, p0  }
0x20: {  	[sflag:s8] =	ssyncset.s32 @!p0 $0xFFFFF086;
	s6 =	sadd.s32 @!p0 s3, s7;
	s7 =	simm.s32 @!p0 $0x108  }
0x21: {  	s3 =	sadd.s32 s3, s9;
	s6 =	sadd.s32 @!p0 $0x88, s6;
	s7 =	simm.s32 @p2 $0x1082  }
0x22: {  	[simem:s7], [sflag:s8] =	dma.local @!p0 [hbm:s6], $0xF7A  }
0x23: {  	s9 =	sor.u32 $0xD0000000, s2;
	s6 =	simm.s32 $0x108;
	_ =	swait.ge @!p0 [sflag:s8], $0x0  }
0x24: {  	s3 =	sadd.s32 $0x88, s3;
	s6 =	simm.s32 @!p1 $0x1082;
	[sflag:s4] =	ssyncset.s32 $0xFFFFF086  }
0x25: {  	[simem:s6], [sflag:s4] =	dma.local [hbm:s3], $0xF7A  }
0x26: {  	[smem:$0x3F9B] =	sst s1;
	(tag) =	ssettag s2;
	_ =	strace s9  }
0x27: {  	s1 =	sld [smem:$0x3FAB]  }
0x28: {  	s2 =	sld [smem:$0x3FAC]  }
0x29: {  	s4 =	sld [smem:$0x3FAE]  }
0x2a: {  	p0 =	seq.s32 s5, $0x0;
	s5 =	sld [smem:$0x3FAF]  }
0x2b: {  	s6 =	sld [smem:$0x3FB0]  }
0x2c: {  	s7 =	sld [smem:$0x3FB1]  }
0x2d: {  	s3 =	simm.s32 $0x108;
	s8 =	sld [smem:$0x3FB2]  }
0x2e: {  	s3 =	simm.s32 @!p0 $0x1082;
	s9 =	sld [smem:$0x3FB3]  }
0x2f: {  	lr =	sadd.s32 s0, s3;
	s0 =	sld [smem:$0x3FAA]  }
0x30: {  	s3 =	sld [smem:$0x3FAD]  }
0x31: {  	[smem:$0x3FB6] =	sst s10  }
0x32: {  	s10 =	sld [smem:$0x3FB4];
	_ =	sdelay $0x3  }
0x33: {  	p0 =	seq.s32 s10, $0x1;
	s10 =	sld [smem:$0x3FB6];
	_ =	sdelay $0x3  }
0x34: {  	[smem:$0x3FB6] =	sst s10  }
0x35: {  	s10 =	sld [smem:$0x3FB5];
	_ =	sdelay $0x3  }
0x36: {  	p1 =	seq.s32 s10, $0x1;
	s10 =	sld [smem:$0x3FB6];
	_ =	sdelay $0x3  }
0x37: {  	[smem:$0x3FB6] =	sst s10  }
0x38: {  	s10 =	sld [smem:$0x3FB7]  }
0x39: {  	_ = 	snop;
	(pc) =	sbr.ind lr, $3  }
0x3a: {  	_ = 	snop  }
0x3b: {  	_ = 	snop  }
0x3c: {  	p2 =	seq.s32 s10, $0x1;
	s10 =	sld [smem:$0x3FB6]  }
0x3d: {  	_ =	shalt  }
0x3e: {  	_ =	shalt  }
0x3f: {  	_ =	shalt  }
0x40: {  	_ =	shalt  }
0x41: {  	_ =	shalt  }
0x42: {  	_ =	shalt  }
0x43: {  	_ =	shalt  }
0x44: {  	_ =	shalt  }
0x45: {  	_ =	shalt  }
0x46: {  	_ =	shalt  }
0x47: {  	_ =	shalt  }
0x48: {  	_ =	shalt  }
0x49: {  	_ =	shalt  }
0x4a: {  	_ =	shalt  }
0x4b: {  	_ =	shalt  }
0x4c: {  	_ =	shalt  }
0x4d: {  	_ =	shalt  }
0x4e: {  	_ =	shalt  }
0x4f: {  	_ =	shalt  }
0x50: {  	_ =	shalt  }
0x51: {  	_ =	shalt  }
0x52: {  	_ =	shalt  }
0x53: {  	_ =	shalt  }
0x54: {  	_ =	shalt  }
0x55: {  	_ =	shalt  }
0x56: {  	_ =	shalt  }
0x57: {  	_ =	shalt  }
0x58: {  	_ =	shalt  }
0x59: {  	_ =	shalt  }
0x5a: {  	_ =	shalt  }
0x5b: {  	_ =	shalt  }
0x5c: {  	_ =	shalt  }
0x5d: {  	_ =	shalt  }
0x5e: {  	_ =	shalt  }
0x5f: {  	_ =	shalt  }
0x60: {  	_ =	shalt  }
0x61: {  	_ =	shalt  }
0x62: {  	_ =	shalt  }
0x63: {  	_ =	shalt  }
0x64: {  	_ =	shalt  }
0x65: {  	_ =	shalt  }
0x66: {  	_ =	shalt  }
0x67: {  	_ =	shalt  }
0x68: {  	_ =	shalt  }
0x69: {  	_ =	shalt  }
0x6a: {  	_ =	shalt  }
0x6b: {  	_ =	shalt  }
0x6c: {  	_ =	shalt  }
0x6d: {  	_ =	shalt  }
0x6e: {  	_ =	shalt  }
0x6f: {  	_ =	shalt  }
0x70: {  	_ =	shalt  }
0x71: {  	_ =	shalt  }
0x72: {  	_ =	shalt  }
0x73: {  	_ =	shalt  }
0x74: {  	_ =	shalt  }
0x75: {  	_ =	shalt  }
0x76: {  	_ =	shalt  }
0x77: {  	_ =	shalt  }
0x78: {  	_ =	shalt  }
0x79: {  	_ =	shalt  }
0x7a: {  	_ =	shalt  }
0x7b: {  	_ =	shalt  }
0x7c: {  	_ =	shalt  }
0x7d: {  	_ =	shalt  }
0x7e: {  	_ =	shalt  }
0x7f: {  	_ =	shalt  }
0x80: {  	_ =	shalt  }
0x81: {  	_ =	shalt  }
0x82: {  	_ =	shalt  }
0x83: {  	_ =	shalt  }
0x84: {  	_ =	shalt  }
0x85: {  	_ =	shalt  }
0x86: {  	_ =	shalt  }
0x87: {  	_ =	shalt  }
.Lfunc_end0:
.L_simem_size_0:
called_computation.1_lowered:
.L_overlay_start_0:
0x88: {  	s2 =	sld [smem:$0x3FD9]  }
0x89: {  	s3 =	sld [smem:$0x3FFE];
	_ =	sdelay $0x1  }
0x8a: {  	s1 =	srdreg.scid  }
0x8b: {  	s0 =	sand.u32 $0x1, s1  }
0x8c: {  	s17 =	sshll.u32 s0, $0xA;
	s2 =	sadd.s32 s3, s2  }
0x8d: {  	s2 =	sadd.s32 s2, s17  }
0x8e: {  	[smem:$0x3FC2] =	sst s2  }
0x8f: {  	_ = 	snop  }
0x90: {  	s2 =	sld [smem:$0x3FD0];
	(tm) =	ssettm $0x1  }
0x91: {  	s18 =	sld [smem:$0x3FFB];
	_ =	sdelay $0x3  }
0x92: {  	_ =	strace s18  }
0x93: {  	s3 =	sld [smem:$0x3FFC];
	_ =	sdelay $0x3  }
0x94: {  	_ =	strace s3  }
0x95: {  	s3 =	sld [smem:$0x3FFD];
	_ =	sdelay $0x3  }
0x96: {  	_ =	strace s3  }
0x97: {  	_ =	strace $0x8FFFFFFF  }
0x98: {  	s19 =	sld [smem:$0x3FDB];
	_ =	sdelay $0x1  }
0x99: {  	s4 =	simm.s32 $_scs_section_size  }
0x9a: {  	s5 =	simm.s32 $_size__tile_overlayer_lowered;
	s6 =	simm.s32 $_tile_overlayer_lowered  }
0x9b: {  	s22 =	simm.s32 $0x1BFF;
	s21 =	sshll.u32 s6, $0x1;
	s3 =	sadd.s32 s4, s19  }
0x9c: {  	s7 =	simm.s32 $0x0;
	s20 =	sshll.u32 s5, $0x1;
	s5 =	sadd.s32 s21, s3  }
0x9d: {  	[timem:s7], [sflag:s22] =	dma.local [hbm:s5], s20  }
0x9e: {  	_ =	swait.ge [sflag:s22], s20  }
0x9f: {  	s4 =	ssub.s32 $0x0, s20;
	[sflag:s22] =	ssyncset.done $0x0  }
0xa0: {  	[sflag:s22] =	ssyncadd.s32 s4;
	_ =	sdelay $0x1  }
0xa1: {  	s23 =	simm.s32 $0x1B8B  }
0xa2: {  	_ =	swait.ge [sflag:s23], $0x1  }
0xa3: {  	[sflag:s23] =	ssyncset.done $0x0  }
0xa4: {  	s25 =	simm.s32 $0x1B8E;
	s24 =	sld [smem:$0x3FFE];
	[sflag:s23] =	ssyncadd.s32 $0xFFFFFFFF  }
0xa5: {  	s26 =	simm.s32 $execute0_lowered;
	[smem:$0x3FD2] =	sst s25  }
0xa6: {  	s5 =	sshll.u32 s26, $0x1;
	_ =	strace $0x80000049;
	[dreg:$0x1] =	wrdreg $0xFFFFFFFF  }
0xa7: {  	s28 =	simm.s32 $_size_execute0_lowered;
	s3 =	sadd.s32 s3, s5;
	[dreg:$0x0] =	wrdreg $0x0  }
0xa8: {  	s5 =	sshll.u32 s28, $0x1;
	[dreg:$0x2] =	wrdreg s3  }
0xa9: {  	[dreg:$0x3] =	wrdreg s5  }
0xaa: {  	[dreg:$0x4] =	wrdreg $0xC0  }
0xab: {  	_ =	task [dreg:s7], $0x5FFFF  }
0xac: {  	[dreg:$0x1] =	wrdreg $0xFFFFFFFF  }
0xad: {  	[dreg:$0x0] =	wrdreg $0x60  }
0xae: {  	[dreg:$0x2] =	wrdreg s24  }
0xaf: {  	[dreg:$0x3] =	wrdreg s2  }
0xb0: {  	[dreg:$0x4] =	wrdreg $0x0  }
0xb1: {  	[dreg:$0x5] =	wrdreg $0x28000  }
0xb2: {  	[dreg:$0x6] =	wrdreg $0x9  }
0xb3: {  	_ =	task.clear_ibuf [dreg:s7], $0x7FFFF;
	_ =	strace $0x90000049  }
0xb4: {  	s29 =	simm.s32 $0x9;
	_ =	strace $0x8000004B  }
0xb5: {  	_ =	swait.ge [sflag:s29], $0x1  }
0xb6: {  	[sflag:s29] =	ssyncadd.s32 $0xFFFFFFFF  }
0xb7: {  	_ =	strace $0x9000004B  }
0xb8: {  	_ =	sfence  }
0xb9: {  	s30 =	sld [smem:$0x0];
	_ =	sdelay $0x2  }
0xba: {  	s31 =	sshll.u32 s1, $0xD;
	s1 =	sshrl.u32 s1, $0x2  }
0xbb: {  	s3 =	sand.u32 $0x4000, s31;
	s1 =	sadd.s32 s1, s30  }
0xbc: {  	s0 =	sor.u32 s3, s0;
	s1 =	sshll.u32 s1, $0x11  }
0xbd: {  	s0 =	sor.u32 s1, s0  }
0xbe: {  	s0 =	sadd.s32 $0x8F2B, s0  }
0xbf: {  	[sflag:s0] =	ssyncadd.remote.s32 $0x1  }
0xc0: {  	_ =	sfence.sel $0xFFFF  }
0xc1: {  	[dreg:$0x0] =	wrdreg $0xFFFFFFFF;
	(pc) =	sbr.abs _section_cstart, $3  }
0xc2: {  	[dreg:$0x1] =	wrdreg $0xFFFFFFFF  }
0xc3: {  	_ =	task.clear_ibuf [dreg:s7], $0x2FFFF;
	_ =	strace $0x9FFFFFFF  }
0xc4: {  	(tm) =	ssettm $0x7FFFFFFF  }
0xc5: {  	_ =	shalt  }
tec
execute0_lowered:
.L_overlay_start_1:
0x0: {  	(tag) =	ssettag $0x1  }
0x1: {  	s0 =	srdreg.scid;
	s1 =	rddreg [dreg:$0x0]  }
0x2: {  	s5 =	rddreg [dreg:$0x1];
	s15 =	stileid.u32  }
0x3: {  	s2 =	rddreg [dreg:$0x2];
	s13 =	simm.s32 $0x5000;
	s14 =	simm.s32 $0x9  }
0x4: {  	s16 =	simm.s32 $0xA000;
	s19 =	simm.s32 $0x80;
	s20 =	simm.s32 $0xC800  }
0x5: {  	s22 =	simm.s32 $0xD000;
	s24 =	simm.s32 $0xD800;
	s28 =	simm.s32 $0x1  }
0x6: {  	s29 =	simm.s32 $0x2;
	s30 =	simm.s32 $0x3;
	s31 =	simm.s32 $0x4  }
0x7: {  	s21 =	simm.s32 $0x8;
	s0 =	sand.u32 $0x1, s0;
	s9 =	smul.u32 $0x2800, s15  }
0x8: {  	s23 =	simm.s32 $0x0;
	s3 =	sshll.u32 s0, $0x4;
	s7 =	smul.u32 $0x28000, s0  }
0x9: {  	s11 =	ssub.s32 $0x2, s0;
	p0 =	seq.s32 s0, $0x1;
	s4 =	sor.u32 s15, s3  }
0xa: {  	s3 =	rddreg [dreg:$0x3];
	s10 =	sshrl.u32 s9, $0x3;
	s12 =	sshrl.u32 s11, $0x1  }
0xb: {  	s0 =	sshll.u32 @p0 s15, $0x6;
	s15 =	simm.s32 $0x7;
	s6 =	smul.u32 $0x500, s4  }
0xc: {  	s4 =	simm.s32 $0x0;
	s7 =	sadd.s32 s9, s7;
	s10 =	sadd.s32 s10, s1  }
0xd: {  	s12 =	ssub.s32 s11, s12;
	s17 =	sor.u32 @p0 $0x1C09, s0;
	s0 =	simm.s32 $0x6  }
0xe: {  	[smem:$0x7FF] =	sst s4;
	s7 =	sshrl.u32 s7, $0x3;
	s12 =	smax.u32 s12, $0x1  }
0xf: {  	_ =	strace $0x8000004A;
	s8 =	sadd.s32 s6, s1;
	s1 =	sadd.s32 s7, s1  }
0x10: {  	s5 =	sadd.s32 s5, s6;
	s7 =	sadd.s32 $0xE00, s10;
	s10 =	sadd.s32 $0xFE00, s10  }
0x11: {  	[dreg:$0x5] =	wrdreg s5;
	s26 =	sadd.s32 $0x5E00, s8;
	s8 =	sadd.s32 s9, s2  }
0x12: {  	s9 =	sadd.s32 s9, s3;
	s11 =	sadd.s32 $0x14E00, s1;
	s1 =	simm.s32 $0x5  }
0x13: {  	[dreg:$0x6] =	wrdreg s26;
	s18 =	sshrl.u32 @p0 s9, $0x3;
	s26 =	simm.s32 $0xE000  }
.LBB2_1:
0x14: {  	s5 =	rddreg [dreg:$0x5]  }
0x15: {  	[tilespmem:s13], [sflag:$0x9] =	stream.linear.gather [hbm4b:s5+s4], $0x2800, $0x38;
	[tilespmem:$0xE800] =	vst v63  }
0x16: {  	_ =	swait.ge [sflag:s14], $0x2800  }
0x17: {  	[sflag:s14] =	ssyncset.done $0x0  }
0x18: {  	s6 =	simm.s32 $0x7800;
	s25 =	rddreg [dreg:$0x6];
	[sflag:s14] =	ssyncadd.s32 $0xFFFFD800  }
0x19: {  	[tilespmem:s6], [sflag:$0x9] =	stream.linear.gather [hbm4b:s25+s4], $0x2800, $0x38;
	[tilespmem:$0xE800] =	vst v63  }
0x1a: {  	_ =	swait.ge [sflag:s14], $0x2800  }
0x1b: {  	[sflag:s14] =	ssyncset.done $0x0  }
0x1c: {  	[sflag:s14] =	ssyncadd.s32 $0xFFFFD800  }
0x1d: {  	[tilespmem:s16], [sflag:$0x9] =	stream.linear.gather [hbm4b:s7+s4], $0x2800, $0x38;
	[tilespmem:$0xE800] =	vst v63  }
0x1e: {  	_ =	swait.ge [sflag:s14], $0x2800  }
0x1f: {  	[sflag:s14] =	ssyncset.done $0x0  }
0x20: {  	[sflag:s14] =	ssyncadd.s32 $0xFFFFD800  }
0x21: {  	[spmem:s8] =	stream.linear.scatter [tilespmem:s16], [sflag:$0x9], $0x2800, $0x38;
	[tilespmem:$0xE800] =	vst v63  }
0x22: {  	_ =	swait.ge [sflag:s14], $0x2800  }
0x23: {  	[sflag:s14] =	ssyncset.done $0x0  }
0x24: {  	s5 =	simm.s32 @p0 $0x9;
	[sflag:s14] =	ssyncadd.s32 $0xFFFFD800  }
0x25: {  	[spmem:s18], [sflag:s17] =	dma.local @p0 [hbm:s10], $0x500  }
0x26: {  	_ =	swait.ge @p0 [sflag:s5], $0x500  }
0x27: {  	[sflag:s5] =	ssyncset.done @p0 $0x0  }
0x28: {  	[sflag:s5] =	ssyncadd.s32 @p0 $0xFFFFFB00;
	s5 =	simm.s32 @!p0 $0xA000  }
0x29: {  	[spmem:s9] =	stream.linear.scatter @!p0 [tilespmem:s5], [sflag:$0x9], $0x2800, $0x38;
	[tilespmem:$0xE800] =	vst v63  }
0x2a: {  	s5 =	simm.s32 @!p0 $0x9  }
0x2b: {  	_ =	swait.ge @!p0 [sflag:s5], $0x2800  }
0x2c: {  	[sflag:s5] =	ssyncset.done @!p0 $0x0  }
0x2d: {  	[sflag:s5] =	ssyncadd.s32 @!p0 $0xFFFFD800  }
0x2e: {  	[bflag:$0x0] =	sbarrier.arrive $0xFFFF  }
0x2f: {  	[tilespmem:s20], [sflag:$0x1] =	stream.indirect.gather [spmem:s2], $0x10, s13, s19, $0xb8;
	[tilespmem:$0xE800] =	vst v63  }
0x30: {  	s6 =	simm.s32 $0x5080  }
0x31: {  	[tilespmem:s22], [sflag:$0x2] =	stream.indirect.gather [spmem:s2], $0x10, s6, s19, $0xb8;
	[tilespmem:$0xE800] =	vst v63  }
0x32: {  	s25 =	simm.s32 $0x5100  }
0x33: {  	[tilespmem:s24], [sflag:$0x3] =	stream.indirect.gather [spmem:s2], $0x10, s25, s19, $0xb8;
	[tilespmem:$0xE800] =	vst v63  }
0x34: {  	s6 =	simm.s32 $0x5180  }
0x35: {  	[tilespmem:s26], [sflag:$0x4] =	stream.indirect.gather [spmem:s2], $0x10, s6, s19, $0xb8;
	[tilespmem:$0xE800] =	vst v63  }
0x36: {  	_ =	swait.ge [sflag:s28], $0x800  }
0x37: {  	[sflag:s28] =	ssyncset.done $0x0  }
0x38: {  	s25 =	simm.s32 $0x7800;
	[sflag:s28] =	ssyncadd.s32 $0xFFFFF800  }
0x39: {  	[spmem:s3] =	stream.indirect.scatter.add.f32 [tilespmem:s20], [sflag:$0x5], $0x10, s25, s19, $0xb8;
	[tilespmem:$0xE800] =	vst v63  }
0x3a: {  	_ =	swait.ge [sflag:s29], $0x800  }
0x3b: {  	[sflag:s29] =	ssyncset.done $0x0  }
0x3c: {  	s6 =	simm.s32 $0x7880;
	[sflag:s29] =	ssyncadd.s32 $0xFFFFF800  }
0x3d: {  	[spmem:s3] =	stream.indirect.scatter.add.f32 [tilespmem:s22], [sflag:$0x6], $0x10, s6, s19, $0xb8;
	[tilespmem:$0xE800] =	vst v63  }
0x3e: {  	_ =	swait.ge [sflag:s30], $0x800  }
0x3f: {  	[sflag:s30] =	ssyncset.done $0x0  }
0x40: {  	s25 =	simm.s32 $0x7900;
	[sflag:s30] =	ssyncadd.s32 $0xFFFFF800  }
0x41: {  	[spmem:s3] =	stream.indirect.scatter.add.f32 [tilespmem:s24], [sflag:$0x7], $0x10, s25, s19, $0xb8;
	[tilespmem:$0xE800] =	vst v63  }
0x42: {  	_ =	swait.ge [sflag:s31], $0x800  }
0x43: {  	[sflag:s31] =	ssyncset.done $0x0  }
0x44: {  	s6 =	simm.s32 $0x7980;
	[sflag:s31] =	ssyncadd.s32 $0xFFFFF800  }
0x45: {  	[spmem:s3] =	stream.indirect.scatter.add.f32 [tilespmem:s26], [sflag:$0x8], $0x10, s6, s19, $0xb8;
	[tilespmem:$0xE800] =	vst v63  }
0x46: {  	_ =	swait.ge [sflag:s1], $0x800  }
0x47: {  	[sflag:s1] =	ssyncset.done $0x0  }
0x48: {  	s25 =	simm.s32 $0x5200;
	[sflag:s1] =	ssyncadd.s32 $0xFFFFF800  }
0x49: {  	[tilespmem:s20], [sflag:$0x1] =	stream.indirect.gather [spmem:s2], $0x10, s25, s19, $0xb8;
	[tilespmem:$0xE800] =	vst v63  }
0x4a: {  	_ =	swait.ge [sflag:s0], $0x800  }
0x4b: {  	[sflag:s0] =	ssyncset.done $0x0  }
0x4c: {  	s6 =	simm.s32 $0x5280;
	[sflag:s0] =	ssyncadd.s32 $0xFFFFF800  }
0x4d: {  	[tilespmem:s22], [sflag:$0x2] =	stream.indirect.gather [spmem:s2], $0x10, s6, s19, $0xb8;
	[tilespmem:$0xE800] =	vst v63  }
0x4e: {  	_ =	swait.ge [sflag:s15], $0x800  }
0x4f: {  	[sflag:s15] =	ssyncset.done $0x0  }
0x50: {  	s25 =	simm.s32 $0x5300;
	[sflag:s15] =	ssyncadd.s32 $0xFFFFF800  }
0x51: {  	[tilespmem:s24], [sflag:$0x3] =	stream.indirect.gather [spmem:s2], $0x10, s25, s19, $0xb8;
	[tilespmem:$0xE800] =	vst v63  }
0x52: {  	_ =	swait.ge [sflag:s21], $0x800  }
0x53: {  	[sflag:s21] =	ssyncset.done $0x0  }
0x54: {  	s5 =	simm.s32 $0x5380;
	s25 =	simm.s32 $0x800;
	[sflag:s21] =	ssyncadd.s32 $0xFFFFF800  }
.LBB2_2:
0x55: {  	[tilespmem:s26], [sflag:$0x4] =	stream.indirect.gather [spmem:s2], $0x10, s5, s19, $0xb8;
	[tilespmem:$0xE800] =	vst v63  }
0x56: {  	s5 =	smov.u32 s25  }
0x57: {  	p1 =	sne.s32 s25, $0x9000;
	s25 =	sadd.s32 $0x800, s25;
	_ =	swait.ge [sflag:s28], $0x800  }
0x58: {  	s5 =	sshra.s32 s5, $0x2;
	[sflag:s28] =	ssyncset.done $0x0  }
0x59: {  	s6 =	sadd.s32 $0x7800, s5;
	[sflag:s28] =	ssyncadd.s32 $0xFFFFF800  }
0x5a: {  	[spmem:s3] =	stream.indirect.scatter.add.f32 [tilespmem:s20], [sflag:$0x5], $0x10, s6, s19, $0xb8;
	[tilespmem:$0xE800] =	vst v63  }
0x5b: {  	_ =	swait.ge [sflag:s29], $0x800  }
0x5c: {  	[sflag:s29] =	ssyncset.done $0x0  }
0x5d: {  	s6 =	sadd.s32 $0x7880, s5;
	[sflag:s29] =	ssyncadd.s32 $0xFFFFF800  }
0x5e: {  	[spmem:s3] =	stream.indirect.scatter.add.f32 [tilespmem:s22], [sflag:$0x6], $0x10, s6, s19, $0xb8;
	[tilespmem:$0xE800] =	vst v63  }
0x5f: {  	_ =	swait.ge [sflag:s30], $0x800  }
0x60: {  	[sflag:s30] =	ssyncset.done $0x0  }
0x61: {  	s6 =	sadd.s32 $0x7900, s5;
	[sflag:s30] =	ssyncadd.s32 $0xFFFFF800  }
0x62: {  	[spmem:s3] =	stream.indirect.scatter.add.f32 [tilespmem:s24], [sflag:$0x7], $0x10, s6, s19, $0xb8;
	[tilespmem:$0xE800] =	vst v63  }
0x63: {  	_ =	swait.ge [sflag:s31], $0x800  }
0x64: {  	[sflag:s31] =	ssyncset.done $0x0  }
0x65: {  	s6 =	sadd.s32 $0x7980, s5;
	[sflag:s31] =	ssyncadd.s32 $0xFFFFF800  }
0x66: {  	[spmem:s3] =	stream.indirect.scatter.add.f32 [tilespmem:s26], [sflag:$0x8], $0x10, s6, s19, $0xb8;
	[tilespmem:$0xE800] =	vst v63  }
0x67: {  	_ =	swait.ge [sflag:s1], $0x800  }
0x68: {  	[sflag:s1] =	ssyncset.done $0x0  }
0x69: {  	s6 =	sadd.s32 $0x5200, s5;
	[sflag:s1] =	ssyncadd.s32 $0xFFFFF800  }
0x6a: {  	[tilespmem:s20], [sflag:$0x1] =	stream.indirect.gather [spmem:s2], $0x10, s6, s19, $0xb8;
	[tilespmem:$0xE800] =	vst v63  }
0x6b: {  	_ =	swait.ge [sflag:s0], $0x800  }
0x6c: {  	[sflag:s0] =	ssyncset.done $0x0  }
0x6d: {  	s6 =	sadd.s32 $0x5280, s5;
	[sflag:s0] =	ssyncadd.s32 $0xFFFFF800  }
0x6e: {  	[tilespmem:s22], [sflag:$0x2] =	stream.indirect.gather [spmem:s2], $0x10, s6, s19, $0xb8;
	[tilespmem:$0xE800] =	vst v63  }
0x6f: {  	_ =	swait.ge [sflag:s15], $0x800  }
0x70: {  	[sflag:s15] =	ssyncset.done $0x0  }
.Ltmp0:
0x71: {  	s6 =	sadd.s32 $0x5300, s5;
	[sflag:s15] =	ssyncadd.s32 $0xFFFFF800;
	(pc) =	sbr.rel @p1 .LBB2_2-.Ltmp0, $4  }
0x72: {  	[tilespmem:s24], [sflag:$0x3] =	stream.indirect.gather [spmem:s2], $0x10, s6, s19, $0xb8;
	[tilespmem:$0xE800] =	vst v63  }
0x73: {  	_ =	swait.ge [sflag:s21], $0x800  }
0x74: {  	[sflag:s21] =	ssyncset.done $0x0  }
0x75: {  	s5 =	sadd.s32 $0x5380, s5;
	[sflag:s21] =	ssyncadd.s32 $0xFFFFF800  }
0x76: {  	[tilespmem:s26], [sflag:$0x4] =	stream.indirect.gather [spmem:s2], $0x10, s5, s19, $0xb8;
	[tilespmem:$0xE800] =	vst v63  }
0x77: {  	_ =	swait.ge [sflag:s28], $0x800  }
0x78: {  	[sflag:s28] =	ssyncset.done $0x0  }
0x79: {  	s25 =	simm.s32 $0x9E00;
	[sflag:s28] =	ssyncadd.s32 $0xFFFFF800  }
0x7a: {  	[spmem:s3] =	stream.indirect.scatter.add.f32 [tilespmem:s20], [sflag:$0x5], $0x10, s25, s19, $0xb8;
	[tilespmem:$0xE800] =	vst v63  }
0x7b: {  	_ =	swait.ge [sflag:s29], $0x800  }
0x7c: {  	[sflag:s29] =	ssyncset.done $0x0  }
0x7d: {  	s6 =	simm.s32 $0x9E80;
	[sflag:s29] =	ssyncadd.s32 $0xFFFFF800  }
0x7e: {  	[spmem:s3] =	stream.indirect.scatter.add.f32 [tilespmem:s22], [sflag:$0x6], $0x10, s6, s19, $0xb8;
	[tilespmem:$0xE800] =	vst v63  }
0x7f: {  	_ =	swait.ge [sflag:s30], $0x800  }
0x80: {  	[sflag:s30] =	ssyncset.done $0x0  }
0x81: {  	s25 =	simm.s32 $0x9F00;
	[sflag:s30] =	ssyncadd.s32 $0xFFFFF800  }
0x82: {  	[spmem:s3] =	stream.indirect.scatter.add.f32 [tilespmem:s24], [sflag:$0x7], $0x10, s25, s19, $0xb8;
	[tilespmem:$0xE800] =	vst v63  }
0x83: {  	_ =	swait.ge [sflag:s31], $0x800  }
0x84: {  	[sflag:s31] =	ssyncset.done $0x0  }
0x85: {  	s6 =	simm.s32 $0x9F80;
	[sflag:s31] =	ssyncadd.s32 $0xFFFFF800  }
0x86: {  	[spmem:s3] =	stream.indirect.scatter.add.f32 [tilespmem:s26], [sflag:$0x8], $0x10, s6, s19, $0xb8;
	[tilespmem:$0xE800] =	vst v63  }
0x87: {  	_ =	swait.ge [sflag:s1], $0x800  }
0x88: {  	[sflag:s1] =	ssyncset.done $0x0  }
0x89: {  	[sflag:s1] =	ssyncadd.s32 $0xFFFFF800  }
0x8a: {  	_ =	swait.ge [sflag:s0], $0x800  }
0x8b: {  	[sflag:s0] =	ssyncset.done $0x0  }
0x8c: {  	[sflag:s0] =	ssyncadd.s32 $0xFFFFF800  }
0x8d: {  	_ =	swait.ge [sflag:s15], $0x800  }
0x8e: {  	[sflag:s15] =	ssyncset.done $0x0  }
0x8f: {  	[sflag:s15] =	ssyncadd.s32 $0xFFFFF800  }
0x90: {  	s25 =	stileid.u32;
	_ =	swait.ge [sflag:s21], $0x800  }
0x91: {  	s23 =	sadd.s32 $0x1, s23;
	s5 =	sshll.u32 s25, $0x6;
	[sflag:s21] =	ssyncset.done $0x0  }
0x92: {  	p1 =	sne.s32 s23, s12;
	s5 =	sor.u32 $0x1C09, s5;
	[sflag:s21] =	ssyncadd.s32 $0xFFFFF800  }
.Ltmp1:
0x93: {  	s6 =	sshrl.u32 s9, $0x3;
	[bflag:$0x0] =	sbarrier.arrive $0xFFFF;
	(pc) =	sbr.rel @p1 .LBB2_1-.Ltmp1, $4  }
0x94: {  	[hbm:s11], [sflag:s5] =	dma.local [spmem:s6], $0x500  }
0x95: {  	_ =	swait.ge [sflag:s14], $0x500  }
0x96: {  	[sflag:s14] =	ssyncset.done $0x0  }
0x97: {  	[sflag:s14] =	ssyncadd.s32 $0xFFFFFB00  }
0x98: {  	_ =	sfence.sel $0x180000  }
0x99: {  	[bflag:$0x0] =	sbarrier.arrive $0xFFFF  }
0x9a: {  	_ =	strace $0x9000004A  }
0x9b: {  	s0 =	stileid.u32;
	[bflag:$0x2] =	sbarrier.arrive $0xFFFF  }
0x9c: {  	p0 =	sne.s32 s0, $0x0;
	s0 =	rddreg [dreg:$0x4]  }
0x9d: {  	s0 =	sadd.s32 @!p0 $0x100000, s0  }
0x9e: {  	[sflag:s0] =	ssyncadd.tile.s32 @!p0 $0x1;
	_ =	shalt  }
.Lfunc_end2:
_tile_overlayer_lowered:
.L_overlay_start_2:
0x9f: {  	(tag) =	ssettag $0x2  }
0xa0: {  	s0 =	rddreg [dreg:$0x0];
	s2 =	stileid.u32  }
0xa1: {  	s1 =	rddreg [dreg:$0x1];
	p0 =	sne.s32 s2, $0x0  }
0xa2: {  	s3 =	rddreg [dreg:$0x2];
	[bflag:$0x3] =	sbarrier.arrive $0xFFFF;
	s2 =	simm.s32 @!p0 $0x1C09  }
0xa3: {  	[timem:s3], [sflag:s2] =	dma.local @!p0 [hbm:s0], s1  }
0xa4: {  	s0 =	simm.s32 @!p0 $0x9  }
0xa5: {  	_ =	swait.ge @!p0 [sflag:s0], s1  }
0xa6: {  	s1 =	ssub.s32 @!p0 $0x0, s1;
	[sflag:s0] =	ssyncset.done @!p0 $0x0  }
0xa7: {  	[sflag:s0] =	ssyncadd.s32 @!p0 s1  }
0xa8: {  	[bflag:$0x3] =	sbarrier.arrive $0xFFFF  }
0xa9: {  	_ =	shalt  }

// kernel: kernel.7.cloned.1.call-start
scs
__scs_entry_jumppad:
0x0: {  	(pc) =	sbr.rel $0x88, $3  }
0x1: {  	(tag) =	ssettag $0x0;
	lr =	simm.s32 $0x1  }
0x2: {  	[smem:$0x3F9B] =	sst lr;
	_ =	strace $0xD0000000  }
0x3: {  	_ = 	snop  }
0x4: {  	_ = 	snop  }
0x5: {  	_ = 	snop  }
0x6: {  	_ = 	snop  }
0x7: {  	_ = 	snop  }
__scs_overlays_trampoline_lowered:
0x8: {  	[smem:$0x3FAA] =	sst s0  }
0x9: {  	[smem:$0x3FAB] =	sst s1  }
0xa: {  	[smem:$0x3FAC] =	sst s2  }
0xb: {  	[smem:$0x3FAD] =	sst s3  }
0xc: {  	[smem:$0x3FAE] =	sst s4  }
0xd: {  	[smem:$0x3FAF] =	sst s5  }
0xe: {  	[smem:$0x3FB0] =	sst s6  }
0xf: {  	[smem:$0x3FB1] =	sst s7  }
0x10: {  	[smem:$0x3FB2] =	sst s8  }
0x11: {  	[smem:$0x3FB3] =	sst s9;
	s0 =	simm.s32 @!p0 $0x0  }
0x12: {  	s1 =	sld [smem:$0x3F99];
	s0 =	simm.s32 @p0 $0x1  }
0x13: {  	[smem:$0x3FB4] =	sst s0;
	s0 =	simm.s32 @!p1 $0x0  }
0x14: {  	s2 =	sld [smem:$0x3F98];
	s0 =	simm.s32 @p1 $0x1  }
0x15: {  	[smem:$0x3FB5] =	sst s0;
	s0 =	simm.s32 @!p2 $0x0  }
0x16: {  	s3 =	sld [smem:$0x3FDB];
	s0 =	simm.s32 @p2 $0x1  }
0x17: {  	s4 =	simm.s32 $0x1BF5;
	[smem:$0x3FB7] =	sst s0  }
0x18: {  	s0 =	sld [smem:$0x3F9A];
	_ =	swait.ge [sflag:s4], $0x0  }
0x19: {  	s7 =	sld [smem:$0x3F9B]  }
0x1a: {  	s8 =	sadd.s32 $0xFFFFE003, lr  }
0x1b: {  	s9 =	sadd.s32 $0xFFFFFEF7, lr;
	s5 =	simm.s32 $0xFFFFFFFF;
	p2 =	slt.u32 s8, $0xFFFFF086  }
0x1c: {  	p1 =	slt.u32 s9, $0xF7A;
	s5 =	simm.s32 @!p2 $0x0  }
0x1d: {  	s5 =	simm.s32 @p1 $0x1;
	p0 =	seq.s32 s7, s2  }
0x1e: {  	s7 =	smul.u32 @!p0 $0xF7A, s2;
	p2 =	seq.s32 @!p0 s5, $0x0  }
0x1f: {  	s9 =	smul.u32 $0xF7A, s1;
	s8 =	simm.s32 @!p0 $0x1BF5;
	p2 =	por !p2, p0  }
0x20: {  	[sflag:s8] =	ssyncset.s32 @!p0 $0xFFFFF086;
	s6 =	sadd.s32 @!p0 s3, s7;
	s7 =	simm.s32 @!p0 $0x108  }
0x21: {  	s3 =	sadd.s32 s3, s9;
	s6 =	sadd.s32 @!p0 $0x88, s6;
	s7 =	simm.s32 @p2 $0x1082  }
0x22: {  	[simem:s7], [sflag:s8] =	dma.local @!p0 [hbm:s6], $0xF7A  }
0x23: {  	s9 =	sor.u32 $0xD0000000, s2;
	s6 =	simm.s32 $0x108;
	_ =	swait.ge @!p0 [sflag:s8], $0x0  }
0x24: {  	s3 =	sadd.s32 $0x88, s3;
	s6 =	simm.s32 @!p1 $0x1082;
	[sflag:s4] =	ssyncset.s32 $0xFFFFF086  }
0x25: {  	[simem:s6], [sflag:s4] =	dma.local [hbm:s3], $0xF7A  }
0x26: {  	[smem:$0x3F9B] =	sst s1;
	(tag) =	ssettag s2;
	_ =	strace s9  }
0x27: {  	s1 =	sld [smem:$0x3FAB]  }
0x28: {  	s2 =	sld [smem:$0x3FAC]  }
0x29: {  	s4 =	sld [smem:$0x3FAE]  }
0x2a: {  	p0 =	seq.s32 s5, $0x0;
	s5 =	sld [smem:$0x3FAF]  }
0x2b: {  	s6 =	sld [smem:$0x3FB0]  }
0x2c: {  	s7 =	sld [smem:$0x3FB1]  }
0x2d: {  	s3 =	simm.s32 $0x108;
	s8 =	sld [smem:$0x3FB2]  }
0x2e: {  	s3 =	simm.s32 @!p0 $0x1082;
	s9 =	sld [smem:$0x3FB3]  }
0x2f: {  	lr =	sadd.s32 s0, s3;
	s0 =	sld [smem:$0x3FAA]  }
0x30: {  	s3 =	sld [smem:$0x3FAD]  }
0x31: {  	[smem:$0x3FB6] =	sst s10  }
0x32: {  	s10 =	sld [smem:$0x3FB4];
	_ =	sdelay $0x3  }
0x33: {  	p0 =	seq.s32 s10, $0x1;
	s10 =	sld [smem:$0x3FB6];
	_ =	sdelay $0x3  }
0x34: {  	[smem:$0x3FB6] =	sst s10  }
0x35: {  	s10 =	sld [smem:$0x3FB5];
	_ =	sdelay $0x3  }
0x36: {  	p1 =	seq.s32 s10, $0x1;
	s10 =	sld [smem:$0x3FB6];
	_ =	sdelay $0x3  }
0x37: {  	[smem:$0x3FB6] =	sst s10  }
0x38: {  	s10 =	sld [smem:$0x3FB7]  }
0x39: {  	_ = 	snop;
	(pc) =	sbr.ind lr, $3  }
0x3a: {  	_ = 	snop  }
0x3b: {  	_ = 	snop  }
0x3c: {  	p2 =	seq.s32 s10, $0x1;
	s10 =	sld [smem:$0x3FB6]  }
0x3d: {  	_ =	shalt  }
0x3e: {  	_ =	shalt  }
0x3f: {  	_ =	shalt  }
0x40: {  	_ =	shalt  }
0x41: {  	_ =	shalt  }
0x42: {  	_ =	shalt  }
0x43: {  	_ =	shalt  }
0x44: {  	_ =	shalt  }
0x45: {  	_ =	shalt  }
0x46: {  	_ =	shalt  }
0x47: {  	_ =	shalt  }
0x48: {  	_ =	shalt  }
0x49: {  	_ =	shalt  }
0x4a: {  	_ =	shalt  }
0x4b: {  	_ =	shalt  }
0x4c: {  	_ =	shalt  }
0x4d: {  	_ =	shalt  }
0x4e: {  	_ =	shalt  }
0x4f: {  	_ =	shalt  }
0x50: {  	_ =	shalt  }
0x51: {  	_ =	shalt  }
0x52: {  	_ =	shalt  }
0x53: {  	_ =	shalt  }
0x54: {  	_ =	shalt  }
0x55: {  	_ =	shalt  }
0x56: {  	_ =	shalt  }
0x57: {  	_ =	shalt  }
0x58: {  	_ =	shalt  }
0x59: {  	_ =	shalt  }
0x5a: {  	_ =	shalt  }
0x5b: {  	_ =	shalt  }
0x5c: {  	_ =	shalt  }
0x5d: {  	_ =	shalt  }
0x5e: {  	_ =	shalt  }
0x5f: {  	_ =	shalt  }
0x60: {  	_ =	shalt  }
0x61: {  	_ =	shalt  }
0x62: {  	_ =	shalt  }
0x63: {  	_ =	shalt  }
0x64: {  	_ =	shalt  }
0x65: {  	_ =	shalt  }
0x66: {  	_ =	shalt  }
0x67: {  	_ =	shalt  }
0x68: {  	_ =	shalt  }
0x69: {  	_ =	shalt  }
0x6a: {  	_ =	shalt  }
0x6b: {  	_ =	shalt  }
0x6c: {  	_ =	shalt  }
0x6d: {  	_ =	shalt  }
0x6e: {  	_ =	shalt  }
0x6f: {  	_ =	shalt  }
0x70: {  	_ =	shalt  }
0x71: {  	_ =	shalt  }
0x72: {  	_ =	shalt  }
0x73: {  	_ =	shalt  }
0x74: {  	_ =	shalt  }
0x75: {  	_ =	shalt  }
0x76: {  	_ =	shalt  }
0x77: {  	_ =	shalt  }
0x78: {  	_ =	shalt  }
0x79: {  	_ =	shalt  }
0x7a: {  	_ =	shalt  }
0x7b: {  	_ =	shalt  }
0x7c: {  	_ =	shalt  }
0x7d: {  	_ =	shalt  }
0x7e: {  	_ =	shalt  }
0x7f: {  	_ =	shalt  }
0x80: {  	_ =	shalt  }
0x81: {  	_ =	shalt  }
0x82: {  	_ =	shalt  }
0x83: {  	_ =	shalt  }
0x84: {  	_ =	shalt  }
0x85: {  	_ =	shalt  }
0x86: {  	_ =	shalt  }
0x87: {  	_ =	shalt  }
.Lfunc_end0:
.L_simem_size_0:
called_computation_lowered:
.L_overlay_start_0:
0x88: {  	s2 =	sld [smem:$0x3FD9]  }
0x89: {  	s3 =	sld [smem:$0x3FFE];
	_ =	sdelay $0x1  }
0x8a: {  	s1 =	srdreg.scid  }
0x8b: {  	s0 =	sand.u32 $0x1, s1  }
0x8c: {  	s17 =	sshll.u32 s0, $0xA;
	s2 =	sadd.s32 s3, s2  }
0x8d: {  	s2 =	sadd.s32 s2, s17  }
0x8e: {  	[smem:$0x3FC2] =	sst s2  }
0x8f: {  	_ = 	snop  }
0x90: {  	s2 =	sld [smem:$0x3FD0];
	(tm) =	ssettm $0x1  }
0x91: {  	s18 =	sld [smem:$0x3FFB];
	_ =	sdelay $0x3  }
0x92: {  	_ =	strace s18  }
0x93: {  	s3 =	sld [smem:$0x3FFC];
	_ =	sdelay $0x3  }
0x94: {  	_ =	strace s3  }
0x95: {  	s3 =	sld [smem:$0x3FFD];
	_ =	sdelay $0x3  }
0x96: {  	_ =	strace s3  }
0x97: {  	_ =	strace $0x8FFFFFFF  }
0x98: {  	s19 =	sld [smem:$0x3FDB];
	_ =	sdelay $0x1  }
0x99: {  	s4 =	simm.s32 $_scs_section_size  }
0x9a: {  	s5 =	simm.s32 $_size__tile_overlayer_lowered;
	s6 =	simm.s32 $_tile_overlayer_lowered  }
0x9b: {  	s22 =	simm.s32 $0x1BFF;
	s21 =	sshll.u32 s6, $0x1;
	s3 =	sadd.s32 s4, s19  }
0x9c: {  	s7 =	simm.s32 $0x0;
	s20 =	sshll.u32 s5, $0x1;
	s5 =	sadd.s32 s21, s3  }
0x9d: {  	[timem:s7], [sflag:s22] =	dma.local [hbm:s5], s20  }
0x9e: {  	_ =	swait.ge [sflag:s22], s20  }
0x9f: {  	s4 =	ssub.s32 $0x0, s20;
	[sflag:s22] =	ssyncset.done $0x0  }
0xa0: {  	[sflag:s22] =	ssyncadd.s32 s4;
	_ =	sdelay $0x1  }
0xa1: {  	s23 =	simm.s32 $0x1B8B  }
0xa2: {  	_ =	swait.ge [sflag:s23], $0x1  }
0xa3: {  	[sflag:s23] =	ssyncset.done $0x0  }
0xa4: {  	s25 =	simm.s32 $0x1B8E;
	s24 =	sld [smem:$0x3FFE];
	[sflag:s23] =	ssyncadd.s32 $0xFFFFFFFF  }
0xa5: {  	s26 =	simm.s32 $execute0_lowered;
	[smem:$0x3FD2] =	sst s25  }
0xa6: {  	s5 =	sshll.u32 s26, $0x1;
	_ =	strace $0x80000046;
	[dreg:$0x1] =	wrdreg $0xFFFFFFFF  }
0xa7: {  	s28 =	simm.s32 $_size_execute0_lowered;
	s3 =	sadd.s32 s3, s5;
	[dreg:$0x0] =	wrdreg $0x0  }
0xa8: {  	s5 =	sshll.u32 s28, $0x1;
	[dreg:$0x2] =	wrdreg s3  }
0xa9: {  	[dreg:$0x3] =	wrdreg s5  }
0xaa: {  	[dreg:$0x4] =	wrdreg $0xC0  }
0xab: {  	_ =	task [dreg:s7], $0x5FFFF  }
0xac: {  	[dreg:$0x1] =	wrdreg $0xFFFFFFFF  }
0xad: {  	[dreg:$0x0] =	wrdreg $0x60  }
0xae: {  	[dreg:$0x2] =	wrdreg s24  }
0xaf: {  	[dreg:$0x3] =	wrdreg s2  }
0xb0: {  	[dreg:$0x4] =	wrdreg $0x0  }
0xb1: {  	[dreg:$0x5] =	wrdreg $0x2800  }
0xb2: {  	[dreg:$0x6] =	wrdreg $0x2A800  }
0xb3: {  	[dreg:$0x7] =	wrdreg $0x9  }
0xb4: {  	_ =	task.clear_ibuf [dreg:s7], $0x8FFFF;
	_ =	strace $0x90000046  }
0xb5: {  	s29 =	simm.s32 $0x9;
	_ =	strace $0x80000048  }
0xb6: {  	_ =	swait.ge [sflag:s29], $0x1  }
0xb7: {  	[sflag:s29] =	ssyncadd.s32 $0xFFFFFFFF  }
0xb8: {  	_ =	strace $0x90000048  }
0xb9: {  	_ =	sfence  }
0xba: {  	s30 =	sld [smem:$0x0];
	_ =	sdelay $0x2  }
0xbb: {  	s31 =	sshll.u32 s1, $0xD;
	s1 =	sshrl.u32 s1, $0x2  }
0xbc: {  	s3 =	sand.u32 $0x4000, s31;
	s1 =	sadd.s32 s1, s30  }
0xbd: {  	s0 =	sor.u32 s3, s0;
	s1 =	sshll.u32 s1, $0x11  }
0xbe: {  	s0 =	sor.u32 s1, s0  }
0xbf: {  	s0 =	sadd.s32 $0x8F2B, s0  }
0xc0: {  	[sflag:s0] =	ssyncadd.remote.s32 $0x1  }
0xc1: {  	_ =	sfence.sel $0xFFFF  }
0xc2: {  	[dreg:$0x0] =	wrdreg $0xFFFFFFFF;
	(pc) =	sbr.abs _section_cstart, $3  }
0xc3: {  	[dreg:$0x1] =	wrdreg $0xFFFFFFFF  }
0xc4: {  	_ =	task.clear_ibuf [dreg:s7], $0x2FFFF;
	_ =	strace $0x9FFFFFFF  }
0xc5: {  	(tm) =	ssettm $0x7FFFFFFF  }
tec
execute0_lowered:
.L_overlay_start_1:
0x0: {  	(tag) =	ssettag $0x1  }
0x1: {  	s0 =	rddreg [dreg:$0x0]  }
0x2: {  	s1 =	rddreg [dreg:$0x1]  }
0x3: {  	s2 =	rddreg [dreg:$0x2]  }
0x4: {  	s3 =	rddreg [dreg:$0x3]  }
0x5: {  	s4 =	rddreg [dreg:$0x4];
	s13 =	stileid.u32  }
0x6: {  	s5 =	srdreg.scid;
	s7 =	simm.s32 $0x0;
	s18 =	simm.s32 $0xA  }
0x7: {  	s29 =	simm.s32 $0x15000;
	s31 =	simm.s32 $0x15800;
	s17 =	simm.s32 $0x16000  }
0x8: {  	s20 =	simm.s32 $0x2;
	s28 =	simm.s32 $0x3;
	s30 =	simm.s32 $0x4  }
0x9: {  	s19 =	simm.s32 $0x6;
	s6 =	smul.u32 $0x2800, s13;
	s5 =	sand.u32 $0x1, s5  }
0xa: {  	[smem:$0x7FF] =	sst s7;
	s8 =	sadd.s32 $0x5E00, s0;
	s12 =	smul.u32 $0xA00, s13  }
0xb: {  	s21 =	smul.u32 $0x28000, s5;
	_ =	strace $0x80000047;
	s10 =	sshll.u32 s5, $0x4  }
0xc: {  	s11 =	ssub.s32 $0x2, s5;
	p0 =	seq.s32 s5, $0x1;
	s5 =	simm.s32 $0x0  }
0xd: {  	s9 =	sshrl.u32 s6, $0x3;
	s10 =	sor.u32 s13, s10;
	s22 =	sshrl.u32 s11, $0x1  }
0xe: {  	s26 =	sadd.s32 s8, s12;
	s13 =	sshrl.u32 s12, $0x2;
	s15 =	sadd.s32 s6, s3  }
0xf: {  	s16 =	sadd.s32 s6, s4;
	s12 =	simm.s32 $0xF280;
	s7 =	sadd.s32 s6, s21  }
0x10: {  	s10 =	smul.u32 $0x500, s10;
	s9 =	sadd.s32 s9, s0;
	[dreg:$0x6] =	wrdreg s26  }
0x11: {  	s23 =	ssub.s32 s11, s22;
	[dreg:$0xb] =	wrdreg s15;
	s22 =	simm.s32 $0x80  }
0x12: {  	s21 =	simm.s32 $0x7;
	[dreg:$0xc] =	wrdreg s16;
	s14 =	sadd.s32 $0xE00, s9  }
0x13: {  	s6 =	simm.s32 $0x9;
	s24 =	sadd.s32 $0x14E00, s9;
	[dreg:$0xa] =	wrdreg s14  }
0x14: {  	s7 =	sshrl.u32 s7, $0x3;
	s25 =	sadd.s32 $0xFE00, s9;
	[dreg:$0xd] =	wrdreg s24  }
0x15: {  	v0 =	vimm.f32 $0.0e+00;
	v1 =	vimm.f32 $1.000000000e+00;
	vm0 =	vmmov $0x1;
	s26 =	smax.u32 s23, $0x1;
	s9 =	simm.s32 $0xA280;
	[dreg:$0xe] =	wrdreg s25  }
0x16: {  	vm1 =	vcmask $0x308;
	vm2 =	vcmask $0x70C;
	vm3 =	vcmask $0xB10;
	s23 =	simm.s32 $0x14780;
	s1 =	sadd.s32 s1, s10;
	[dreg:$0x10] =	wrdreg s26  }
0x17: {  	vm4 =	vcmask $0xF14;
	vm5 =	vcmask $0x1318;
	vm6 =	vcmask $0x171C;
	s0 =	sadd.s32 s7, s0;
	s8 =	sadd.s32 s8, s10;
	[dreg:$0x7] =	wrdreg s1  }
0x18: {  	vm7 =	vcmask $0x1B20;
	vm8 =	vcmask $0x1F24;
	vm9 =	vcmask $0x2328;
	s10 =	sadd.s32 s13, s2;
	s24 =	simm.s32 $0x1;
	[dreg:$0x8] =	wrdreg s8  }
0x19: {  	vm10 =	vcmask $0x272C;
	vm11 =	vcmask $0x2B30;
	vm12 =	vcmask $0x2F34;
	s26 =	simm.s32 $0x14800;
	s0 =	sadd.s32 $0x19E00, s0;
	[dreg:$0x9] =	wrdreg s10  }
0x1a: {  	vm13 =	vcmask $0x3338;
	vm14 =	vcmask $0x373C;
	vm15 =	vmmov $0x7fff;
	s25 =	simm.s32 $0x8;
	[dreg:$0xf] =	wrdreg s0;
	s0 =	simm.s32 $0x5  }
.LBB2_1:
0x1b: {  	[dreg:$0x11] =	wrdreg s5  }
0x1c: {  	s1 =	simm.s32 $0x0;
	s13 =	rddreg [dreg:$0x6];
	s7 =	simm.s32 $0x5280  }
0x1d: {  	[tilespmem:s7], [sflag:$0xA] =	stream.linear.gather [hbm4b:s13+s1], $0x5000, $0x38;
	[tilespmem:$0x16800] =	vst v63  }
0x1e: {  	_ =	swait.ge [sflag:s18], $0x5000  }
0x1f: {  	[sflag:s18] =	ssyncset.done $0x0  }
0x20: {  	s14 =	rddreg [dreg:$0x7];
	[sflag:s18] =	ssyncadd.s32 $0xFFFFB000  }
0x21: {  	[tilespmem:s9], [sflag:$0xA] =	stream.linear.gather [hbm4b:s14+s1], $0x2800, $0x38;
	[tilespmem:$0x16800] =	vst v63  }
0x22: {  	_ =	swait.ge [sflag:s18], $0x2800  }
0x23: {  	[sflag:s18] =	ssyncset.done $0x0  }
0x24: {  	s16 =	simm.s32 $0xCA80;
	s15 =	rddreg [dreg:$0x8];
	[sflag:s18] =	ssyncadd.s32 $0xFFFFD800  }
0x25: {  	[tilespmem:s16], [sflag:$0xA] =	stream.linear.gather [hbm4b:s15+s1], $0x2800, $0x38;
	[tilespmem:$0x16800] =	vst v63  }
0x26: {  	_ =	swait.ge [sflag:s18], $0x2800  }
0x27: {  	[sflag:s18] =	ssyncset.done $0x0  }
0x28: {  	[sflag:s18] =	ssyncadd.s32 $0xFFFFD800  }
0x29: {  	[tilespmem:$0xF280] =	vst v0  }
0x2a: {  	[tilespmem:$0xF290] =	vst v0  }
0x2b: {  	[tilespmem:$0xF2A0] =	vst v0  }
0x2c: {  	[tilespmem:$0xF2B0] =	vst v0  }
0x2d: {  	[tilespmem:$0xF2C0] =	vst v0  }
0x2e: {  	[tilespmem:$0xF2D0] =	vst v0  }
0x2f: {  	[tilespmem:$0xF2E0] =	vst v0  }
0x30: {  	[tilespmem:$0xF2F0] =	vst v0  }
0x31: {  	[tilespmem:$0xF300] =	vst v0  }
0x32: {  	[tilespmem:$0xF310] =	vst v0  }
0x33: {  	[tilespmem:$0xF320] =	vst v0  }
0x34: {  	[tilespmem:$0xF330] =	vst v0  }
0x35: {  	[tilespmem:$0xF340] =	vst v0  }
0x36: {  	[tilespmem:$0xF350] =	vst v0  }
0x37: {  	[tilespmem:$0xF360] =	vst v0  }
0x38: {  	[tilespmem:$0xF370] =	vst v0  }
0x39: {  	[tilespmem:$0xF380] =	vst v0  }
0x3a: {  	[tilespmem:$0xF390] =	vst v0  }
0x3b: {  	[tilespmem:$0xF3A0] =	vst v0  }
0x3c: {  	[tilespmem:$0xF3B0] =	vst v0  }
0x3d: {  	[tilespmem:$0xF3C0] =	vst v0  }
0x3e: {  	[tilespmem:$0xF3D0] =	vst v0  }
0x3f: {  	[tilespmem:$0xF3E0] =	vst v0  }
0x40: {  	[tilespmem:$0xF3F0] =	vst v0  }
0x41: {  	[tilespmem:$0xF400] =	vst v0  }
0x42: {  	[tilespmem:$0xF410] =	vst v0  }
0x43: {  	[tilespmem:$0xF420] =	vst v0  }
0x44: {  	[tilespmem:$0xF430] =	vst v0  }
0x45: {  	[tilespmem:$0xF440] =	vst v0  }
0x46: {  	[tilespmem:$0xF450] =	vst v0  }
0x47: {  	[tilespmem:$0xF460] =	vst v0  }
0x48: {  	[tilespmem:$0xF470] =	vst v0  }
0x49: {  	[tilespmem:$0xF480] =	vst v0  }
0x4a: {  	[tilespmem:$0xF490] =	vst v0  }
0x4b: {  	[tilespmem:$0xF4A0] =	vst v0  }
0x4c: {  	[tilespmem:$0xF4B0] =	vst v0  }
0x4d: {  	[tilespmem:$0xF4C0] =	vst v0  }
0x4e: {  	[tilespmem:$0xF4D0] =	vst v0  }
0x4f: {  	[tilespmem:$0xF4E0] =	vst v0  }
0x50: {  	[tilespmem:$0xF4F0] =	vst v0  }
0x51: {  	[spmem:s10] =	stream.linear.scatter [tilespmem:s12], [sflag:$0xA], $0x280, $0x38;
	[tilespmem:$0x16800] =	vst v63  }
0x52: {  	_ =	swait.ge [sflag:s18], $0x280  }
0x53: {  	[sflag:s18] =	ssyncset.done $0x0  }
0x54: {  	[sflag:s18] =	ssyncadd.s32 $0xFFFFFD80  }
0x55: {  	[tilespmem:$0x14780] =	vst v1  }
0x56: {  	[tilespmem:$0x14790] =	vst v1  }
0x57: {  	[tilespmem:$0x147A0] =	vst v1  }
0x58: {  	[tilespmem:$0x147B0] =	vst v1  }
0x59: {  	[tilespmem:$0x147C0] =	vst v1  }
0x5a: {  	[tilespmem:$0x147D0] =	vst v1  }
0x5b: {  	[tilespmem:$0x147E0] =	vst v1  }
0x5c: {  	[tilespmem:$0x147F0] =	vst v1  }
0x5d: {  	s1 =	simm.s32 $0x0;
	[bflag:$0x0] =	sbarrier.arrive $0xFFFF  }
.LBB2_2:
0x5e: {  	p1 =	sne.s32 s1, $0x9E00  }
.Ltmp0:
0x5f: {  	_ = 	snop;
	(pc) =	sbr.rel @p1 .LBB2_2-.Ltmp0, $4  }
0x60: {  	_ = 	snop  }
0x61: {  	s5 =	sshra.s32 s1, $0x2  }
0x62: {  	s1 =	sadd.s32 $0x200, s1;
	s5 =	sadd.s32 $0x5280, s5  }
0x63: {  	[spmem:s2] =	stream.indirect.scatter.add.f32 [tilespmem:s23], [sflag:$0x1], $0x1, s5, s22, $0xb8;
	[tilespmem:$0x16800] =	vst v63  }
0x64: {  	s1 =	simm.s32 $0x0  }
.LBB2_4:
0x65: {  	p1 =	sne.s32 s1, $0x9E00  }
.Ltmp1:
0x66: {  	_ = 	snop;
	(pc) =	sbr.rel @p1 .LBB2_4-.Ltmp1, $4  }
0x67: {  	_ = 	snop  }
0x68: {  	s5 =	sshra.s32 s1, $0x2  }
0x69: {  	s1 =	sadd.s32 $0x200, s1;
	s5 =	sadd.s32 $0x7A80, s5  }
0x6a: {  	[spmem:s2] =	stream.indirect.scatter.add.f32 [tilespmem:s23], [sflag:$0x1], $0x1, s5, s22, $0xb8;
	[tilespmem:$0x16800] =	vst v63  }
0x6b: {  	_ =	swait.ge [sflag:s24], $0x80  }
0x6c: {  	s1 =	simm.s32 $0x9F;
	[sflag:s24] =	ssyncset.done $0x0  }
.LBB2_6:
0x6d: {  	p1 =	sne.s32 s1, $0x1;
	s1 =	sadd.s32 $0xFFFFFFFF, s1;
	[sflag:s24] =	ssyncadd.s32 $0xFFFFFF80  }
.Ltmp2:
0x6e: {  	(pc) =	sbr.rel @p1 .LBB2_6-.Ltmp2, $3  }
0x6f: {  	_ =	sdelay $0x1  }
0x70: {  	_ =	swait.ge [sflag:s24], $0x80  }
0x71: {  	[sflag:s24] =	ssyncset.done $0x0  }
0x72: {  	[sflag:s24] =	ssyncadd.s32 $0xFFFFFF80  }
0x73: {  	[bflag:$0x0] =	sbarrier.arrive $0xFFFF  }
0x74: {  	[tilespmem:s12], [sflag:$0xA] =	stream.linear.gather [spmem:s10], $0x280, $0x38;
	[tilespmem:$0x16800] =	vst v63  }
0x75: {  	_ =	swait.ge [sflag:s18], $0x280  }
0x76: {  	[sflag:s18] =	ssyncset.done $0x0  }
0x77: {  	s8 =	simm.s32 $0x0;
	[sflag:s18] =	ssyncadd.s32 $0xFFFFFD80  }
0x78: {  	v2 =	vld [tilespmem:s8+$0xF280];
	_ =	sdelay $0x4  }
0x79: {  	v11 =	vadd.f32 $1.000000000e+00, v2;
	_ =	sdelay $0x1  }
0x7a: {  	v2 =	vadd.f32 $1.000000000e+00, v11;
	_ =	sdelay $0x1  }
0x7b: {  	v2 =	vmul.f32 $5.000000000e-01, v2;
	_ =	sdelay $0x1  }
0x7c: {  	(erf) = vrcp.f32 v2;
	_ =	sdelay $0x8  }
0x7d: {  	v3 =	vpop (erf)  }
0x7e: {  	v3 =	vmul.f32 v3, v11;
	_ =	sdelay $0x1  }
0x7f: {  	s10 =	simm.s32 $0x10;
	v2 =	vadd.f32 v3, v2  }
0x80: {  	v3 =	vld [tilespmem:s10+$0xF280]  }
0x81: {  	v2 =	vmul.f32 $5.000000000e-01, v2;
	_ =	sdelay $0x1  }
0x82: {  	(erf) = vrcp.f32 v2;
	_ =	sdelay $0x1  }
0x83: {  	v10 =	vadd.f32 $1.000000000e+00, v3;
	_ =	sdelay $0x1  }
0x84: {  	v3 =	vadd.f32 $1.000000000e+00, v10;
	_ =	sdelay $0x1  }
0x85: {  	v3 =	vmul.f32 $5.000000000e-01, v3;
	_ =	sdelay $0x1  }
0x86: {  	(erf) = vrcp.f32 v3  }
0x87: {  	v4 =	vpop (erf)  }
0x88: {  	v4 =	vmul.f32 v4, v11;
	_ =	sdelay $0x1  }
0x89: {  	v2 =	vadd.f32 v4, v2;
	_ =	sdelay $0x1  }
0x8a: {  	v2 =	vmul.f32 $5.000000000e-01, v2;
	_ =	sdelay $0x1  }
0x8b: {  	(erf) = vrcp.f32 v2  }
0x8c: {  	v4 =	vpop (erf)  }
0x8d: {  	v4 =	vmul.f32 v4, v10  }
0x8e: {  	s11 =	simm.s32 $0x20  }
0x8f: {  	v5 =	vld [tilespmem:s11+$0xF280];
	v3 =	vadd.f32 v4, v3;
	_ =	sdelay $0x1  }
0x90: {  	v3 =	vmul.f32 $5.000000000e-01, v3;
	_ =	sdelay $0x1  }
0x91: {  	(erf) = vrcp.f32 v3  }
0x92: {  	v8 =	vadd.f32 $1.000000000e+00, v5;
	v4 =	vpop (erf)  }
0x93: {  	v4 =	vmul.f32 v4, v11  }
0x94: {  	v5 =	vadd.f32 $1.000000000e+00, v8  }
0x95: {  	v2 =	vadd.f32 v4, v2  }
0x96: {  	v4 =	vmul.f32 $5.000000000e-01, v5  }
0x97: {  	v2 =	vmul.f32 $5.000000000e-01, v2  }
0x98: {  	(erf) = vrcp.f32 v4  }
0x99: {  	(erf) = vrcp.f32 v2  }
0x9a: {  	v5 =	vpop (erf)  }
0x9b: {  	v5 =	vmul.f32 v5, v10;
	_ =	sdelay $0x1  }
0x9c: {  	v3 =	vadd.f32 v5, v3;
	_ =	sdelay $0x1  }
0x9d: {  	v3 =	vmul.f32 $5.000000000e-01, v3;
	_ =	sdelay $0x1  }
0x9e: {  	v5 =	vpop (erf);
	(erf) = vrcp.f32 v3  }
0x9f: {  	v5 =	vmul.f32 v5, v8;
	v6 =	vpop (erf)  }
0xa0: {  	v6 =	vmul.f32 v6, v11  }
0xa1: {  	s13 =	simm.s32 $0x30;
	v4 =	vadd.f32 v5, v4  }
0xa2: {  	v5 =	vld [tilespmem:s13+$0xF280];
	v2 =	vadd.f32 v6, v2  }
0xa3: {  	v4 =	vmul.f32 $5.000000000e-01, v4  }
0xa4: {  	v2 =	vmul.f32 $5.000000000e-01, v2  }
0xa5: {  	(erf) = vrcp.f32 v4  }
0xa6: {  	(erf) = vrcp.f32 v2  }
0xa7: {  	v6 =	vadd.f32 $1.000000000e+00, v5;
	v5 =	vpop (erf)  }
0xa8: {  	v5 =	vmul.f32 v5, v10  }
0xa9: {  	v7 =	vadd.f32 $1.000000000e+00, v6  }
0xaa: {  	v3 =	vadd.f32 v5, v3  }
0xab: {  	v5 =	vmul.f32 $5.000000000e-01, v7  }
0xac: {  	v3 =	vmul.f32 $5.000000000e-01, v3  }
0xad: {  	(erf) = vrcp.f32 v5  }
0xae: {  	v7 =	vpop (erf);
	(erf) = vrcp.f32 v3  }
0xaf: {  	v7 =	vmul.f32 v7, v8;
	v9 =	vpop (erf)  }
0xb0: {  	v9 =	vmul.f32 v9, v11  }
0xb1: {  	v4 =	vadd.f32 v7, v4  }
0xb2: {  	v2 =	vadd.f32 v9, v2  }
0xb3: {  	v7 =	vmul.f32 $5.000000000e-01, v4  }
0xb4: {  	v2 =	vmul.f32 $5.000000000e-01, v2  }
0xb5: {  	(erf) = vrcp.f32 v7  }
0xb6: {  	v4 =	vpop (erf);
	(erf) = vrcp.f32 v2  }
0xb7: {  	v4 =	vmul.f32 v4, v6;
	v9 =	vpop (erf)  }
0xb8: {  	s14 =	simm.s32 $0x40;
	v9 =	vmul.f32 v9, v10  }
0xb9: {  	v12 =	vld [tilespmem:s14+$0xF280];
	v4 =	vadd.f32 v4, v5  }
0xba: {  	v3 =	vadd.f32 v9, v3  }
0xbb: {  	v5 =	vmul.f32 $5.000000000e-01, v4  }
0xbc: {  	v3 =	vmul.f32 $5.000000000e-01, v3  }
0xbd: {  	(erf) = vrcp.f32 v5  }
0xbe: {  	v4 =	vadd.f32 $1.000000000e+00, v12;
	v9 =	vpop (erf);
	(erf) = vrcp.f32 v3  }
0xbf: {  	v9 =	vmul.f32 v9, v8;
	v12 =	vpop (erf)  }
0xc0: {  	v13 =	vadd.f32 $1.000000000e+00, v4;
	v12 =	vmul.f32 v12, v11  }
0xc1: {  	v7 =	vadd.f32 v9, v7  }
0xc2: {  	v9 =	vmul.f32 $5.000000000e-01, v13;
	v2 =	vadd.f32 v12, v2  }
0xc3: {  	v7 =	vmul.f32 $5.000000000e-01, v7  }
0xc4: {  	(erf) = vrcp.f32 v9;
	v2 =	vmul.f32 $5.000000000e-01, v2  }
0xc5: {  	(erf) = vrcp.f32 v7  }
0xc6: {  	v12 =	vpop (erf);
	(erf) = vrcp.f32 v2  }
0xc7: {  	v13 =	vpop (erf)  }
0xc8: {  	v13 =	vmul.f32 v13, v10  }
0xc9: {  	v12 =	vmul.f32 v12, v6  }
0xca: {  	v3 =	vadd.f32 v13, v3  }
0xcb: {  	v5 =	vadd.f32 v12, v5;
	_ =	sdelay $0x1  }
0xcc: {  	v5 =	vmul.f32 $5.000000000e-01, v5;
	v12 =	vpop (erf)  }
0xcd: {  	v13 =	vmul.f32 $5.000000000e-01, v3;
	v3 =	vpop (erf)  }
0xce: {  	(erf) = vrcp.f32 v5;
	v12 =	vmul.f32 v12, v4;
	v14 =	vpop (erf)  }
0xcf: {  	(erf) = vrcp.f32 v13;
	v14 =	vmul.f32 v14, v11  }
0xd0: {  	v9 =	vadd.f32 v12, v9  }
0xd1: {  	s15 =	simm.s32 $0x50;
	v3 =	vmul.f32 v3, v8;
	v2 =	vadd.f32 v14, v2  }
0xd2: {  	v12 =	vld [tilespmem:s15+$0xF280];
	v9 =	vmul.f32 $5.000000000e-01, v9  }
0xd3: {  	v3 =	vadd.f32 v3, v7;
	v2 =	vmul.f32 $5.000000000e-01, v2  }
0xd4: {  	(erf) = vrcp.f32 v9  }
0xd5: {  	v7 =	vmul.f32 $5.000000000e-01, v3;
	(erf) = vrcp.f32 v2;
	_ =	sdelay $0x1  }
0xd6: {  	v3 =	vadd.f32 $1.000000000e+00, v12;
	v12 =	vpop (erf);
	(erf) = vrcp.f32 v7  }
0xd7: {  	v12 =	vmul.f32 v12, v6;
	v14 =	vpop (erf)  }
0xd8: {  	v15 =	vadd.f32 $1.000000000e+00, v3;
	v14 =	vmul.f32 v14, v10  }
0xd9: {  	v5 =	vadd.f32 v12, v5  }
0xda: {  	v12 =	vmul.f32 $5.000000000e-01, v15;
	v13 =	vadd.f32 v14, v13  }
0xdb: {  	v5 =	vmul.f32 $5.000000000e-01, v5  }
0xdc: {  	(erf) = vrcp.f32 v12;
	v14 =	vpop (erf);
	v13 =	vmul.f32 $5.000000000e-01, v13  }
0xdd: {  	(erf) = vrcp.f32 v5;
	v15 =	vpop (erf)  }
0xde: {  	(erf) = vrcp.f32 v13;
	v15 =	vmul.f32 v15, v11  }
0xdf: {  	v14 =	vmul.f32 v14, v4;
	v16 =	vpop (erf)  }
0xe0: {  	v2 =	vadd.f32 v15, v2;
	v15 =	vmul.f32 v16, v8  }
0xe1: {  	v9 =	vadd.f32 v14, v9  }
0xe2: {  	v14 =	vmul.f32 $5.000000000e-01, v2;
	v2 =	vadd.f32 v15, v7;
	_ =	sdelay $0x2  }
0xe3: {  	v7 =	vmul.f32 $5.000000000e-01, v9;
	v9 =	vpop (erf);
	(erf) = vrcp.f32 v14  }
0xe4: {  	v15 =	vmul.f32 $5.000000000e-01, v2;
	v2 =	vpop (erf)  }
0xe5: {  	v9 =	vmul.f32 v9, v3;
	(erf) = vrcp.f32 v7;
	v16 =	vpop (erf)  }
0xe6: {  	s16 =	simm.s32 $0x60;
	(erf) = vrcp.f32 v15;
	v16 =	vmul.f32 v16, v10  }
0xe7: {  	v17 =	vld [tilespmem:s16+$0xF280];
	v9 =	vadd.f32 v9, v12  }
0xe8: {  	v2 =	vmul.f32 v2, v6;
	v12 =	vadd.f32 v16, v13  }
0xe9: {  	v9 =	vmul.f32 $5.000000000e-01, v9  }
0xea: {  	v5 =	vadd.f32 v2, v5;
	v12 =	vmul.f32 $5.000000000e-01, v12  }
0xeb: {  	(erf) = vrcp.f32 v9  }
0xec: {  	v2 =	vadd.f32 $1.000000000e+00, v17;
	v5 =	vmul.f32 $5.000000000e-01, v5;
	v13 =	vpop (erf);
	(erf) = vrcp.f32 v12  }
0xed: {  	v13 =	vmul.f32 v13, v11  }
0xee: {  	v16 =	vadd.f32 $1.000000000e+00, v2;
	v17 =	vpop (erf);
	(erf) = vrcp.f32 v5  }
0xef: {  	v18 =	vpop (erf);
	v13 =	vadd.f32 v13, v14  }
0xf0: {  	v14 =	vmul.f32 $5.000000000e-01, v16;
	v16 =	vmul.f32 v18, v8  }
0xf1: {  	v17 =	vmul.f32 v17, v4;
	v13 =	vmul.f32 $5.000000000e-01, v13  }
0xf2: {  	(erf) = vrcp.f32 v14  }
0xf3: {  	v7 =	vadd.f32 v17, v7;
	(erf) = vrcp.f32 v13  }
0xf4: {  	v15 =	vadd.f32 v16, v15;
	v16 =	vpop (erf)  }
0xf5: {  	v7 =	vmul.f32 $5.000000000e-01, v7;
	v17 =	vpop (erf)  }
0xf6: {  	v15 =	vmul.f32 $5.000000000e-01, v15;
	v17 =	vmul.f32 v17, v10  }
0xf7: {  	(erf) = vrcp.f32 v7;
	v16 =	vmul.f32 v16, v3;
	v18 =	vpop (erf)  }
0xf8: {  	(erf) = vrcp.f32 v15;
	v12 =	vadd.f32 v17, v12;
	v17 =	vmul.f32 v18, v6;
	_ =	sdelay $0x2  }
0xf9: {  	v9 =	vadd.f32 v16, v9;
	v16 =	vpop (erf)  }
0xfa: {  	v5 =	vadd.f32 v17, v5;
	v17 =	vpop (erf)  }
0xfb: {  	v17 =	vmul.f32 v17, v11  }
0xfc: {  	v12 =	vmul.f32 $5.000000000e-01, v12  }
0xfd: {  	v9 =	vmul.f32 $5.000000000e-01, v9  }
0xfe: {  	(erf) = vrcp.f32 v12;
	v18 =	vmul.f32 $5.000000000e-01, v5;
	v5 =	vpop (erf)  }
0xff: {  	v16 =	vmul.f32 v16, v2;
	(erf) = vrcp.f32 v9;
	v13 =	vadd.f32 v17, v13;
	v17 =	vpop (erf)  }
0x100: {  	v17 =	vmul.f32 v17, v8  }
0x101: {  	s1 =	simm.s32 $0x70;
	v14 =	vadd.f32 v16, v14;
	(erf) = vrcp.f32 v18  }
0x102: {  	v19 =	vld [tilespmem:s1+$0xF280];
	v13 =	vmul.f32 $5.000000000e-01, v13;
	v15 =	vadd.f32 v17, v15  }
0x103: {  	v14 =	vmul.f32 $5.000000000e-01, v14;
	v5 =	vmul.f32 v5, v4  }
0x104: {  	(erf) = vrcp.f32 v13;
	v15 =	vmul.f32 $5.000000000e-01, v15  }
0x105: {  	v7 =	vadd.f32 v5, v7;
	(erf) = vrcp.f32 v14  }
0x106: {  	(erf) = vrcp.f32 v15  }
0x107: {  	v5 =	vadd.f32 $1.000000000e+00, v19;
	v7 =	vmul.f32 $5.000000000e-01, v7;
	v16 =	vpop (erf)  }
0x108: {  	v17 =	vpop (erf);
	v16 =	vmul.f32 v16, v10  }
0x109: {  	v19 =	vadd.f32 $1.000000000e+00, v5;
	v17 =	vmul.f32 v17, v3;
	(erf) = vrcp.f32 v7  }
0x10a: {  	v20 =	vpop (erf);
	v12 =	vadd.f32 v16, v12  }
0x10b: {  	v16 =	vmul.f32 $5.000000000e-01, v19;
	v9 =	vadd.f32 v17, v9;
	v17 =	vmul.f32 v20, v6  }
0x10c: {  	v12 =	vmul.f32 $5.000000000e-01, v12  }
0x10d: {  	(erf) = vrcp.f32 v16;
	v9 =	vmul.f32 $5.000000000e-01, v9;
	v17 =	vadd.f32 v17, v18;
	v19 =	vpop (erf)  }
0x10e: {  	(erf) = vrcp.f32 v12;
	v18 =	vmul.f32 v19, v11;
	v19 =	vpop (erf)  }
0x10f: {  	v17 =	vmul.f32 $5.000000000e-01, v17;
	v20 =	vpop (erf)  }
0x110: {  	(erf) = vrcp.f32 v9;
	v13 =	vadd.f32 v18, v13;
	v18 =	vmul.f32 v20, v8  }
0x111: {  	(erf) = vrcp.f32 v17  }
0x112: {  	v15 =	vadd.f32 v18, v15;
	v18 =	vmul.f32 v19, v2;
	v19 =	vpop (erf)  }
0x113: {  	v19 =	vmul.f32 v19, v4  }
0x114: {  	v13 =	vmul.f32 $5.000000000e-01, v13  }
0x115: {  	v15 =	vmul.f32 $5.000000000e-01, v15;
	v14 =	vadd.f32 v18, v14;
	v7 =	vadd.f32 v19, v7  }
0x116: {  	(erf) = vrcp.f32 v13;
	v18 =	vpop (erf)  }
0x117: {  	(erf) = vrcp.f32 v15;
	v14 =	vmul.f32 $5.000000000e-01, v14;
	v19 =	vpop (erf)  }
0x118: {  	v20 =	vmul.f32 $5.000000000e-01, v7;
	v19 =	vmul.f32 v19, v10  }
0x119: {  	v18 =	vmul.f32 v18, v5;
	(erf) = vrcp.f32 v14;
	v7 =	vpop (erf)  }
0x11a: {  	s5 =	simm.s32 $0x80;
	v12 =	vadd.f32 v19, v12;
	v21 =	vpop (erf)  }
0x11b: {  	v16 =	vadd.f32 v18, v16;
	v19 =	vld [tilespmem:s5+$0xF280];
	v7 =	vmul.f32 v7, v3;
	v18 =	vmul.f32 v21, v6  }
0x11c: {  	(erf) = vrcp.f32 v20;
	v12 =	vmul.f32 $5.000000000e-01, v12  }
0x11d: {  	v9 =	vadd.f32 v7, v9  }
0x11e: {  	v17 =	vadd.f32 v18, v17;
	(erf) = vrcp.f32 v12  }
0x11f: {  	v16 =	vmul.f32 $5.000000000e-01, v16;
	v9 =	vmul.f32 $5.000000000e-01, v9;
	v18 =	vpop (erf)  }
0x120: {  	v7 =	vadd.f32 $1.000000000e+00, v19;
	v17 =	vmul.f32 $5.000000000e-01, v17;
	v18 =	vmul.f32 v18, v11;
	v19 =	vpop (erf)  }
0x121: {  	(erf) = vrcp.f32 v16;
	v19 =	vmul.f32 v19, v8  }
0x122: {  	(erf) = vrcp.f32 v17;
	v21 =	vpop (erf);
	v13 =	vadd.f32 v18, v13  }
0x123: {  	(erf) = vrcp.f32 v9;
	v21 =	vmul.f32 v21, v2  }
0x124: {  	v13 =	vmul.f32 $5.000000000e-01, v13  }
0x125: {  	v18 =	vadd.f32 $1.000000000e+00, v7;
	v15 =	vadd.f32 v19, v15;
	v19 =	vpop (erf)  }
0x126: {  	(erf) = vrcp.f32 v13;
	v19 =	vmul.f32 v19, v4  }
0x127: {  	v18 =	vmul.f32 $5.000000000e-01, v18;
	v14 =	vadd.f32 v21, v14;
	v21 =	vpop (erf)  }
0x128: {  	v15 =	vmul.f32 $5.000000000e-01, v15;
	v19 =	vadd.f32 v19, v20;
	v20 =	vmul.f32 v21, v10  }
0x129: {  	v14 =	vmul.f32 $5.000000000e-01, v14;
	(erf) = vrcp.f32 v18  }
0x12a: {  	(erf) = vrcp.f32 v15;
	v21 =	vpop (erf);
	v19 =	vmul.f32 $5.000000000e-01, v19  }
0x12b: {  	(erf) = vrcp.f32 v14;
	v21 =	vmul.f32 v21, v5;
	v22 =	vpop (erf)  }
0x12c: {  	v12 =	vadd.f32 v20, v12;
	v20 =	vpop (erf);
	(erf) = vrcp.f32 v19  }
0x12d: {  	v22 =	vmul.f32 v22, v6;
	v20 =	vmul.f32 v20, v3  }
0x12e: {  	v16 =	vadd.f32 v21, v16  }
0x12f: {  	v12 =	vmul.f32 $5.000000000e-01, v12;
	v17 =	vadd.f32 v22, v17;
	v21 =	vpop (erf);
	v9 =	vadd.f32 v20, v9  }
0x130: {  	v20 =	vmul.f32 v21, v11  }
0x131: {  	(erf) = vrcp.f32 v12;
	v17 =	vmul.f32 $5.000000000e-01, v17  }
0x132: {  	v16 =	vmul.f32 $5.000000000e-01, v16;
	v21 =	vpop (erf)  }
0x133: {  	v22 =	vmul.f32 $5.000000000e-01, v9;
	(erf) = vrcp.f32 v17;
	v9 =	vpop (erf)  }
0x134: {  	v21 =	vmul.f32 v21, v7;
	v13 =	vadd.f32 v20, v13;
	v20 =	vpop (erf)  }
0x135: {  	(erf) = vrcp.f32 v16;
	v9 =	vmul.f32 v9, v8;
	v23 =	vpop (erf)  }
0x136: {  	s9 =	simm.s32 $0x90;
	v18 =	vadd.f32 v21, v18;
	v13 =	vmul.f32 $5.000000000e-01, v13;
	v21 =	vmul.f32 v23, v4  }
0x137: {  	(erf) = vrcp.f32 v22;
	v9 =	vadd.f32 v9, v15;
	v15 =	vld [tilespmem:s9+$0xF280]  }
0x138: {  	(erf) = vrcp.f32 v13;
	v19 =	vadd.f32 v21, v19;
	_ =	sdelay $0x1  }
0x139: {  	v23 =	vmul.f32 $5.000000000e-01, v9;
	v9 =	vmul.f32 v20, v2;
	v20 =	vpop (erf)  }
0x13a: {  	v18 =	vmul.f32 $5.000000000e-01, v18;
	v20 =	vmul.f32 v20, v10  }
0x13b: {  	v14 =	vadd.f32 v9, v14;
	v9 =	vadd.f32 $1.000000000e+00, v15;
	v15 =	vmul.f32 $5.000000000e-01, v19;
	v19 =	vpop (erf)  }
0x13c: {  	(erf) = vrcp.f32 v23;
	v19 =	vmul.f32 v19, v6  }
0x13d: {  	(erf) = vrcp.f32 v18;
	v14 =	vmul.f32 $5.000000000e-01, v14  }
0x13e: {  	v21 =	vpop (erf);
	(erf) = vrcp.f32 v15  }
0x13f: {  	v12 =	vadd.f32 v20, v12;
	(erf) = vrcp.f32 v14;
	v24 =	vpop (erf);
	v21 =	vmul.f32 v21, v5  }
0x140: {  	v20 =	vadd.f32 $1.000000000e+00, v9;
	v17 =	vadd.f32 v19, v17;
	v19 =	vpop (erf)  }
0x141: {  	v16 =	vadd.f32 v21, v16;
	v21 =	vmul.f32 v24, v3;
	v19 =	vmul.f32 v19, v11  }
0x142: {  	v12 =	vmul.f32 $5.000000000e-01, v12  }
0x143: {  	v20 =	vmul.f32 $5.000000000e-01, v20;
	v61 =	vmul.f32 $5.000000000e-01, v16;
	v16 =	vadd.f32 v21, v22  }
0x144: {  	(erf) = vrcp.f32 v12;
	v17 =	vmul.f32 $5.000000000e-01, v17  }
0x145: {  	(erf) = vrcp.f32 v20;
	v13 =	vadd.f32 v19, v13;
	v22 =	vmul.f32 $5.000000000e-01, v16;
	v19 =	vpop (erf)  }
0x146: {  	(erf) = vrcp.f32 v17;
	v19 =	vmul.f32 v19, v8;
	v21 =	vpop (erf)  }
0x147: {  	v13 =	vmul.f32 $5.000000000e-01, v13;
	v16 =	vmul.f32 v21, v7;
	v21 =	vpop (erf)  }
0x148: {  	(erf) = vrcp.f32 v61;
	v19 =	vadd.f32 v19, v23;
	v23 =	vpop (erf)  }
0x149: {  	(erf) = vrcp.f32 v13;
	v23 =	vmul.f32 v23, v2  }
0x14a: {  	(erf) = vrcp.f32 v22;
	v21 =	vmul.f32 v21, v4  }
0x14b: {  	v14 =	vadd.f32 v23, v14  }
0x14c: {  	v19 =	vmul.f32 $5.000000000e-01, v19  }
0x14d: {  	v16 =	vadd.f32 v16, v18;
	v18 =	vpop (erf);
	v15 =	vadd.f32 v21, v15  }
0x14e: {  	v18 =	vmul.f32 v18, v10;
	(erf) = vrcp.f32 v19;
	v21 =	vpop (erf)  }
0x14f: {  	v23 =	vmul.f32 $5.000000000e-01, v15;
	v26 =	vmul.f32 $5.000000000e-01, v14;
	v14 =	vpop (erf)  }
0x150: {  	v25 =	vmul.f32 $5.000000000e-01, v16;
	v12 =	vadd.f32 v18, v12;
	v14 =	vmul.f32 v14, v6  }
0x151: {  	v16 =	vmul.f32 v21, v9;
	(erf) = vrcp.f32 v23;
	v15 =	vpop (erf)  }
0x152: {  	v12 =	vmul.f32 $5.000000000e-01, v12;
	(erf) = vrcp.f32 v25;
	v14 =	vadd.f32 v14, v17;
	v17 =	vpop (erf)  }
0x153: {  	s12 =	simm.s32 $0xA0;
	(erf) = vrcp.f32 v26;
	v18 =	vpop (erf);
	v11 =	vmul.f32 v17, v11;
	v17 =	vadd.f32 v16, v20  }
0x154: {  	v21 =	vld [tilespmem:s12+$0xF280];
	(erf) = vrcp.f32 v12;
	v18 =	vmul.f32 v18, v3  }
0x155: {  	v16 =	vmul.f32 $5.000000000e-01, v14  }
0x156: {  	v14 =	vmul.f32 v15, v5;
	v11 =	vadd.f32 v11, v13;
	v13 =	vadd.f32 v18, v22  }
0x157: {  	v15 =	vmul.f32 $5.000000000e-01, v17;
	(erf) = vrcp.f32 v16;
	v17 =	vpop (erf)  }
0x158: {  	v14 =	vadd.f32 v14, v61;
	v22 =	vmul.f32 $5.000000000e-01, v11;
	v20 =	vmul.f32 v17, v8  }
0x159: {  	(erf) = vrcp.f32 v15;
	v11 =	vadd.f32 $1.000000000e+00, v21;
	v17 =	vmul.f32 $5.000000000e-01, v13  }
0x15a: {  	v18 =	vmul.f32 $5.000000000e-01, v14;
	v13 =	vpop (erf);
	(erf) = vrcp.f32 v22;
	v14 =	vadd.f32 v20, v19  }
0x15b: {  	v21 =	vadd.f32 $1.000000000e+00, v11;
	v19 =	vpop (erf);
	(erf) = vrcp.f32 v17;
	v13 =	vmul.f32 v13, v4  }
0x15c: {  	(erf) = vrcp.f32 v18;
	v22 =	vpop (erf);
	v20 =	vmul.f32 $5.000000000e-01, v14  }
0x15d: {  	v19 =	vmul.f32 v19, v7;
	v14 =	vmul.f32 $5.000000000e-01, v21;
	v13 =	vadd.f32 v13, v23;
	v23 =	vpop (erf)  }
0x15e: {  	v23 =	vmul.f32 v23, v10;
	(erf) = vrcp.f32 v20  }
0x15f: {  	v22 =	vmul.f32 v22, v2;
	v19 =	vadd.f32 v19, v25;
	v21 =	vmul.f32 $5.000000000e-01, v13  }
0x160: {  	(erf) = vrcp.f32 v14;
	v62 =	vadd.f32 v23, v12  }
0x161: {  	v63 =	vpop (erf);
	v13 =	vmul.f32 $5.000000000e-01, v19;
	v12 =	vadd.f32 v22, v26;
	(erf) = vrcp.f32 v21  }
0x162: {  	s7 =	simm.s32 $0x2C0;
	v22 =	vmul.f32 v63, v6;
	v23 =	vpop (erf);
	v19 =	vmul.f32 $5.000000000e-01, v62  }
.LBB2_8:
0x163: {  	p1 =	sne.s32 s7, $0x9C0;
	(erf) = vrcp.f32 v13;
	v12 =	vmul.f32 $5.000000000e-01, v12;
	v24 =	vpop (erf)  }
0x164: {  	v23 =	vmul.f32 v23, v9;
	v25 =	vpop (erf);
	v16 =	vadd.f32 v22, v16;
	(erf) = vrcp.f32 v19;
	[tilespmem:s8+$0xF500] =	vst v24;
	s8 =	smov.u32 s10;
	s10 =	smov.u32 s11;
	s11 =	smov.u32 s13  }
0x165: {  	s13 =	smov.u32 s14;
	s14 =	smov.u32 s15;
	s15 =	smov.u32 s16;
	v22 =	vpop (erf);
	(erf) = vrcp.f32 v12;
	v24 =	vmul.f32 v25, v3  }
0x166: {  	s16 =	smov.u32 s1;
	s1 =	smov.u32 s5;
	s5 =	smov.u32 s9;
	v26 =	vmul.f32 v22, v5;
	v25 =	vmul.f32 $5.000000000e-01, v16  }
0x167: {  	s9 =	smov.u32 s12;
	v27 =	vadd.f32 v23, v15;
	v16 =	vadd.f32 v24, v17;
	v17 =	vpop (erf)  }
0x168: {  	v18 =	vadd.f32 v26, v18;
	(erf) = vrcp.f32 v25;
	v17 =	vmul.f32 v17, v8  }
0x169: {  	v22 =	vpop (erf);
	v23 =	vmul.f32 $5.000000000e-01, v16  }
0x16a: {  	v24 =	vmul.f32 $5.000000000e-01, v27;
	v26 =	vmul.f32 $5.000000000e-01, v18;
	v15 =	vpop (erf);
	v16 =	vadd.f32 v17, v20  }
0x16b: {  	(erf) = vrcp.f32 v23;
	v15 =	vmul.f32 v15, v4  }
0x16c: {  	(erf) = vrcp.f32 v24;
	v17 =	vpop (erf);
	v27 =	vmul.f32 $5.000000000e-01, v16  }
0x16d: {  	s12 =	sshra.s32 s7, $0x2;
	v16 =	vmul.f32 v22, v11;
	(erf) = vrcp.f32 v26;
	v15 =	vadd.f32 v15, v21;
	v18 =	vpop (erf)  }
0x16e: {  	v20 =	vld [tilespmem:s12+$0xF280];
	v21 =	vpop (erf);
	(erf) = vrcp.f32 v27;
	v18 =	vmul.f32 v18, v10;
	v10 =	vmov v8  }
0x16f: {  	v14 =	vadd.f32 v16, v14;
	v8 =	vmovc v6;
	v6 =	vmovc v4;
	v21 =	vmul.f32 v21, v2;
	v16 =	vmul.f32 $5.000000000e-01, v15  }
0x170: {  	v17 =	vmul.f32 v17, v7;
	v4 =	vmovc v3;
	v3 =	vmovc v2;
	v2 =	vmov v5;
	v18 =	vadd.f32 v18, v19  }
0x171: {  	v15 =	vmul.f32 $5.000000000e-01, v14;
	v21 =	vadd.f32 v21, v12;
	(erf) = vrcp.f32 v16;
	v5 =	vpop (erf)  }
0x172: {  	v13 =	vadd.f32 v17, v13;
	v14 =	vmul.f32 v5, v8;
	v22 =	vmul.f32 $5.000000000e-01, v18;
	v5 =	vmovc v7;
	v7 =	vmovc v9  }
0x173: {  	v9 =	vmovc v11;
	(erf) = vrcp.f32 v15;
	v17 =	vmul.f32 $5.000000000e-01, v21;
	v11 =	vadd.f32 $1.000000000e+00, v20  }
0x174: {  	v18 =	vmul.f32 $5.000000000e-01, v13;
	v12 =	vpop (erf);
	v13 =	vadd.f32 v14, v25;
	(erf) = vrcp.f32 v22  }
0x175: {  	v14 =	vadd.f32 $1.000000000e+00, v11;
	v19 =	vpop (erf);
	(erf) = vrcp.f32 v17;
	v12 =	vmul.f32 v12, v4  }
0x176: {  	(erf) = vrcp.f32 v18;
	v21 =	vpop (erf);
	v20 =	vmul.f32 $5.000000000e-01, v13  }
0x177: {  	v13 =	vmul.f32 v19, v7;
	v14 =	vmul.f32 $5.000000000e-01, v14;
	v12 =	vadd.f32 v12, v23;
	v19 =	vpop (erf)  }
.Ltmp3:
0x178: {  	(erf) = vrcp.f32 v20;
	v19 =	vmul.f32 v19, v10;
	(pc) =	sbr.rel @p1 .LBB2_8-.Ltmp3, $4  }
0x179: {  	v22 =	vmul.f32 v21, v2;
	v13 =	vadd.f32 v13, v24;
	v21 =	vmul.f32 $5.000000000e-01, v12  }
0x17a: {  	(erf) = vrcp.f32 v14;
	v24 =	vpop (erf);
	v19 =	vadd.f32 v19, v27  }
0x17b: {  	v12 =	vadd.f32 v22, v26;
	v13 =	vmul.f32 $5.000000000e-01, v13;
	(erf) = vrcp.f32 v21  }
0x17c: {  	s7 =	sadd.s32 $0x40, s7;
	v22 =	vmul.f32 v24, v6;
	v23 =	vpop (erf);
	v19 =	vmul.f32 $5.000000000e-01, v19  }
0x17d: {  	v24 =	vmul.f32 $5.000000000e-01, v12;
	v12 =	vpop (erf)  }
0x17e: {  	v25 =	vpop (erf)  }
0x17f: {  	(erf) = vrcp.f32 v13;
	v16 =	vadd.f32 v22, v16;
	v25 =	vmul.f32 v25, v3  }
0x180: {  	(erf) = vrcp.f32 v19  }
0x181: {  	v52 =	vpop (erf);
	(erf) = vrcp.f32 v24;
	v16 =	vmul.f32 $5.000000000e-01, v16;
	v17 =	vadd.f32 v25, v17  }
0x182: {  	v23 =	vmul.f32 v23, v9;
	v22 =	vmul.f32 v52, v5  }
0x183: {  	v53 =	vpop (erf);
	(erf) = vrcp.f32 v16;
	v17 =	vmul.f32 $5.000000000e-01, v17  }
0x184: {  	v15 =	vadd.f32 v23, v15;
	v18 =	vadd.f32 v22, v18;
	v54 =	vmul.f32 v53, v8;
	v55 =	vpop (erf)  }
0x185: {  	v56 =	vpop (erf);
	(erf) = vrcp.f32 v17  }
0x186: {  	v15 =	vmul.f32 $5.000000000e-01, v15;
	v18 =	vmul.f32 $5.000000000e-01, v18;
	v20 =	vadd.f32 v54, v20  }
0x187: {  	v23 =	vmul.f32 v55, v11;
	v57 =	vmul.f32 v56, v4  }
0x188: {  	(erf) = vrcp.f32 v15;
	v58 =	vpop (erf);
	v20 =	vmul.f32 $5.000000000e-01, v20  }
0x189: {  	(erf) = vrcp.f32 v18;
	v21 =	vadd.f32 v57, v21;
	v59 =	vpop (erf)  }
0x18a: {  	v14 =	vadd.f32 v23, v14;
	v10 =	vmul.f32 v59, v10;
	v60 =	vpop (erf);
	(erf) = vrcp.f32 v20  }
0x18b: {  	v22 =	vmul.f32 v60, v2;
	v21 =	vmul.f32 $5.000000000e-01, v21  }
0x18c: {  	v61 =	vmul.f32 v58, v7;
	v14 =	vmul.f32 $5.000000000e-01, v14;
	v10 =	vadd.f32 v10, v19;
	v63 =	vpop (erf)  }
0x18d: {  	v62 =	vadd.f32 v22, v24;
	(erf) = vrcp.f32 v21;
	v22 =	vmul.f32 v63, v6  }
0x18e: {  	v24 =	vadd.f32 v61, v13;
	v10 =	vmul.f32 $5.000000000e-01, v10;
	(erf) = vrcp.f32 v14;
	v25 =	vpop (erf)  }
0x18f: {  	v19 =	vmul.f32 $5.000000000e-01, v62;
	v26 =	vmul.f32 v25, v3  }
0x190: {  	v13 =	vmul.f32 $5.000000000e-01, v24;
	v16 =	vadd.f32 v22, v16;
	(erf) = vrcp.f32 v10  }
0x191: {  	(erf) = vrcp.f32 v19;
	v10 =	vadd.f32 v26, v17  }
0x192: {  	v27 =	vpop (erf);
	(erf) = vrcp.f32 v13;
	v16 =	vmul.f32 $5.000000000e-01, v16  }
0x193: {  	v28 =	vpop (erf);
	v22 =	vmul.f32 v27, v9;
	v30 =	vmul.f32 $5.000000000e-01, v10  }
0x194: {  	v29 =	vpop (erf);
	v31 =	vmul.f32 v28, v5;
	(erf) = vrcp.f32 v16  }
0x195: {  	v17 =	vmul.f32 v29, v8;
	(erf) = vrcp.f32 v30  }
0x196: {  	v15 =	vadd.f32 v22, v15  }
0x197: {  	v18 =	vadd.f32 v31, v18;
	v32 =	vpop (erf);
	v17 =	vadd.f32 v17, v20  }
0x198: {  	v15 =	vmul.f32 $5.000000000e-01, v15;
	v33 =	vpop (erf);
	v23 =	vmul.f32 v32, v4  }
0x199: {  	v18 =	vmul.f32 $5.000000000e-01, v18;
	v17 =	vmul.f32 $5.000000000e-01, v17;
	v10 =	vpop (erf)  }
0x19a: {  	(erf) = vrcp.f32 v15;
	v20 =	vmul.f32 v33, v11;
	v21 =	vadd.f32 v23, v21;
	v34 =	vpop (erf)  }
0x19b: {  	(erf) = vrcp.f32 v17;
	v24 =	vmul.f32 v34, v2  }
0x19c: {  	v35 =	vpop (erf);
	(erf) = vrcp.f32 v18;
	v21 =	vmul.f32 $5.000000000e-01, v21  }
0x19d: {  	v23 =	vmul.f32 v35, v7;
	v19 =	vadd.f32 v24, v19;
	v36 =	vpop (erf)  }
0x19e: {  	v14 =	vadd.f32 v20, v14;
	(erf) = vrcp.f32 v21;
	v37 =	vmul.f32 v36, v6;
	v38 =	vpop (erf)  }
0x19f: {  	v13 =	vadd.f32 v23, v13;
	v19 =	vmul.f32 $5.000000000e-01, v19;
	v39 =	vmul.f32 v38, v3  }
0x1a0: {  	v14 =	vmul.f32 $5.000000000e-01, v14;
	v16 =	vadd.f32 v37, v16  }
0x1a1: {  	v13 =	vmul.f32 $5.000000000e-01, v13;
	(erf) = vrcp.f32 v19;
	v20 =	vadd.f32 v39, v30  }
0x1a2: {  	(erf) = vrcp.f32 v14;
	v16 =	vmul.f32 $5.000000000e-01, v16  }
0x1a3: {  	v40 =	vpop (erf);
	(erf) = vrcp.f32 v13;
	v20 =	vmul.f32 $5.000000000e-01, v20  }
0x1a4: {  	v41 =	vpop (erf);
	(erf) = vrcp.f32 v16  }
0x1a5: {  	v42 =	vpop (erf);
	v43 =	vmul.f32 v41, v8;
	(erf) = vrcp.f32 v20  }
0x1a6: {  	v23 =	vmul.f32 v40, v9;
	v44 =	vmul.f32 v42, v5  }
0x1a7: {  	v8 =	vadd.f32 v43, v17;
	v46 =	vpop (erf)  }
0x1a8: {  	v15 =	vadd.f32 v23, v15;
	v45 =	vadd.f32 v44, v18;
	v18 =	vmul.f32 v46, v4  }
0x1a9: {  	v8 =	vmul.f32 $5.000000000e-01, v8  }
0x1aa: {  	v15 =	vmul.f32 $5.000000000e-01, v15;
	v17 =	vmul.f32 $5.000000000e-01, v45;
	v18 =	vadd.f32 v18, v21;
	v47 =	vpop (erf)  }
0x1ab: {  	(erf) = vrcp.f32 v8;
	v48 =	vpop (erf);
	v49 =	vmul.f32 v47, v2  }
0x1ac: {  	v18 =	vmul.f32 $5.000000000e-01, v18;
	v50 =	vpop (erf);
	(erf) = vrcp.f32 v17  }
0x1ad: {  	v51 =	vmul.f32 v48, v11;
	v52 =	vpop (erf);
	v8 =	vadd.f32 v49, v19;
	(erf) = vrcp.f32 v15  }
0x1ae: {  	v21 =	vmul.f32 v50, v7;
	v53 =	vmul.f32 v52, v6;
	v55 =	vpop (erf)  }
0x1af: {  	v14 =	vadd.f32 v51, v14;
	v54 =	vmul.f32 $5.000000000e-01, v8;
	v8 =	vmul.f32 v55, v3  }
0x1b0: {  	(erf) = vrcp.f32 v18;
	v16 =	vadd.f32 v53, v16  }
0x1b1: {  	v13 =	vadd.f32 v21, v13;
	v14 =	vmul.f32 $5.000000000e-01, v14;
	v8 =	vadd.f32 v8, v20  }
0x1b2: {  	(erf) = vrcp.f32 v54;
	v16 =	vmul.f32 $5.000000000e-01, v16  }
0x1b3: {  	v13 =	vmul.f32 $5.000000000e-01, v13;
	(erf) = vrcp.f32 v14  }
0x1b4: {  	(erf) = vrcp.f32 v16  }
0x1b5: {  	(erf) = vrcp.f32 v13;
	v56 =	vmul.f32 $5.000000000e-01, v8;
	v8 =	vpop (erf)  }
0x1b6: {  	v57 =	vpop (erf)  }
0x1b7: {  	(erf) = vrcp.f32 v56;
	v20 =	vmul.f32 v57, v5;
	_ =	sdelay $0x1  }
0x1b8: {  	v58 =	vpop (erf);
	v17 =	vadd.f32 v20, v17  }
0x1b9: {  	v21 =	vmul.f32 v58, v9;
	v59 =	vpop (erf)  }
0x1ba: {  	v60 =	vpop (erf);
	v17 =	vmul.f32 $5.000000000e-01, v17  }
0x1bb: {  	v20 =	vmul.f32 v59, v4;
	v15 =	vadd.f32 v21, v15;
	v61 =	vpop (erf)  }
0x1bc: {  	v62 =	vmul.f32 v60, v2;
	v63 =	vpop (erf);
	(erf) = vrcp.f32 v17  }
0x1bd: {  	v18 =	vadd.f32 v20, v18;
	v15 =	vmul.f32 $5.000000000e-01, v15;
	v28 =	vpop (erf);
	v29 =	vmul.f32 v63, v6  }
0x1be: {  	v31 =	vmul.f32 v61, v11;
	v20 =	vadd.f32 v62, v54;
	v30 =	vmul.f32 v28, v7  }
0x1bf: {  	v18 =	vmul.f32 $5.000000000e-01, v18;
	(erf) = vrcp.f32 v15;
	v6 =	vadd.f32 v29, v16;
	v32 =	vpop (erf)  }
0x1c0: {  	v20 =	vmul.f32 $5.000000000e-01, v20;
	v13 =	vadd.f32 v30, v13;
	v16 =	vmul.f32 v32, v3  }
0x1c1: {  	v14 =	vadd.f32 v31, v14;
	(erf) = vrcp.f32 v18;
	v6 =	vmul.f32 $5.000000000e-01, v6  }
0x1c2: {  	(erf) = vrcp.f32 v20;
	v13 =	vmul.f32 $5.000000000e-01, v13;
	v16 =	vadd.f32 v16, v56  }
0x1c3: {  	v14 =	vmul.f32 $5.000000000e-01, v14;
	(erf) = vrcp.f32 v6  }
0x1c4: {  	(erf) = vrcp.f32 v13;
	v16 =	vmul.f32 $5.000000000e-01, v16  }
0x1c5: {  	(erf) = vrcp.f32 v14;
	v33 =	vpop (erf)  }
0x1c6: {  	(erf) = vrcp.f32 v16;
	v6 =	vmul.f32 v33, v5;
	_ =	sdelay $0x1  }
0x1c7: {  	v6 =	vadd.f32 v6, v17  }
0x1c8: {  	v34 =	vpop (erf)  }
0x1c9: {  	v35 =	vpop (erf)  }
0x1ca: {  	v17 =	vmul.f32 v35, v4;
	v36 =	vpop (erf)  }
0x1cb: {  	v19 =	vmul.f32 v34, v9;
	v37 =	vmul.f32 $5.000000000e-01, v6;
	v6 =	vpop (erf)  }
0x1cc: {  	v38 =	vmul.f32 v36, v2;
	v17 =	vadd.f32 v17, v18;
	v39 =	vpop (erf)  }
0x1cd: {  	v15 =	vadd.f32 v19, v15;
	(erf) = vrcp.f32 v37;
	v40 =	vpop (erf);
	v21 =	vmul.f32 v39, v7  }
0x1ce: {  	v18 =	vadd.f32 v38, v20;
	v17 =	vmul.f32 $5.000000000e-01, v17;
	v19 =	vmul.f32 v40, v11;
	v41 =	vpop (erf)  }
0x1cf: {  	v15 =	vmul.f32 $5.000000000e-01, v15;
	v13 =	vadd.f32 v21, v13;
	v20 =	vmul.f32 v41, v3  }
0x1d0: {  	v18 =	vmul.f32 $5.000000000e-01, v18;
	(erf) = vrcp.f32 v17;
	v14 =	vadd.f32 v19, v14  }
0x1d1: {  	(erf) = vrcp.f32 v15;
	v13 =	vmul.f32 $5.000000000e-01, v13;
	v16 =	vadd.f32 v20, v16  }
0x1d2: {  	(erf) = vrcp.f32 v18;
	v14 =	vmul.f32 $5.000000000e-01, v14  }
0x1d3: {  	(erf) = vrcp.f32 v13;
	v16 =	vmul.f32 $5.000000000e-01, v16  }
0x1d4: {  	(erf) = vrcp.f32 v14  }
0x1d5: {  	(erf) = vrcp.f32 v16;
	_ =	sdelay $0x1  }
0x1d6: {  	v42 =	vpop (erf)  }
0x1d7: {  	v19 =	vmul.f32 v42, v5  }
0x1d8: {  	v43 =	vpop (erf)  }
0x1d9: {  	v19 =	vadd.f32 v19, v37;
	v44 =	vpop (erf)  }
0x1da: {  	v45 =	vmul.f32 v43, v4;
	v46 =	vpop (erf)  }
0x1db: {  	v21 =	vmul.f32 v44, v9;
	v19 =	vmul.f32 $5.000000000e-01, v19;
	v47 =	vpop (erf)  }
0x1dc: {  	v4 =	vadd.f32 v45, v17;
	v48 =	vmul.f32 v46, v2;
	v49 =	vpop (erf)  }
0x1dd: {  	v15 =	vadd.f32 v21, v15;
	(erf) = vrcp.f32 v19;
	v50 =	vmul.f32 v47, v7;
	v51 =	vpop (erf)  }
0x1de: {  	v4 =	vmul.f32 $5.000000000e-01, v4;
	v17 =	vadd.f32 v48, v18;
	v52 =	vmul.f32 v51, v3  }
0x1df: {  	v15 =	vmul.f32 $5.000000000e-01, v15;
	v20 =	vmul.f32 v49, v11;
	v13 =	vadd.f32 v50, v13  }
0x1e0: {  	(erf) = vrcp.f32 v4;
	v17 =	vmul.f32 $5.000000000e-01, v17;
	v53 =	vadd.f32 v52, v16  }
0x1e1: {  	(erf) = vrcp.f32 v15;
	v14 =	vadd.f32 v20, v14;
	v13 =	vmul.f32 $5.000000000e-01, v13  }
0x1e2: {  	(erf) = vrcp.f32 v17;
	v16 =	vmul.f32 $5.000000000e-01, v53  }
0x1e3: {  	v14 =	vmul.f32 $5.000000000e-01, v14;
	(erf) = vrcp.f32 v13  }
0x1e4: {  	(erf) = vrcp.f32 v16  }
0x1e5: {  	(erf) = vrcp.f32 v14;
	_ =	sdelay $0x1  }
0x1e6: {  	v54 =	vpop (erf)  }
0x1e7: {  	v18 =	vmul.f32 v54, v5  }
0x1e8: {  	v4 =	vpop (erf)  }
0x1e9: {  	v55 =	vpop (erf);
	v18 =	vadd.f32 v18, v19  }
0x1ea: {  	v20 =	vmul.f32 v55, v9;
	v56 =	vpop (erf)  }
0x1eb: {  	v57 =	vmul.f32 v56, v2;
	v18 =	vmul.f32 $5.000000000e-01, v18;
	v58 =	vpop (erf)  }
0x1ec: {  	v15 =	vadd.f32 v20, v15;
	v59 =	vmul.f32 v58, v7;
	v60 =	vpop (erf)  }
0x1ed: {  	v17 =	vadd.f32 v57, v17;
	(erf) = vrcp.f32 v18;
	v61 =	vpop (erf);
	v3 =	vmul.f32 v60, v3  }
0x1ee: {  	v15 =	vmul.f32 $5.000000000e-01, v15;
	v13 =	vadd.f32 v59, v13;
	v19 =	vmul.f32 v61, v11  }
0x1ef: {  	v17 =	vmul.f32 $5.000000000e-01, v17;
	v3 =	vadd.f32 v3, v16  }
0x1f0: {  	(erf) = vrcp.f32 v15;
	v13 =	vmul.f32 $5.000000000e-01, v13;
	v14 =	vadd.f32 v19, v14  }
0x1f1: {  	(erf) = vrcp.f32 v17;
	v3 =	vmul.f32 $5.000000000e-01, v3  }
0x1f2: {  	(erf) = vrcp.f32 v13;
	v14 =	vmul.f32 $5.000000000e-01, v14  }
0x1f3: {  	(erf) = vrcp.f32 v3  }
0x1f4: {  	(erf) = vrcp.f32 v14;
	_ =	sdelay $0x2  }
0x1f5: {  	v3 =	vpop (erf)  }
0x1f6: {  	v3 =	vmul.f32 v3, v5  }
0x1f7: {  	v62 =	vpop (erf)  }
0x1f8: {  	v63 =	vpop (erf)  }
0x1f9: {  	v16 =	vmul.f32 v62, v9;
	v24 =	vpop (erf)  }
0x1fa: {  	v18 =	vadd.f32 v3, v18;
	v19 =	vmul.f32 v63, v2;
	v3 =	vpop (erf)  }
0x1fb: {  	v15 =	vadd.f32 v16, v15;
	v25 =	vmul.f32 v24, v7;
	v26 =	vpop (erf)  }
0x1fc: {  	v18 =	vmul.f32 $5.000000000e-01, v18;
	v17 =	vadd.f32 v19, v17;
	v27 =	vmul.f32 v26, v11  }
0x1fd: {  	v15 =	vmul.f32 $5.000000000e-01, v15;
	v13 =	vadd.f32 v25, v13  }
0x1fe: {  	(erf) = vrcp.f32 v18;
	v28 =	vmul.f32 $5.000000000e-01, v17;
	v14 =	vadd.f32 v27, v14  }
0x1ff: {  	(erf) = vrcp.f32 v15;
	v13 =	vmul.f32 $5.000000000e-01, v13  }
0x200: {  	(erf) = vrcp.f32 v28;
	v14 =	vmul.f32 $5.000000000e-01, v14  }
0x201: {  	(erf) = vrcp.f32 v13  }
0x202: {  	(erf) = vrcp.f32 v14;
	_ =	sdelay $0x4  }
0x203: {  	v29 =	vpop (erf)  }
0x204: {  	v17 =	vmul.f32 v29, v5;
	v30 =	vpop (erf)  }
0x205: {  	v19 =	vmul.f32 v30, v9;
	v31 =	vpop (erf)  }
0x206: {  	v17 =	vadd.f32 v17, v18;
	v2 =	vmul.f32 v31, v2;
	v32 =	vpop (erf)  }
0x207: {  	v15 =	vadd.f32 v19, v15;
	v18 =	vmul.f32 v32, v7;
	v33 =	vpop (erf)  }
0x208: {  	v17 =	vmul.f32 $5.000000000e-01, v17;
	v2 =	vadd.f32 v2, v28;
	v34 =	vmul.f32 v33, v11  }
0x209: {  	v15 =	vmul.f32 $5.000000000e-01, v15;
	v13 =	vadd.f32 v18, v13  }
0x20a: {  	(erf) = vrcp.f32 v17;
	v2 =	vmul.f32 $5.000000000e-01, v2;
	v14 =	vadd.f32 v34, v14  }
0x20b: {  	(erf) = vrcp.f32 v15;
	v13 =	vmul.f32 $5.000000000e-01, v13  }
0x20c: {  	(erf) = vrcp.f32 v2;
	v2 =	vmul.f32 $5.000000000e-01, v14  }
0x20d: {  	(erf) = vrcp.f32 v13  }
0x20e: {  	(erf) = vrcp.f32 v2;
	_ =	sdelay $0x4  }
0x20f: {  	v35 =	vpop (erf)  }
0x210: {  	v36 =	vpop (erf)  }
0x211: {  	v14 =	vmul.f32 v35, v5;
	v37 =	vpop (erf)  }
0x212: {  	v16 =	vmul.f32 v36, v9;
	v38 =	vpop (erf)  }
0x213: {  	v14 =	vadd.f32 v14, v17;
	v39 =	vmul.f32 v38, v7;
	v40 =	vpop (erf)  }
0x214: {  	v15 =	vadd.f32 v16, v15;
	v41 =	vmul.f32 v40, v11  }
0x215: {  	v14 =	vmul.f32 $5.000000000e-01, v14;
	v13 =	vadd.f32 v39, v13  }
0x216: {  	v15 =	vmul.f32 $5.000000000e-01, v15;
	v2 =	vadd.f32 v41, v2  }
0x217: {  	(erf) = vrcp.f32 v14;
	v13 =	vmul.f32 $5.000000000e-01, v13  }
0x218: {  	(erf) = vrcp.f32 v15;
	v2 =	vmul.f32 $5.000000000e-01, v2  }
0x219: {  	(erf) = vrcp.f32 v13  }
0x21a: {  	(erf) = vrcp.f32 v2;
	_ =	sdelay $0x5  }
0x21b: {  	v42 =	vpop (erf)  }
0x21c: {  	v43 =	vmul.f32 v42, v5;
	v44 =	vpop (erf)  }
0x21d: {  	v16 =	vmul.f32 v44, v9;
	v45 =	vpop (erf)  }
0x21e: {  	v5 =	vadd.f32 v43, v14;
	v46 =	vmul.f32 v45, v7;
	v47 =	vpop (erf)  }
0x21f: {  	v15 =	vadd.f32 v16, v15;
	v48 =	vmul.f32 v47, v11  }
0x220: {  	v5 =	vmul.f32 $5.000000000e-01, v5;
	v13 =	vadd.f32 v46, v13  }
0x221: {  	v49 =	vmul.f32 $5.000000000e-01, v15;
	v2 =	vadd.f32 v48, v2  }
0x222: {  	(erf) = vrcp.f32 v5;
	v50 =	vmul.f32 $5.000000000e-01, v13  }
0x223: {  	(erf) = vrcp.f32 v49;
	v2 =	vmul.f32 $5.000000000e-01, v2  }
0x224: {  	(erf) = vrcp.f32 v50  }
0x225: {  	(erf) = vrcp.f32 v2;
	_ =	sdelay $0x5  }
0x226: {  	v51 =	vpop (erf)  }
0x227: {  	v52 =	vpop (erf)  }
0x228: {  	v15 =	vmul.f32 v52, v9;
	v53 =	vpop (erf)  }
0x229: {  	v54 =	vmul.f32 v53, v7;
	v55 =	vpop (erf)  }
0x22a: {  	v14 =	vadd.f32 v15, v49;
	v56 =	vmul.f32 v55, v11  }
0x22b: {  	v5 =	vadd.f32 v54, v50  }
0x22c: {  	v57 =	vmul.f32 $5.000000000e-01, v14;
	v2 =	vadd.f32 v56, v2  }
0x22d: {  	v5 =	vmul.f32 $5.000000000e-01, v5  }
0x22e: {  	(erf) = vrcp.f32 v57;
	v2 =	vmul.f32 $5.000000000e-01, v2  }
0x22f: {  	(erf) = vrcp.f32 v5  }
0x230: {  	(erf) = vrcp.f32 v2;
	_ =	sdelay $0x6  }
0x231: {  	v58 =	vpop (erf)  }
0x232: {  	v59 =	vpop (erf)  }
0x233: {  	v5 =	vmul.f32 v58, v9;
	v60 =	vpop (erf)  }
0x234: {  	v15 =	vmul.f32 v60, v11  }
0x235: {  	v5 =	vadd.f32 v5, v57  }
0x236: {  	v2 =	vadd.f32 v15, v2  }
0x237: {  	v5 =	vmul.f32 $5.000000000e-01, v5  }
0x238: {  	v2 =	vmul.f32 $5.000000000e-01, v2  }
0x239: {  	(erf) = vrcp.f32 v5  }
0x23a: {  	(erf) = vrcp.f32 v2;
	_ =	sdelay $0x7  }
0x23b: {  	v61 =	vpop (erf)  }
0x23c: {  	v7 =	vmul.f32 v61, v9;
	v62 =	vpop (erf)  }
0x23d: {  	v9 =	vmul.f32 v62, v11  }
0x23e: {  	v5 =	vadd.f32 v7, v5  }
0x23f: {  	v2 =	vadd.f32 v9, v2  }
0x240: {  	v5 =	vmul.f32 $5.000000000e-01, v5  }
0x241: {  	v2 =	vmul.f32 $5.000000000e-01, v2  }
0x242: {  	(erf) = vrcp.f32 v5  }
0x243: {  	(erf) = vrcp.f32 v2;
	_ =	sdelay $0x7  }
0x244: {  	v5 =	vpop (erf)  }
0x245: {  	v63 =	vpop (erf)  }
0x246: {  	v7 =	vmul.f32 v63, v11;
	_ =	sdelay $0x1  }
0x247: {  	v2 =	vadd.f32 v7, v2;
	_ =	sdelay $0x1  }
0x248: {  	v2 =	vmul.f32 $5.000000000e-01, v2;
	_ =	sdelay $0x1  }
0x249: {  	[tilespmem:s8+$0xF500] =	vst v12;
	(erf) = vrcp.f32 v2  }
0x24a: {  	[tilespmem:s10+$0xF500] =	vst v10  }
0x24b: {  	[tilespmem:s11+$0xF500] =	vst v8  }
0x24c: {  	[tilespmem:s13+$0xF500] =	vst v6  }
0x24d: {  	[tilespmem:s14+$0xF500] =	vst v4  }
0x24e: {  	[tilespmem:s15+$0xF500] =	vst v3  }
0x24f: {  	[tilespmem:s16+$0xF500] =	vst v37  }
0x250: {  	[tilespmem:s1+$0xF500] =	vst v51  }
0x251: {  	[tilespmem:s5+$0xF500] =	vst v59  }
0x252: {  	[tilespmem:s9+$0xF500] =	vst v5;
	v2 =	vpop (erf)  }
0x253: {  	s7 =	simm.s32 $0xF780;
	s16 =	rddreg [dreg:$0xa];
	s1 =	simm.s32 $0x0;
	[tilespmem:s12+$0xF500] =	vst v2  }
0x254: {  	[tilespmem:s7], [sflag:$0xA] =	stream.linear.gather [hbm4b:s16+s1], $0x2800, $0x38;
	[tilespmem:$0x16800] =	vst v63  }
0x255: {  	_ =	swait.ge [sflag:s18], $0x2800  }
0x256: {  	[sflag:s18] =	ssyncset.done $0x0  }
0x257: {  	s5 =	simm.s32 $0xF500;
	[sflag:s18] =	ssyncadd.s32 $0xFFFFD800  }
.LBB2_10:
0x258: {  	v2 =	vld [tilespmem:s5+$0x0];
	_ =	sdelay $0x4  }
0x259: {  	v3 =	vnsel vm0, $0x0, v2  }
0x25a: {  	(xrf2) =	vadd.scan.msk.f32 $0xffff, v3  }
0x25b: {  	v3 =	vsel vm1, $0x0, v2  }
0x25c: {  	(xrf2) =	vadd.scan.msk.f32 $0xffff, v3  }
0x25d: {  	v3 =	vsel vm2, $0x0, v2  }
0x25e: {  	(xrf2) =	vadd.scan.msk.f32 $0xffff, v3  }
0x25f: {  	v3 =	vsel vm3, $0x0, v2  }
0x260: {  	(xrf2) =	vadd.scan.msk.f32 $0xffff, v3  }
0x261: {  	s8 =	sshra.s32 s1, $0x2;
	v3 =	vsel vm4, $0x0, v2  }
0x262: {  	v4 =	vld [tilespmem:s8+$0xF780];
	(xrf2) =	vadd.scan.msk.f32 $0xffff, v3  }
0x263: {  	v3 =	vsel vm5, $0x0, v2  }
0x264: {  	v6 =	vld [tilespmem:s8+$0xF790];
	v5, _, _ =	vpop (xrf2);
	(xrf2) =	vadd.scan.msk.f32 $0xffff, v3  }
0x265: {  	v15 =	vsel vm6, $0x0, v2;
	v3 =	vbroadcast v5, $0xF  }
0x266: {  	v8 =	vld [tilespmem:s8+$0xF7A0];
	v7, _, _ =	vpop (xrf2);
	(xrf2) =	vadd.scan.msk.f32 $0xffff, v15  }
0x267: {  	v17 =	vsel vm7, $0x0, v2;
	v16 =	vbroadcast v7, $0xF;
	v4 =	vmul.f32 v3, v4  }
0x268: {  	v18 =	vld [tilespmem:s8+$0xF7B0];
	v9, _, _ =	vpop (xrf2);
	(xrf2) =	vadd.scan.msk.f32 $0xffff, v17;
	v3 =	vadd.f32 $0.0e+00, v3  }
0x269: {  	v21 =	vsel vm8, $0x0, v2;
	v20 =	vbroadcast v9, $0xF;
	v19 =	vmul.f32 v16, v6;
	[tilespmem:s8+$0xF780] =	vst v4  }
0x26a: {  	v23 =	vld [tilespmem:s8+$0xF7C0];
	v22, _, _ =	vpop (xrf2);
	(xrf2) =	vadd.scan.msk.f32 $0xffff, v21;
	[tilespmem:s8+$0x11F80] =	vst v3;
	v3 =	vadd.f32 $0.0e+00, v16  }
0x26b: {  	v25 =	vsel vm9, $0x0, v2;
	v5 =	vbroadcast v22, $0xF;
	v24 =	vmul.f32 v8, v20;
	[tilespmem:s8+$0xF790] =	vst v19  }
0x26c: {  	v27 =	vld [tilespmem:s8+$0xF7D0];
	v26, _, _ =	vpop (xrf2);
	(xrf2) =	vadd.scan.msk.f32 $0xffff, v25;
	[tilespmem:s8+$0x11F90] =	vst v3;
	v3 =	vadd.f32 $0.0e+00, v20  }
0x26d: {  	v29 =	vsel vm10, $0x0, v2;
	v6 =	vbroadcast v26, $0xF;
	v28 =	vmul.f32 v18, v5;
	[tilespmem:s8+$0xF7A0] =	vst v24  }
0x26e: {  	v31 =	vld [tilespmem:s8+$0xF7E0];
	[tilespmem:s8+$0x11FA0] =	vst v3;
	v3 =	vadd.f32 $0.0e+00, v5;
	v30, _, _ =	vpop (xrf2);
	(xrf2) =	vadd.scan.msk.f32 $0xffff, v29  }
0x26f: {  	v33 =	vsel vm11, $0x0, v2;
	v32 =	vmul.f32 v23, v6;
	[tilespmem:s8+$0xF7B0] =	vst v28;
	v5 =	vbroadcast v30, $0xF  }
0x270: {  	v35 =	vld [tilespmem:s8+$0xF7F0];
	[tilespmem:s8+$0x11FB0] =	vst v3;
	v3 =	vadd.f32 $0.0e+00, v6;
	v34, _, _ =	vpop (xrf2);
	(xrf2) =	vadd.scan.msk.f32 $0xffff, v33  }
0x271: {  	v37 =	vsel vm12, $0x0, v2;
	[tilespmem:s8+$0xF7C0] =	vst v32;
	v6 =	vbroadcast v34, $0xF;
	v36 =	vmul.f32 v27, v5  }
0x272: {  	v39 =	vld [tilespmem:s8+$0xF800];
	v38, _, _ =	vpop (xrf2);
	(xrf2) =	vadd.scan.msk.f32 $0xffff, v37;
	[tilespmem:s8+$0x11FC0] =	vst v3;
	v3 =	vadd.f32 $0.0e+00, v5  }
0x273: {  	v41 =	vsel vm13, $0x0, v2;
	v5 =	vbroadcast v38, $0xF;
	v40 =	vmul.f32 v31, v6;
	[tilespmem:s8+$0xF7D0] =	vst v36  }
0x274: {  	v43 =	vld [tilespmem:s8+$0xF810];
	v42, _, _ =	vpop (xrf2);
	(xrf2) =	vadd.scan.msk.f32 $0xffff, v41;
	[tilespmem:s8+$0x11FD0] =	vst v3;
	v3 =	vadd.f32 $0.0e+00, v6  }
0x275: {  	v45 =	vsel vm14, $0x0, v2;
	v44 =	vmul.f32 v35, v5;
	v6 =	vbroadcast v42, $0xF;
	[tilespmem:s8+$0xF7E0] =	vst v40  }
0x276: {  	v47 =	vld [tilespmem:s8+$0xF820];
	v46, _, _ =	vpop (xrf2);
	(xrf2) =	vadd.scan.msk.f32 $0xffff, v45;
	[tilespmem:s8+$0x11FE0] =	vst v3;
	v3 =	vadd.f32 $0.0e+00, v5  }
0x277: {  	v2 =	vsel vm15, $0x0, v2;
	[tilespmem:s8+$0xF7F0] =	vst v44;
	v48 =	vmul.f32 v39, v6;
	v5 =	vbroadcast v46, $0xF  }
0x278: {  	[tilespmem:s8+$0x11FF0] =	vst v3;
	v3 =	vadd.f32 $0.0e+00, v6;
	v49, _, _ =	vpop (xrf2);
	(xrf2) =	vadd.scan.msk.f32 $0xffff, v2;
	v2 =	vld [tilespmem:s8+$0xF830]  }
0x279: {  	[tilespmem:s8+$0xF800] =	vst v48;
	v50 =	vmul.f32 v43, v5;
	v6 =	vbroadcast v49, $0xF  }
0x27a: {  	v52 =	vld [tilespmem:s8+$0xF840];
	v51, _, _ =	vpop (xrf2);
	[tilespmem:s8+$0x12000] =	vst v3;
	v3 =	vadd.f32 $0.0e+00, v5  }
0x27b: {  	[tilespmem:s8+$0xF810] =	vst v50;
	v7 =	vbroadcast v51, $0xF;
	v53 =	vmul.f32 v47, v6  }
0x27c: {  	v55 =	vld [tilespmem:s8+$0xF850];
	v54, _, _ =	vpop (xrf2);
	[tilespmem:s8+$0x12010] =	vst v3;
	v3 =	vadd.f32 $0.0e+00, v6  }
0x27d: {  	v56 =	vbroadcast v54, $0xF;
	[tilespmem:s8+$0xF820] =	vst v53;
	v2 =	vmul.f32 v2, v7  }
0x27e: {  	v58 =	vld [tilespmem:s8+$0xF860];
	v57, _, _ =	vpop (xrf2);
	[tilespmem:s8+$0x12020] =	vst v3;
	v3 =	vadd.f32 $0.0e+00, v7  }
0x27f: {  	v59 =	vbroadcast v57, $0xF;
	[tilespmem:s8+$0xF830] =	vst v2;
	v2 =	vmul.f32 v52, v56  }
0x280: {  	v61 =	vld [tilespmem:s8+$0xF870];
	v60, _, _ =	vpop (xrf2);
	[tilespmem:s8+$0x12030] =	vst v3;
	v3 =	vadd.f32 $0.0e+00, v56  }
0x281: {  	v62 =	vbroadcast v60, $0xF;
	[tilespmem:s8+$0xF840] =	vst v2;
	v2 =	vmul.f32 v55, v59  }
0x282: {  	[tilespmem:s8+$0x12040] =	vst v3;
	v3 =	vadd.f32 $0.0e+00, v59;
	v63, _, _ =	vpop (xrf2)  }
0x283: {  	p1 =	sne.s32 s1, $0x9C00;
	[tilespmem:s8+$0xF850] =	vst v2;
	v2 =	vmul.f32 v58, v62;
	v5 =	vbroadcast v63, $0xF  }
.Ltmp4:
0x284: {  	[tilespmem:s8+$0x12050] =	vst v3;
	v3 =	vadd.f32 $0.0e+00, v62;
	(pc) =	sbr.rel @p1 .LBB2_10-.Ltmp4, $4  }
0x285: {  	[tilespmem:s8+$0xF860] =	vst v2;
	v2 =	vmul.f32 v61, v5  }
0x286: {  	[tilespmem:s8+$0x12060] =	vst v3;
	v3 =	vadd.f32 $0.0e+00, v5  }
0x287: {  	[tilespmem:s8+$0xF870] =	vst v2  }
0x288: {  	s5 =	sadd.s32 $0x10, s5;
	s1 =	sadd.s32 $0x400, s1;
	[tilespmem:s8+$0x12070] =	vst v3  }
0x289: {  	s1 =	rddreg [dreg:$0xb];
	s8 =	stileid.u32  }
0x28a: {  	[spmem:s1] =	stream.linear.scatter [tilespmem:s7], [sflag:$0xA], $0x2800, $0x38;
	[tilespmem:$0x16800] =	vst v63  }
0x28b: {  	s1 =	sshll.u32 @p0 s8, $0x6;
	_ =	swait.ge [sflag:s18], $0x2800  }
0x28c: {  	s1 =	sor.u32 @p0 $0x1C0A, s1;
	[sflag:s18] =	ssyncset.done $0x0;
	s11 =	rddreg [dreg:$0xc]  }
0x28d: {  	s7 =	rddreg [dreg:$0xe];
	[sflag:s18] =	ssyncadd.s32 $0xFFFFD800;
	s5 =	sshrl.u32 @p0 s11, $0x3  }
0x28e: {  	[spmem:s5], [sflag:s1] =	dma.local @p0 [hbm:s7], $0x500  }
0x28f: {  	s1 =	simm.s32 @p0 $0xA  }
0x290: {  	_ =	swait.ge @p0 [sflag:s1], $0x500  }
0x291: {  	[sflag:s1] =	ssyncset.done @p0 $0x0  }
0x292: {  	[sflag:s1] =	ssyncadd.s32 @p0 $0xFFFFFB00;
	s1 =	simm.s32 @!p0 $0xF780  }
0x293: {  	[spmem:s11] =	stream.linear.scatter @!p0 [tilespmem:s1], [sflag:$0xA], $0x2800, $0x38;
	[tilespmem:$0x16800] =	vst v63  }
0x294: {  	s1 =	simm.s32 @!p0 $0xA  }
0x295: {  	_ =	swait.ge @!p0 [sflag:s1], $0x2800  }
0x296: {  	s5 =	simm.s32 @!p0 $0x0;
	[sflag:s1] =	ssyncset.done @!p0 $0x0  }
0x297: {  	s7 =	simm.s32 @!p0 $0x11F80;
	s9 =	rddreg [dreg:$0xd];
	[sflag:s1] =	ssyncadd.s32 @!p0 $0xFFFFD800  }
0x298: {  	[hbm4b:s9+s5] =	stream.linear.scatter @!p0 [tilespmem:s7], [sflag:$0xA], $0x2800, $0x38;
	[tilespmem:$0x16800] =	vst v63  }
0x299: {  	_ =	swait.ge @!p0 [sflag:s1], $0x2800  }
0x29a: {  	[sflag:s1] =	ssyncset.done @!p0 $0x0  }
0x29b: {  	[sflag:s1] =	ssyncadd.s32 @!p0 $0xFFFFD800  }
0x29c: {  	s9 =	simm.s32 $0xA280;
	[bflag:$0x0] =	sbarrier.arrive $0xFFFF  }
0x29d: {  	[tilespmem:s26], [sflag:$0x2] =	stream.indirect.gather [spmem:s3], $0x10, s9, s22, $0xb8;
	[tilespmem:$0x16800] =	vst v63  }
0x29e: {  	s15 =	simm.s32 $0xA300  }
0x29f: {  	[tilespmem:s29], [sflag:$0x3] =	stream.indirect.gather [spmem:s3], $0x10, s15, s22, $0xb8;
	[tilespmem:$0x16800] =	vst v63  }
0x2a0: {  	s16 =	simm.s32 $0xA380  }
0x2a1: {  	[tilespmem:s31], [sflag:$0x4] =	stream.indirect.gather [spmem:s3], $0x10, s16, s22, $0xb8;
	[tilespmem:$0x16800] =	vst v63  }
0x2a2: {  	s5 =	simm.s32 $0xA400  }
0x2a3: {  	[tilespmem:s17], [sflag:$0x5] =	stream.indirect.gather [spmem:s3], $0x10, s5, s22, $0xb8;
	[tilespmem:$0x16800] =	vst v63  }
0x2a4: {  	_ =	swait.ge [sflag:s20], $0x800  }
0x2a5: {  	[sflag:s20] =	ssyncset.done $0x0  }
0x2a6: {  	s7 =	simm.s32 $0xCA80;
	[sflag:s20] =	ssyncadd.s32 $0xFFFFF800  }
0x2a7: {  	[spmem:s4] =	stream.indirect.scatter.add.f32 [tilespmem:s26], [sflag:$0x6], $0x10, s7, s22, $0xb8;
	[tilespmem:$0x16800] =	vst v63  }
0x2a8: {  	_ =	swait.ge [sflag:s28], $0x800  }
0x2a9: {  	[sflag:s28] =	ssyncset.done $0x0  }
0x2aa: {  	s10 =	simm.s32 $0xCB00;
	[sflag:s28] =	ssyncadd.s32 $0xFFFFF800  }
0x2ab: {  	[spmem:s4] =	stream.indirect.scatter.add.f32 [tilespmem:s29], [sflag:$0x7], $0x10, s10, s22, $0xb8;
	[tilespmem:$0x16800] =	vst v63  }
0x2ac: {  	_ =	swait.ge [sflag:s30], $0x800  }
0x2ad: {  	[sflag:s30] =	ssyncset.done $0x0  }
0x2ae: {  	s12 =	simm.s32 $0xCB80;
	[sflag:s30] =	ssyncadd.s32 $0xFFFFF800  }
0x2af: {  	[spmem:s4] =	stream.indirect.scatter.add.f32 [tilespmem:s31], [sflag:$0x8], $0x10, s12, s22, $0xb8;
	[tilespmem:$0x16800] =	vst v63  }
0x2b0: {  	_ =	swait.ge [sflag:s0], $0x800  }
0x2b1: {  	[sflag:s0] =	ssyncset.done $0x0  }
0x2b2: {  	s13 =	simm.s32 $0xCC00;
	[sflag:s0] =	ssyncadd.s32 $0xFFFFF800  }
0x2b3: {  	[spmem:s4] =	stream.indirect.scatter.add.f32 [tilespmem:s17], [sflag:$0x9], $0x10, s13, s22, $0xb8;
	[tilespmem:$0x16800] =	vst v63  }
0x2b4: {  	_ =	swait.ge [sflag:s19], $0x800  }
0x2b5: {  	[sflag:s19] =	ssyncset.done $0x0  }
0x2b6: {  	s14 =	simm.s32 $0xA480;
	[sflag:s19] =	ssyncadd.s32 $0xFFFFF800  }
0x2b7: {  	[tilespmem:s26], [sflag:$0x2] =	stream.indirect.gather [spmem:s3], $0x10, s14, s22, $0xb8;
	[tilespmem:$0x16800] =	vst v63  }
0x2b8: {  	_ =	swait.ge [sflag:s21], $0x800  }
0x2b9: {  	[sflag:s21] =	ssyncset.done $0x0  }
0x2ba: {  	s15 =	simm.s32 $0xA500;
	[sflag:s21] =	ssyncadd.s32 $0xFFFFF800  }
0x2bb: {  	[tilespmem:s29], [sflag:$0x3] =	stream.indirect.gather [spmem:s3], $0x10, s15, s22, $0xb8;
	[tilespmem:$0x16800] =	vst v63  }
0x2bc: {  	_ =	swait.ge [sflag:s25], $0x800  }
0x2bd: {  	[sflag:s25] =	ssyncset.done $0x0  }
0x2be: {  	s16 =	simm.s32 $0xA580;
	[sflag:s25] =	ssyncadd.s32 $0xFFFFF800  }
0x2bf: {  	[tilespmem:s31], [sflag:$0x4] =	stream.indirect.gather [spmem:s3], $0x10, s16, s22, $0xb8;
	[tilespmem:$0x16800] =	vst v63  }
0x2c0: {  	_ =	swait.ge [sflag:s6], $0x800  }
0x2c1: {  	s1 =	simm.s32 $0x800;
	s5 =	simm.s32 $0xA600;
	[sflag:s6] =	ssyncset.done $0x0  }
0x2c2: {  	s12 =	simm.s32 $0xF280;
	s10 =	rddreg [dreg:$0x9];
	[sflag:s6] =	ssyncadd.s32 $0xFFFFF800  }
.LBB2_12:
0x2c3: {  	[tilespmem:s17], [sflag:$0x5] =	stream.indirect.gather [spmem:s3], $0x10, s5, s22, $0xb8;
	[tilespmem:$0x16800] =	vst v63  }
0x2c4: {  	s5 =	smov.u32 s1  }
0x2c5: {  	p1 =	sne.s32 s1, $0x9000;
	s1 =	sadd.s32 $0x800, s1;
	_ =	swait.ge [sflag:s20], $0x800  }
0x2c6: {  	s5 =	sshra.s32 s5, $0x2;
	[sflag:s20] =	ssyncset.done $0x0  }
0x2c7: {  	s7 =	sadd.s32 $0xCA80, s5;
	[sflag:s20] =	ssyncadd.s32 $0xFFFFF800  }
0x2c8: {  	[spmem:s4] =	stream.indirect.scatter.add.f32 [tilespmem:s26], [sflag:$0x6], $0x10, s7, s22, $0xb8;
	[tilespmem:$0x16800] =	vst v63  }
0x2c9: {  	_ =	swait.ge [sflag:s28], $0x800  }
0x2ca: {  	[sflag:s28] =	ssyncset.done $0x0  }
0x2cb: {  	s7 =	sadd.s32 $0xCB00, s5;
	[sflag:s28] =	ssyncadd.s32 $0xFFFFF800  }
0x2cc: {  	[spmem:s4] =	stream.indirect.scatter.add.f32 [tilespmem:s29], [sflag:$0x7], $0x10, s7, s22, $0xb8;
	[tilespmem:$0x16800] =	vst v63  }
0x2cd: {  	_ =	swait.ge [sflag:s30], $0x800  }
0x2ce: {  	[sflag:s30] =	ssyncset.done $0x0  }
0x2cf: {  	s7 =	sadd.s32 $0xCB80, s5;
	[sflag:s30] =	ssyncadd.s32 $0xFFFFF800  }
0x2d0: {  	[spmem:s4] =	stream.indirect.scatter.add.f32 [tilespmem:s31], [sflag:$0x8], $0x10, s7, s22, $0xb8;
	[tilespmem:$0x16800] =	vst v63  }
0x2d1: {  	_ =	swait.ge [sflag:s0], $0x800  }
0x2d2: {  	[sflag:s0] =	ssyncset.done $0x0  }
0x2d3: {  	s7 =	sadd.s32 $0xCC00, s5;
	[sflag:s0] =	ssyncadd.s32 $0xFFFFF800  }
0x2d4: {  	[spmem:s4] =	stream.indirect.scatter.add.f32 [tilespmem:s17], [sflag:$0x9], $0x10, s7, s22, $0xb8;
	[tilespmem:$0x16800] =	vst v63  }
0x2d5: {  	_ =	swait.ge [sflag:s19], $0x800  }
0x2d6: {  	[sflag:s19] =	ssyncset.done $0x0  }
0x2d7: {  	s7 =	sadd.s32 $0xA480, s5;
	[sflag:s19] =	ssyncadd.s32 $0xFFFFF800  }
0x2d8: {  	[tilespmem:s26], [sflag:$0x2] =	stream.indirect.gather [spmem:s3], $0x10, s7, s22, $0xb8;
	[tilespmem:$0x16800] =	vst v63  }
0x2d9: {  	_ =	swait.ge [sflag:s21], $0x800  }
0x2da: {  	[sflag:s21] =	ssyncset.done $0x0  }
0x2db: {  	s7 =	sadd.s32 $0xA500, s5;
	[sflag:s21] =	ssyncadd.s32 $0xFFFFF800  }
0x2dc: {  	[tilespmem:s29], [sflag:$0x3] =	stream.indirect.gather [spmem:s3], $0x10, s7, s22, $0xb8;
	[tilespmem:$0x16800] =	vst v63  }
0x2dd: {  	_ =	swait.ge [sflag:s25], $0x800  }
0x2de: {  	[sflag:s25] =	ssyncset.done $0x0  }
.Ltmp5:
0x2df: {  	s7 =	sadd.s32 $0xA580, s5;
	[sflag:s25] =	ssyncadd.s32 $0xFFFFF800;
	(pc) =	sbr.rel @p1 .LBB2_12-.Ltmp5, $4  }
0x2e0: {  	[tilespmem:s31], [sflag:$0x4] =	stream.indirect.gather [spmem:s3], $0x10, s7, s22, $0xb8;
	[tilespmem:$0x16800] =	vst v63  }
0x2e1: {  	_ =	swait.ge [sflag:s6], $0x800  }
0x2e2: {  	[sflag:s6] =	ssyncset.done $0x0  }
0x2e3: {  	s5 =	sadd.s32 $0xA600, s5;
	[sflag:s6] =	ssyncadd.s32 $0xFFFFF800  }
0x2e4: {  	[tilespmem:s17], [sflag:$0x5] =	stream.indirect.gather [spmem:s3], $0x10, s5, s22, $0xb8;
	[tilespmem:$0x16800] =	vst v63  }
0x2e5: {  	_ =	swait.ge [sflag:s20], $0x800  }
0x2e6: {  	[sflag:s20] =	ssyncset.done $0x0  }
0x2e7: {  	s1 =	simm.s32 $0xF080;
	[sflag:s20] =	ssyncadd.s32 $0xFFFFF800  }
0x2e8: {  	[spmem:s4] =	stream.indirect.scatter.add.f32 [tilespmem:s26], [sflag:$0x6], $0x10, s1, s22, $0xb8;
	[tilespmem:$0x16800] =	vst v63  }
0x2e9: {  	_ =	swait.ge [sflag:s28], $0x800  }
0x2ea: {  	[sflag:s28] =	ssyncset.done $0x0  }
0x2eb: {  	s16 =	simm.s32 $0xF100;
	[sflag:s28] =	ssyncadd.s32 $0xFFFFF800  }
0x2ec: {  	[spmem:s4] =	stream.indirect.scatter.add.f32 [tilespmem:s29], [sflag:$0x7], $0x10, s16, s22, $0xb8;
	[tilespmem:$0x16800] =	vst v63  }
0x2ed: {  	_ =	swait.ge [sflag:s30], $0x800  }
0x2ee: {  	[sflag:s30] =	ssyncset.done $0x0  }
0x2ef: {  	s5 =	simm.s32 $0xF180;
	[sflag:s30] =	ssyncadd.s32 $0xFFFFF800  }
0x2f0: {  	[spmem:s4] =	stream.indirect.scatter.add.f32 [tilespmem:s31], [sflag:$0x8], $0x10, s5, s22, $0xb8;
	[tilespmem:$0x16800] =	vst v63  }
0x2f1: {  	_ =	swait.ge [sflag:s0], $0x800  }
0x2f2: {  	[sflag:s0] =	ssyncset.done $0x0  }
0x2f3: {  	s7 =	simm.s32 $0xF200;
	[sflag:s0] =	ssyncadd.s32 $0xFFFFF800  }
0x2f4: {  	[spmem:s4] =	stream.indirect.scatter.add.f32 [tilespmem:s17], [sflag:$0x9], $0x10, s7, s22, $0xb8;
	[tilespmem:$0x16800] =	vst v63  }
0x2f5: {  	_ =	swait.ge [sflag:s19], $0x800  }
0x2f6: {  	[sflag:s19] =	ssyncset.done $0x0  }
0x2f7: {  	[sflag:s19] =	ssyncadd.s32 $0xFFFFF800  }
0x2f8: {  	_ =	swait.ge [sflag:s21], $0x800  }
0x2f9: {  	[sflag:s21] =	ssyncset.done $0x0  }
0x2fa: {  	[sflag:s21] =	ssyncadd.s32 $0xFFFFF800  }
0x2fb: {  	_ =	swait.ge [sflag:s25], $0x800  }
0x2fc: {  	[sflag:s25] =	ssyncset.done $0x0  }
0x2fd: {  	[sflag:s25] =	ssyncadd.s32 $0xFFFFF800  }
0x2fe: {  	_ =	swait.ge [sflag:s6], $0x800  }
0x2ff: {  	[sflag:s6] =	ssyncset.done $0x0  }
0x300: {  	[sflag:s6] =	ssyncadd.s32 $0xFFFFF800  }
0x301: {  	s13 =	sshll.u32 s8, $0x6;
	[bflag:$0x0] =	sbarrier.arrive $0xFFFF  }
0x302: {  	s14 =	sshrl.u32 s11, $0x3;
	s1 =	sor.u32 $0x1C0A, s13;
	s7 =	rddreg [dreg:$0xf]  }
0x303: {  	[hbm:s7], [sflag:s1] =	dma.local [spmem:s14], $0x500  }
0x304: {  	_ =	swait.ge [sflag:s18], $0x500  }
0x305: {  	s15 =	rddreg [dreg:$0x11]  }
0x306: {  	s16 =	rddreg [dreg:$0x10];
	s5 =	sadd.s32 $0x1, s15  }
0x307: {  	p1 =	sne.s32 s5, s16  }
.Ltmp6:
0x308: {  	_ = 	snop;
	(pc) =	sbr.rel @p1 .LBB2_1-.Ltmp6, $3  }
0x309: {  	_ =	sdelay $0x1  }
0x30a: {  	[sflag:s18] =	ssyncset.done $0x0  }
0x30b: {  	[sflag:s18] =	ssyncadd.s32 $0xFFFFFB00  }
0x30c: {  	_ =	sfence.sel $0x180000  }
0x30d: {  	[bflag:$0x0] =	sbarrier.arrive $0xFFFF  }
0x30e: {  	_ =	strace $0x90000047  }
0x30f: {  	[bflag:$0x2] =	sbarrier.arrive $0xFFFF  }
0x310: {  	p0 =	sne.s32 s8, $0x0;
	s0 =	rddreg [dreg:$0x5]  }
0x311: {  	s0 =	sadd.s32 @!p0 $0x100000, s0  }
0x312: {  	[sflag:s0] =	ssyncadd.tile.s32 @!p0 $0x1;
	_ =	shalt  }
.Lfunc_end2:
_tile_overlayer_lowered:
.L_overlay_start_2:
0x313: {  	(tag) =	ssettag $0x2  }
0x314: {  	s0 =	rddreg [dreg:$0x0];
	s2 =	stileid.u32  }
0x315: {  	s1 =	rddreg [dreg:$0x1];
	p0 =	sne.s32 s2, $0x0  }
0x316: {  	s3 =	rddreg [dreg:$0x2];
	[bflag:$0x3] =	sbarrier.arrive $0xFFFF;
	s2 =	simm.s32 @!p0 $0x1C0A  }
0x317: {  	[timem:s3], [sflag:s2] =	dma.local @!p0 [hbm:s0], s1  }
0x318: {  	s0 =	simm.s32 @!p0 $0xA  }
0x319: {  	_ =	swait.ge @!p0 [sflag:s0], s1  }
0x31a: {  	s1 =	ssub.s32 @!p0 $0x0, s1;
	[sflag:s0] =	ssyncset.done @!p0 $0x0  }
0x31b: {  	[sflag:s0] =	ssyncadd.s32 @!p0 s1  }
0x31c: {  	[bflag:$0x3] =	sbarrier.arrive $0xFFFF  }
0x31d: {  	_ =	shalt  }

</sc_bundles>
